<compile_context>
chip_gen: v7x
topology: tpu7x:2x2x1
jax: 0.10.2.dev20260603
libtpu: 0.0.44.dev20260713+nightly
codegen_flags: <defaults>
</compile_context>

<pallas_src>
import jax
import jax.numpy as jnp
from jax import lax
from jax.experimental import pallas as pl
from jax.experimental.pallas import tpu as pltpu
from jax.experimental.pallas import tpu_sc as plsc

NC = 2
NS = 16
L = 16
NW = NC * NS

BATCH = 16384
FACTORS = 16
ROWS = 1000000
TILE = 128
BPW = BATCH // NW
G2 = BPW // L

_mesh = plsc.VectorSubcoreMesh(
    core_axis_name="c", subcore_axis_name="s", num_cores=NC, num_subcores=NS
)


HG = 8
HW_ = HG * TILE


def _body(user_hbm, item_hbm, ut_hbm, it_hbm, out_hbm,
          uidx_v, iidx_v, ubufA, ibufA, ubufB, ibufB, out_v, semA, semB):
    wid = lax.axis_index("s") * NC + lax.axis_index("c")
    base = wid * BPW

    pltpu.sync_copy(user_hbm.at[pl.ds(base, BPW)], uidx_v)
    pltpu.sync_copy(item_hbm.at[pl.ds(base, BPW)], iidx_v)

    lane = lax.iota(jnp.int32, L)
    jbase = (lane & (HG - 1)) * TILE

    def fire(iu, ii, lo, ub, ib, sem):
        for j in range(lo, lo + HG):
            uoff = pl.multiple_of((iu[j] >> 7) * TILE, TILE)
            ioff = pl.multiple_of((ii[j] >> 7) * TILE, TILE)
            dsl = pl.ds((j - lo) * TILE, TILE)
            for s in range(2):
                rsl = pl.ds(s * 8, 8)
                pltpu.async_copy(ut_hbm.at[rsl, pl.ds(uoff, TILE)],
                                 ub.at[rsl, dsl], sem)
                pltpu.async_copy(it_hbm.at[rsl, pl.ds(ioff, TILE)],
                                 ib.at[rsl, dsl], sem)

    def drain(ub, ib, sem):
        pltpu.make_async_copy(ut_hbm.at[:, pl.ds(0, HW_)], ub, sem).wait()
        pltpu.make_async_copy(it_hbm.at[:, pl.ds(0, HW_)], ib, sem).wait()

    def dot(iu, ii, ub, ib):
        ucols = jbase + (iu & (TILE - 1))
        icols = jbase + (ii & (TILE - 1))
        d0 = jnp.zeros((L,), jnp.int32)
        acc = plsc.load_gather(ub, [d0, ucols]) * plsc.load_gather(
            ib, [d0, icols])
        for d in range(1, FACTORS):
            dv = jnp.full((L,), d, jnp.int32)
            acc = acc + plsc.load_gather(ub, [dv, ucols]) * plsc.load_gather(
                ib, [dv, icols])
        return acc

    iu0 = uidx_v[pl.ds(0, L)]
    ii0 = iidx_v[pl.ds(0, L)]
    fire(iu0, ii0, 0, ubufA, ibufA, semA)

    def step(k, _):
        iu = uidx_v[pl.ds(k * L, L)]
        ii = iidx_v[pl.ds(k * L, L)]
        fire(iu, ii, HG, ubufB, ibufB, semB)
        drain(ubufA, ibufA, semA)
        accA = dot(iu, ii, ubufA, ibufA)

        @pl.when(k < G2 - 1)
        def _():
            iun = uidx_v[pl.ds((k + 1) * L, L)]
            iin = iidx_v[pl.ds((k + 1) * L, L)]
            fire(iun, iin, 0, ubufA, ibufA, semA)

        drain(ubufB, ibufB, semB)
        accB = dot(iu, ii, ubufB, ibufB)
        out_v[pl.ds(k * L, L)] = jnp.where(lane < HG, accA, accB)
        return 0

    lax.fori_loop(0, G2, step, 0)

    pltpu.sync_copy(out_v, out_hbm.at[pl.ds(base, BPW)])


_mf_kernel = pl.kernel(
    _body,
    out_type=jax.ShapeDtypeStruct((BATCH,), jnp.float32),
    mesh=_mesh,
    compiler_params=pltpu.CompilerParams(needs_layout_passes=False),
    scratch_types=[
        pltpu.VMEM((BPW,), jnp.int32),
        pltpu.VMEM((BPW,), jnp.int32),
        pltpu.VMEM((FACTORS, HW_), jnp.float32),
        pltpu.VMEM((FACTORS, HW_), jnp.float32),
        pltpu.VMEM((FACTORS, HW_), jnp.float32),
        pltpu.VMEM((FACTORS, HW_), jnp.float32),
        pltpu.VMEM((BPW,), jnp.float32),
        pltpu.SemaphoreType.DMA,
        pltpu.SemaphoreType.DMA,
    ],
)


@jax.jit
def kernel(user, item, user_factor, item_factor):
    return _mf_kernel(user, item, user_factor.T, item_factor.T)

# --- scband reference (transcript-rebuilt; emitter-appended) ---
"""Pipeline reference for scband-base-mf-64080912056462 (READ-ONLY COPY).

The authoritative reference and input builder live on the scoring server;
editing this copy changes nothing except your own understanding.
"""

import jax, jax.numpy as jnp
import numpy as np

USERS = 1000000
ITEMS = 1000000
FACTORS = 16
BATCH = 16384

def setup_inputs(seed: int = 0) -> dict:
    key = jax.random.key(seed)
    k1, k2, k3, k4 = jax.random.split(key, 4)
    user = jax.random.randint(k1, (BATCH,), 0, USERS, dtype=jnp.int64) if jax.config.jax_enable_x64 else jax.random.randint(k1, (BATCH,), 0, USERS, dtype=jnp.int32)
    item = jax.random.randint(k2, (BATCH,), 0, ITEMS, dtype=jnp.int64) if jax.config.jax_enable_x64 else jax.random.randint(k2, (BATCH,), 0, ITEMS, dtype=jnp.int32)
    user_factor = jax.random.normal(k3, (USERS, FACTORS), dtype=jnp.float32) * 0.01
    item_factor = jax.random.normal(k4, (ITEMS, FACTORS), dtype=jnp.float32) * 0.01
    return {"user": user, "item": item, "user_factor": user_factor, "item_factor": item_factor}

def reference(user, item, user_factor, item_factor):
    # BaseMF.forward: (user_factor(user) * item_factor(item)).sum(1)
    u = jnp.take(user_factor, user, axis=0)  # [B, factors]
    v = jnp.take(item_factor, item, axis=0)  # [B, factors]
    return (u * v).sum(axis=1)  # [B]

if __name__ == "__main__":
    import jax
    _d = setup_inputs()
    print(jax.jit(kernel)(*tuple(_d.values())))

</pallas_src>

<mosaic_0001>
#map = affine_map<(d0, d1) -> (0)>
#map1 = affine_map<(d0, d1) -> (0, 0)>
module attributes {stable_mosaic.version = 14 : i64} {
  func.func @_body(%arg0: i32, %arg1: i32, %arg2: memref<16384xi32, #tpu.memory_space<hbm>>, %arg3: memref<16384xi32, #tpu.memory_space<hbm>>, %arg4: memref<16x1000000xf32, #tpu.memory_space<hbm>>, %arg5: memref<16x1000000xf32, #tpu.memory_space<hbm>>, %arg6: memref<16384xf32, #tpu.memory_space<hbm>>, %arg7: memref<512xi32, #tpu.memory_space<vmem>>, %arg8: memref<512xi32, #tpu.memory_space<vmem>>, %arg9: memref<16x1024xf32, #tpu.memory_space<vmem>>, %arg10: memref<16x1024xf32, #tpu.memory_space<vmem>>, %arg11: memref<16x1024xf32, #tpu.memory_space<vmem>>, %arg12: memref<16x1024xf32, #tpu.memory_space<vmem>>, %arg13: memref<512xf32, #tpu.memory_space<vmem>>, %arg14: memref<!tpu.dma_semaphore, #tpu.memory_space<semaphore_mem>>, %arg15: memref<!tpu.dma_semaphore, #tpu.memory_space<semaphore_mem>>) attributes {dimension_semantics = [#tpu.dimension_semantics<core_parallel>, #tpu.dimension_semantics<subcore_parallel>], iteration_bounds = array<i64: 2, 16>, scalar_prefetch = 0 : i64, scratch_operands = 9 : i64, tpu.core_type = #tpu.core_type<sc_vector_subcore>, window_params = [{transform_indices = #map}, {transform_indices = #map}, {transform_indices = #map1}, {transform_indices = #map1}, {transform_indices = #map}]} {
    %mul3A = arith.constant 2 : i32
    %mul3A_0 = arith.muli %arg1, %mul3A : i32
    %add3A = arith.addi %mul3A_0, %arg0 : i32
    %mul3A_1 = arith.constant 512 : i32
    %mul3A_2 = arith.muli %add3A, %mul3A_1 : i32
    "tpu.region"() ({
      %run_scoped3A = tpu.sem_alloc : memref<!tpu.dma_semaphore, #tpu.memory_space<semaphore_mem>>
      %dma_start3A_444 = tpu.memref_slice %arg2[%mul3A_2] : memref<16384xi32, #tpu.memory_space<hbm>> -> memref<512xi32, #tpu.memory_space<hbm>>
      %dma_start3A_445 = tpu.memref_slice %arg2[%mul3A_2] : memref<16384xi32, #tpu.memory_space<hbm>> -> memref<512xi32, #tpu.memory_space<hbm>>
      tpu.enqueue_dma source(%dma_start3A_445 : memref<512xi32, #tpu.memory_space<hbm>>) target(%arg7 : memref<512xi32, #tpu.memory_space<vmem>>) target_semaphore(%run_scoped3A : memref<!tpu.dma_semaphore, #tpu.memory_space<semaphore_mem>>)
      %dma_wait3A = tpu.memref_slice %arg2[%mul3A_2] : memref<16384xi32, #tpu.memory_space<hbm>> -> memref<512xi32, #tpu.memory_space<hbm>>
      %dma_wait3A_446 = tpu.memref_slice %arg2[%mul3A_2] : memref<16384xi32, #tpu.memory_space<hbm>> -> memref<512xi32, #tpu.memory_space<hbm>>
      tpu.wait_dma2 semaphore(%run_scoped3A : memref<!tpu.dma_semaphore, #tpu.memory_space<semaphore_mem>>) src(%dma_wait3A_446 : memref<512xi32, #tpu.memory_space<hbm>>) dst(%arg7 : memref<512xi32, #tpu.memory_space<vmem>>)
      tpu.yield
    }) : () -> ()
    "tpu.region"() ({
      %run_scoped3A = tpu.sem_alloc : memref<!tpu.dma_semaphore, #tpu.memory_space<semaphore_mem>>
      %dma_start3A_444 = tpu.memref_slice %arg3[%mul3A_2] : memref<16384xi32, #tpu.memory_space<hbm>> -> memref<512xi32, #tpu.memory_space<hbm>>
      %dma_start3A_445 = tpu.memref_slice %arg3[%mul3A_2] : memref<16384xi32, #tpu.memory_space<hbm>> -> memref<512xi32, #tpu.memory_space<hbm>>
      tpu.enqueue_dma source(%dma_start3A_445 : memref<512xi32, #tpu.memory_space<hbm>>) target(%arg8 : memref<512xi32, #tpu.memory_space<vmem>>) target_semaphore(%run_scoped3A : memref<!tpu.dma_semaphore, #tpu.memory_space<semaphore_mem>>)
      %dma_wait3A = tpu.memref_slice %arg3[%mul3A_2] : memref<16384xi32, #tpu.memory_space<hbm>> -> memref<512xi32, #tpu.memory_space<hbm>>
      %dma_wait3A_446 = tpu.memref_slice %arg3[%mul3A_2] : memref<16384xi32, #tpu.memory_space<hbm>> -> memref<512xi32, #tpu.memory_space<hbm>>
      tpu.wait_dma2 semaphore(%run_scoped3A : memref<!tpu.dma_semaphore, #tpu.memory_space<semaphore_mem>>) src(%dma_wait3A_446 : memref<512xi32, #tpu.memory_space<hbm>>) dst(%arg8 : memref<512xi32, #tpu.memory_space<vmem>>)
      tpu.yield
    }) : () -> ()
    %iota3A = tpu.iota {dimensions = array<i32: 0>} : vector<16xi32>
    %and3A = arith.constant 7 : i32
    %and3A_3 = vector.broadcast %and3A : i32 to vector<16xi32>
    %and3A_4 = arith.andi %iota3A, %and3A_3 : vector<16xi32>
    %mul3A_5 = arith.constant 128 : i32
    %mul3A_6 = vector.broadcast %mul3A_5 : i32 to vector<16xi32>
    %mul3A_7 = arith.muli %and3A_4, %mul3A_6 : vector<16xi32>
    %get3A = arith.constant 0 : index
    %get3A_8 = tpu.vector_load %arg7[%get3A] {strides = array<i32>} : memref<512xi32, #tpu.memory_space<vmem>>, vector<16xi32>,
    %get3A_9 = arith.constant 0 : index
    %get3A_10 = tpu.vector_load %arg8[%get3A_9] {strides = array<i32>} : memref<512xi32, #tpu.memory_space<vmem>>, vector<16xi32>,
    %slice3A = vector.extract_strided_slice %get3A_8 {offsets = [0], sizes = [1], strides = [1]} : vector<16xi32> to vector<1xi32>
    %squeeze3A = vector.extract %slice3A[0] : i32 from vector<1xi32>
    %shift_right_arithmetic3A = arith.constant 7 : i32
    %shift_right_arithmetic3A_11 = arith.shrsi %squeeze3A, %shift_right_arithmetic3A : i32
    %mul3A_12 = arith.constant 128 : i32
    %mul3A_13 = arith.muli %shift_right_arithmetic3A_11, %mul3A_12 : i32
    %multiple_of3A = tpu.assume_multiple %mul3A_13, 128 : i32
    %slice3A_14 = vector.extract_strided_slice %get3A_10 {offsets = [0], sizes = [1], strides = [1]} : vector<16xi32> to vector<1xi32>
    %squeeze3A_15 = vector.extract %slice3A_14[0] : i32 from vector<1xi32>
    %shift_right_arithmetic3A_16 = arith.constant 7 : i32
    %shift_right_arithmetic3A_17 = arith.shrsi %squeeze3A_15, %shift_right_arithmetic3A_16 : i32
    %mul3A_18 = arith.constant 128 : i32
    %mul3A_19 = arith.muli %shift_right_arithmetic3A_17, %mul3A_18 : i32
    %multiple_of3A_20 = tpu.assume_multiple %mul3A_19, 128 : i32
    %dma_start3A = arith.constant 0 : i32
    %dma_start3A_21 = arith.constant 0 : i32
    %dma_start3A_22 = tpu.memref_slice %arg9[%dma_start3A, %dma_start3A_21] : memref<16x1024xf32, #tpu.memory_space<vmem>> -> memref<8x128xf32, #tpu.memory_space<vmem>>
    %dma_start3A_23 = arith.constant 0 : i32
    %dma_start3A_24 = tpu.memref_slice %arg4[%dma_start3A_23, %multiple_of3A] : memref<16x1000000xf32, #tpu.memory_space<hbm>> -> memref<8x128xf32, #tpu.memory_space<hbm>>
    %dma_start3A_25 = arith.constant 0 : i32
    %dma_start3A_26 = arith.constant 0 : i32
    %dma_start3A_27 = tpu.memref_slice %arg9[%dma_start3A_25, %dma_start3A_26] : memref<16x1024xf32, #tpu.memory_space<vmem>> -> memref<8x128xf32, #tpu.memory_space<vmem>>
    %dma_start3A_28 = arith.constant 0 : i32
    %dma_start3A_29 = tpu.memref_slice %arg4[%dma_start3A_28, %multiple_of3A] : memref<16x1000000xf32, #tpu.memory_space<hbm>> -> memref<8x128xf32, #tpu.memory_space<hbm>>
    tpu.enqueue_dma source(%dma_start3A_29 : memref<8x128xf32, #tpu.memory_space<hbm>>) target(%dma_start3A_27 : memref<8x128xf32, #tpu.memory_space<vmem>>) target_semaphore(%arg14 : memref<!tpu.dma_semaphore, #tpu.memory_space<semaphore_mem>>)
    %dma_start3A_30 = arith.constant 0 : i32
    %dma_start3A_31 = arith.constant 0 : i32
    %dma_start3A_32 = tpu.memref_slice %arg10[%dma_start3A_30, %dma_start3A_31] : memref<16x1024xf32, #tpu.memory_space<vmem>> -> memref<8x128xf32, #tpu.memory_space<vmem>>
    %dma_start3A_33 = arith.constant 0 : i32
    %dma_start3A_34 = tpu.memref_slice %arg5[%dma_start3A_33, %multiple_of3A_20] : memref<16x1000000xf32, #tpu.memory_space<hbm>> -> memref<8x128xf32, #tpu.memory_space<hbm>>
    %dma_start3A_35 = arith.constant 0 : i32
    %dma_start3A_36 = arith.constant 0 : i32
    %dma_start3A_37 = tpu.memref_slice %arg10[%dma_start3A_35, %dma_start3A_36] : memref<16x1024xf32, #tpu.memory_space<vmem>> -> memref<8x128xf32, #tpu.memory_space<vmem>>
    %dma_start3A_38 = arith.constant 0 : i32
    %dma_start3A_39 = tpu.memref_slice %arg5[%dma_start3A_38, %multiple_of3A_20] : memref<16x1000000xf32, #tpu.memory_space<hbm>> -> memref<8x128xf32, #tpu.memory_space<hbm>>
    tpu.enqueue_dma source(%dma_start3A_39 : memref<8x128xf32, #tpu.memory_space<hbm>>) target(%dma_start3A_37 : memref<8x128xf32, #tpu.memory_space<vmem>>) target_semaphore(%arg14 : memref<!tpu.dma_semaphore, #tpu.memory_space<semaphore_mem>>)
    %dma_start3A_40 = arith.constant 8 : i32
    %dma_start3A_41 = arith.constant 0 : i32
    %dma_start3A_42 = tpu.memref_slice %arg9[%dma_start3A_40, %dma_start3A_41] : memref<16x1024xf32, #tpu.memory_space<vmem>> -> memref<8x128xf32, #tpu.memory_space<vmem>>
    %dma_start3A_43 = arith.constant 8 : i32
    %dma_start3A_44 = tpu.memref_slice %arg4[%dma_start3A_43, %multiple_of3A] : memref<16x1000000xf32, #tpu.memory_space<hbm>> -> memref<8x128xf32, #tpu.memory_space<hbm>>
    %dma_start3A_45 = arith.constant 8 : i32
    %dma_start3A_46 = arith.constant 0 : i32
    %dma_start3A_47 = tpu.memref_slice %arg9[%dma_start3A_45, %dma_start3A_46] : memref<16x1024xf32, #tpu.memory_space<vmem>> -> memref<8x128xf32, #tpu.memory_space<vmem>>
    %dma_start3A_48 = arith.constant 8 : i32
    %dma_start3A_49 = tpu.memref_slice %arg4[%dma_start3A_48, %multiple_of3A] : memref<16x1000000xf32, #tpu.memory_space<hbm>> -> memref<8x128xf32, #tpu.memory_space<hbm>>
    tpu.enqueue_dma source(%dma_start3A_49 : memref<8x128xf32, #tpu.memory_space<hbm>>) target(%dma_start3A_47 : memref<8x128xf32, #tpu.memory_space<vmem>>) target_semaphore(%arg14 : memref<!tpu.dma_semaphore, #tpu.memory_space<semaphore_mem>>)
    %dma_start3A_50 = arith.constant 8 : i32
    %dma_start3A_51 = arith.constant 0 : i32
    %dma_start3A_52 = tpu.memref_slice %arg10[%dma_start3A_50, %dma_start3A_51] : memref<16x1024xf32, #tpu.memory_space<vmem>> -> memref<8x128xf32, #tpu.memory_space<vmem>>
    %dma_start3A_53 = arith.constant 8 : i32
    %dma_start3A_54 = tpu.memref_slice %arg5[%dma_start3A_53, %multiple_of3A_20] : memref<16x1000000xf32, #tpu.memory_space<hbm>> -> memref<8x128xf32, #tpu.memory_space<hbm>>
    %dma_start3A_55 = arith.constant 8 : i32
    %dma_start3A_56 = arith.constant 0 : i32
    %dma_start3A_57 = tpu.memref_slice %arg10[%dma_start3A_55, %dma_start3A_56] : memref<16x1024xf32, #tpu.memory_space<vmem>> -> memref<8x128xf32, #tpu.memory_space<vmem>>
    %dma_start3A_58 = arith.constant 8 : i32
    %dma_start3A_59 = tpu.memref_slice %arg5[%dma_start3A_58, %multiple_of3A_20] : memref<16x1000000xf32, #tpu.memory_space<hbm>> -> memref<8x128xf32, #tpu.memory_space<hbm>>
    tpu.enqueue_dma source(%dma_start3A_59 : memref<8x128xf32, #tpu.memory_space<hbm>>) target(%dma_start3A_57 : memref<8x128xf32, #tpu.memory_space<vmem>>) target_semaphore(%arg14 : memref<!tpu.dma_semaphore, #tpu.memory_space<semaphore_mem>>)
    %slice3A_60 = vector.extract_strided_slice %get3A_8 {offsets = [1], sizes = [1], strides = [1]} : vector<16xi32> to vector<1xi32>
    %squeeze3A_61 = vector.extract %slice3A_60[0] : i32 from vector<1xi32>
    %shift_right_arithmetic3A_62 = arith.constant 7 : i32
    %shift_right_arithmetic3A_63 = arith.shrsi %squeeze3A_61, %shift_right_arithmetic3A_62 : i32
    %mul3A_64 = arith.constant 128 : i32
    %mul3A_65 = arith.muli %shift_right_arithmetic3A_63, %mul3A_64 : i32
    %multiple_of3A_66 = tpu.assume_multiple %mul3A_65, 128 : i32
    %slice3A_67 = vector.extract_strided_slice %get3A_10 {offsets = [1], sizes = [1], strides = [1]} : vector<16xi32> to vector<1xi32>
    %squeeze3A_68 = vector.extract %slice3A_67[0] : i32 from vector<1xi32>
    %shift_right_arithmetic3A_69 = arith.constant 7 : i32
    %shift_right_arithmetic3A_70 = arith.shrsi %squeeze3A_68, %shift_right_arithmetic3A_69 : i32
    %mul3A_71 = arith.constant 128 : i32
    %mul3A_72 = arith.muli %shift_right_arithmetic3A_70, %mul3A_71 : i32
    %multiple_of3A_73 = tpu.assume_multiple %mul3A_72, 128 : i32
    %dma_start3A_74 = arith.constant 0 : i32
    %dma_start3A_75 = arith.constant 128 : i32
    %dma_start3A_76 = tpu.memref_slice %arg9[%dma_start3A_74, %dma_start3A_75] : memref<16x1024xf32, #tpu.memory_space<vmem>> -> memref<8x128xf32, #tpu.memory_space<vmem>>
    %dma_start3A_77 = arith.constant 0 : i32
    %dma_start3A_78 = tpu.memref_slice %arg4[%dma_start3A_77, %multiple_of3A_66] : memref<16x1000000xf32, #tpu.memory_space<hbm>> -> memref<8x128xf32, #tpu.memory_space<hbm>>
    %dma_start3A_79 = arith.constant 0 : i32
    %dma_start3A_80 = arith.constant 128 : i32
    %dma_start3A_81 = tpu.memref_slice %arg9[%dma_start3A_79, %dma_start3A_80] : memref<16x1024xf32, #tpu.memory_space<vmem>> -> memref<8x128xf32, #tpu.memory_space<vmem>>
    %dma_start3A_82 = arith.constant 0 : i32
    %dma_start3A_83 = tpu.memref_slice %arg4[%dma_start3A_82, %multiple_of3A_66] : memref<16x1000000xf32, #tpu.memory_space<hbm>> -> memref<8x128xf32, #tpu.memory_space<hbm>>
    tpu.enqueue_dma source(%dma_start3A_83 : memref<8x128xf32, #tpu.memory_space<hbm>>) target(%dma_start3A_81 : memref<8x128xf32, #tpu.memory_space<vmem>>) target_semaphore(%arg14 : memref<!tpu.dma_semaphore, #tpu.memory_space<semaphore_mem>>)
    %dma_start3A_84 = arith.constant 0 : i32
    %dma_start3A_85 = arith.constant 128 : i32
    %dma_start3A_86 = tpu.memref_slice %arg10[%dma_start3A_84, %dma_start3A_85] : memref<16x1024xf32, #tpu.memory_space<vmem>> -> memref<8x128xf32, #tpu.memory_space<vmem>>
    %dma_start3A_87 = arith.constant 0 : i32
    %dma_start3A_88 = tpu.memref_slice %arg5[%dma_start3A_87, %multiple_of3A_73] : memref<16x1000000xf32, #tpu.memory_space<hbm>> -> memref<8x128xf32, #tpu.memory_space<hbm>>
    %dma_start3A_89 = arith.constant 0 : i32
    %dma_start3A_90 = arith.constant 128 : i32
    %dma_start3A_91 = tpu.memref_slice %arg10[%dma_start3A_89, %dma_start3A_90] : memref<16x1024xf32, #tpu.memory_space<vmem>> -> memref<8x128xf32, #tpu.memory_space<vmem>>
    %dma_start3A_92 = arith.constant 0 : i32
    %dma_start3A_93 = tpu.memref_slice %arg5[%dma_start3A_92, %multiple_of3A_73] : memref<16x1000000xf32, #tpu.memory_space<hbm>> -> memref<8x128xf32, #tpu.memory_space<hbm>>
    tpu.enqueue_dma source(%dma_start3A_93 : memref<8x128xf32, #tpu.memory_space<hbm>>) target(%dma_start3A_91 : memref<8x128xf32, #tpu.memory_space<vmem>>) target_semaphore(%arg14 : memref<!tpu.dma_semaphore, #tpu.memory_space<semaphore_mem>>)
    %dma_start3A_94 = arith.constant 8 : i32
    %dma_start3A_95 = arith.constant 128 : i32
    %dma_start3A_96 = tpu.memref_slice %arg9[%dma_start3A_94, %dma_start3A_95] : memref<16x1024xf32, #tpu.memory_space<vmem>> -> memref<8x128xf32, #tpu.memory_space<vmem>>
    %dma_start3A_97 = arith.constant 8 : i32
    %dma_start3A_98 = tpu.memref_slice %arg4[%dma_start3A_97, %multiple_of3A_66] : memref<16x1000000xf32, #tpu.memory_space<hbm>> -> memref<8x128xf32, #tpu.memory_space<hbm>>
    %dma_start3A_99 = arith.constant 8 : i32
    %dma_start3A_100 = arith.constant 128 : i32
    %dma_start3A_101 = tpu.memref_slice %arg9[%dma_start3A_99, %dma_start3A_100] : memref<16x1024xf32, #tpu.memory_space<vmem>> -> memref<8x128xf32, #tpu.memory_space<vmem>>
    %dma_start3A_102 = arith.constant 8 : i32
    %dma_start3A_103 = tpu.memref_slice %arg4[%dma_start3A_102, %multiple_of3A_66] : memref<16x1000000xf32, #tpu.memory_space<hbm>> -> memref<8x128xf32, #tpu.memory_space<hbm>>
    tpu.enqueue_dma source(%dma_start3A_103 : memref<8x128xf32, #tpu.memory_space<hbm>>) target(%dma_start3A_101 : memref<8x128xf32, #tpu.memory_space<vmem>>) target_semaphore(%arg14 : memref<!tpu.dma_semaphore, #tpu.memory_space<semaphore_mem>>)
    %dma_start3A_104 = arith.constant 8 : i32
    %dma_start3A_105 = arith.constant 128 : i32
    %dma_start3A_106 = tpu.memref_slice %arg10[%dma_start3A_104, %dma_start3A_105] : memref<16x1024xf32, #tpu.memory_space<vmem>> -> memref<8x128xf32, #tpu.memory_space<vmem>>
    %dma_start3A_107 = arith.constant 8 : i32
    %dma_start3A_108 = tpu.memref_slice %arg5[%dma_start3A_107, %multiple_of3A_73] : memref<16x1000000xf32, #tpu.memory_space<hbm>> -> memref<8x128xf32, #tpu.memory_space<hbm>>
    %dma_start3A_109 = arith.constant 8 : i32
    %dma_start3A_110 = arith.constant 128 : i32
    %dma_start3A_111 = tpu.memref_slice %arg10[%dma_start3A_109, %dma_start3A_110] : memref<16x1024xf32, #tpu.memory_space<vmem>> -> memref<8x128xf32, #tpu.memory_space<vmem>>
    %dma_start3A_112 = arith.constant 8 : i32
    %dma_start3A_113 = tpu.memref_slice %arg5[%dma_start3A_112, %multiple_of3A_73] : memref<16x1000000xf32, #tpu.memory_space<hbm>> -> memref<8x128xf32, #tpu.memory_space<hbm>>
    tpu.enqueue_dma source(%dma_start3A_113 : memref<8x128xf32, #tpu.memory_space<hbm>>) target(%dma_start3A_111 : memref<8x128xf32, #tpu.memory_space<vmem>>) target_semaphore(%arg14 : memref<!tpu.dma_semaphore, #tpu.memory_space<semaphore_mem>>)
    %slice3A_114 = vector.extract_strided_slice %get3A_8 {offsets = [2], sizes = [1], strides = [1]} : vector<16xi32> to vector<1xi32>
    %squeeze3A_115 = vector.extract %slice3A_114[0] : i32 from vector<1xi32>
    %shift_right_arithmetic3A_116 = arith.constant 7 : i32
    %shift_right_arithmetic3A_117 = arith.shrsi %squeeze3A_115, %shift_right_arithmetic3A_116 : i32
    %mul3A_118 = arith.constant 128 : i32
    %mul3A_119 = arith.muli %shift_right_arithmetic3A_117, %mul3A_118 : i32
    %multiple_of3A_120 = tpu.assume_multiple %mul3A_119, 128 : i32
    %slice3A_121 = vector.extract_strided_slice %get3A_10 {offsets = [2], sizes = [1], strides = [1]} : vector<16xi32> to vector<1xi32>
    %squeeze3A_122 = vector.extract %slice3A_121[0] : i32 from vector<1xi32>
    %shift_right_arithmetic3A_123 = arith.constant 7 : i32
    %shift_right_arithmetic3A_124 = arith.shrsi %squeeze3A_122, %shift_right_arithmetic3A_123 : i32
    %mul3A_125 = arith.constant 128 : i32
    %mul3A_126 = arith.muli %shift_right_arithmetic3A_124, %mul3A_125 : i32
    %multiple_of3A_127 = tpu.assume_multiple %mul3A_126, 128 : i32
    %dma_start3A_128 = arith.constant 0 : i32
    %dma_start3A_129 = arith.constant 256 : i32
    %dma_start3A_130 = tpu.memref_slice %arg9[%dma_start3A_128, %dma_start3A_129] : memref<16x1024xf32, #tpu.memory_space<vmem>> -> memref<8x128xf32, #tpu.memory_space<vmem>>
    %dma_start3A_131 = arith.constant 0 : i32
    %dma_start3A_132 = tpu.memref_slice %arg4[%dma_start3A_131, %multiple_of3A_120] : memref<16x1000000xf32, #tpu.memory_space<hbm>> -> memref<8x128xf32, #tpu.memory_space<hbm>>
    %dma_start3A_133 = arith.constant 0 : i32
    %dma_start3A_134 = arith.constant 256 : i32
    %dma_start3A_135 = tpu.memref_slice %arg9[%dma_start3A_133, %dma_start3A_134] : memref<16x1024xf32, #tpu.memory_space<vmem>> -> memref<8x128xf32, #tpu.memory_space<vmem>>
    %dma_start3A_136 = arith.constant 0 : i32
    %dma_start3A_137 = tpu.memref_slice %arg4[%dma_start3A_136, %multiple_of3A_120] : memref<16x1000000xf32, #tpu.memory_space<hbm>> -> memref<8x128xf32, #tpu.memory_space<hbm>>
    tpu.enqueue_dma source(%dma_start3A_137 : memref<8x128xf32, #tpu.memory_space<hbm>>) target(%dma_start3A_135 : memref<8x128xf32, #tpu.memory_space<vmem>>) target_semaphore(%arg14 : memref<!tpu.dma_semaphore, #tpu.memory_space<semaphore_mem>>)
    %dma_start3A_138 = arith.constant 0 : i32
    %dma_start3A_139 = arith.constant 256 : i32
    %dma_start3A_140 = tpu.memref_slice %arg10[%dma_start3A_138, %dma_start3A_139] : memref<16x1024xf32, #tpu.memory_space<vmem>> -> memref<8x128xf32, #tpu.memory_space<vmem>>
    %dma_start3A_141 = arith.constant 0 : i32
    %dma_start3A_142 = tpu.memref_slice %arg5[%dma_start3A_141, %multiple_of3A_127] : memref<16x1000000xf32, #tpu.memory_space<hbm>> -> memref<8x128xf32, #tpu.memory_space<hbm>>
    %dma_start3A_143 = arith.constant 0 : i32
    %dma_start3A_144 = arith.constant 256 : i32
    %dma_start3A_145 = tpu.memref_slice %arg10[%dma_start3A_143, %dma_start3A_144] : memref<16x1024xf32, #tpu.memory_space<vmem>> -> memref<8x128xf32, #tpu.memory_space<vmem>>
    %dma_start3A_146 = arith.constant 0 : i32
    %dma_start3A_147 = tpu.memref_slice %arg5[%dma_start3A_146, %multiple_of3A_127] : memref<16x1000000xf32, #tpu.memory_space<hbm>> -> memref<8x128xf32, #tpu.memory_space<hbm>>
    tpu.enqueue_dma source(%dma_start3A_147 : memref<8x128xf32, #tpu.memory_space<hbm>>) target(%dma_start3A_145 : memref<8x128xf32, #tpu.memory_space<vmem>>) target_semaphore(%arg14 : memref<!tpu.dma_semaphore, #tpu.memory_space<semaphore_mem>>)
    %dma_start3A_148 = arith.constant 8 : i32
    %dma_start3A_149 = arith.constant 256 : i32
    %dma_start3A_150 = tpu.memref_slice %arg9[%dma_start3A_148, %dma_start3A_149] : memref<16x1024xf32, #tpu.memory_space<vmem>> -> memref<8x128xf32, #tpu.memory_space<vmem>>
    %dma_start3A_151 = arith.constant 8 : i32
    %dma_start3A_152 = tpu.memref_slice %arg4[%dma_start3A_151, %multiple_of3A_120] : memref<16x1000000xf32, #tpu.memory_space<hbm>> -> memref<8x128xf32, #tpu.memory_space<hbm>>
    %dma_start3A_153 = arith.constant 8 : i32
    %dma_start3A_154 = arith.constant 256 : i32
    %dma_start3A_155 = tpu.memref_slice %arg9[%dma_start3A_153, %dma_start3A_154] : memref<16x1024xf32, #tpu.memory_space<vmem>> -> memref<8x128xf32, #tpu.memory_space<vmem>>
    %dma_start3A_156 = arith.constant 8 : i32
    %dma_start3A_157 = tpu.memref_slice %arg4[%dma_start3A_156, %multiple_of3A_120] : memref<16x1000000xf32, #tpu.memory_space<hbm>> -> memref<8x128xf32, #tpu.memory_space<hbm>>
    tpu.enqueue_dma source(%dma_start3A_157 : memref<8x128xf32, #tpu.memory_space<hbm>>) target(%dma_start3A_155 : memref<8x128xf32, #tpu.memory_space<vmem>>) target_semaphore(%arg14 : memref<!tpu.dma_semaphore, #tpu.memory_space<semaphore_mem>>)
    %dma_start3A_158 = arith.constant 8 : i32
    %dma_start3A_159 = arith.constant 256 : i32
    %dma_start3A_160 = tpu.memref_slice %arg10[%dma_start3A_158, %dma_start3A_159] : memref<16x1024xf32, #tpu.memory_space<vmem>> -> memref<8x128xf32, #tpu.memory_space<vmem>>
    %dma_start3A_161 = arith.constant 8 : i32
    %dma_start3A_162 = tpu.memref_slice %arg5[%dma_start3A_161, %multiple_of3A_127] : memref<16x1000000xf32, #tpu.memory_space<hbm>> -> memref<8x128xf32, #tpu.memory_space<hbm>>
    %dma_start3A_163 = arith.constant 8 : i32
    %dma_start3A_164 = arith.constant 256 : i32
    %dma_start3A_165 = tpu.memref_slice %arg10[%dma_start3A_163, %dma_start3A_164] : memref<16x1024xf32, #tpu.memory_space<vmem>> -> memref<8x128xf32, #tpu.memory_space<vmem>>
    %dma_start3A_166 = arith.constant 8 : i32
    %dma_start3A_167 = tpu.memref_slice %arg5[%dma_start3A_166, %multiple_of3A_127] : memref<16x1000000xf32, #tpu.memory_space<hbm>> -> memref<8x128xf32, #tpu.memory_space<hbm>>
    tpu.enqueue_dma source(%dma_start3A_167 : memref<8x128xf32, #tpu.memory_space<hbm>>) target(%dma_start3A_165 : memref<8x128xf32, #tpu.memory_space<vmem>>) target_semaphore(%arg14 : memref<!tpu.dma_semaphore, #tpu.memory_space<semaphore_mem>>)
    %slice3A_168 = vector.extract_strided_slice %get3A_8 {offsets = [3], sizes = [1], strides = [1]} : vector<16xi32> to vector<1xi32>
    %squeeze3A_169 = vector.extract %slice3A_168[0] : i32 from vector<1xi32>
    %shift_right_arithmetic3A_170 = arith.constant 7 : i32
    %shift_right_arithmetic3A_171 = arith.shrsi %squeeze3A_169, %shift_right_arithmetic3A_170 : i32
    %mul3A_172 = arith.constant 128 : i32
    %mul3A_173 = arith.muli %shift_right_arithmetic3A_171, %mul3A_172 : i32
    %multiple_of3A_174 = tpu.assume_multiple %mul3A_173, 128 : i32
    %slice3A_175 = vector.extract_strided_slice %get3A_10 {offsets = [3], sizes = [1], strides = [1]} : vector<16xi32> to vector<1xi32>
    %squeeze3A_176 = vector.extract %slice3A_175[0] : i32 from vector<1xi32>
    %shift_right_arithmetic3A_177 = arith.constant 7 : i32
    %shift_right_arithmetic3A_178 = arith.shrsi %squeeze3A_176, %shift_right_arithmetic3A_177 : i32
    %mul3A_179 = arith.constant 128 : i32
    %mul3A_180 = arith.muli %shift_right_arithmetic3A_178, %mul3A_179 : i32
    %multiple_of3A_181 = tpu.assume_multiple %mul3A_180, 128 : i32
    %dma_start3A_182 = arith.constant 0 : i32
    %dma_start3A_183 = arith.constant 384 : i32
    %dma_start3A_184 = tpu.memref_slice %arg9[%dma_start3A_182, %dma_start3A_183] : memref<16x1024xf32, #tpu.memory_space<vmem>> -> memref<8x128xf32, #tpu.memory_space<vmem>>
    %dma_start3A_185 = arith.constant 0 : i32
    %dma_start3A_186 = tpu.memref_slice %arg4[%dma_start3A_185, %multiple_of3A_174] : memref<16x1000000xf32, #tpu.memory_space<hbm>> -> memref<8x128xf32, #tpu.memory_space<hbm>>
    %dma_start3A_187 = arith.constant 0 : i32
    %dma_start3A_188 = arith.constant 384 : i32
    %dma_start3A_189 = tpu.memref_slice %arg9[%dma_start3A_187, %dma_start3A_188] : memref<16x1024xf32, #tpu.memory_space<vmem>> -> memref<8x128xf32, #tpu.memory_space<vmem>>
    %dma_start3A_190 = arith.constant 0 : i32
    %dma_start3A_191 = tpu.memref_slice %arg4[%dma_start3A_190, %multiple_of3A_174] : memref<16x1000000xf32, #tpu.memory_space<hbm>> -> memref<8x128xf32, #tpu.memory_space<hbm>>
    tpu.enqueue_dma source(%dma_start3A_191 : memref<8x128xf32, #tpu.memory_space<hbm>>) target(%dma_start3A_189 : memref<8x128xf32, #tpu.memory_space<vmem>>) target_semaphore(%arg14 : memref<!tpu.dma_semaphore, #tpu.memory_space<semaphore_mem>>)
    %dma_start3A_192 = arith.constant 0 : i32
    %dma_start3A_193 = arith.constant 384 : i32
    %dma_start3A_194 = tpu.memref_slice %arg10[%dma_start3A_192, %dma_start3A_193] : memref<16x1024xf32, #tpu.memory_space<vmem>> -> memref<8x128xf32, #tpu.memory_space<vmem>>
    %dma_start3A_195 = arith.constant 0 : i32
    %dma_start3A_196 = tpu.memref_slice %arg5[%dma_start3A_195, %multiple_of3A_181] : memref<16x1000000xf32, #tpu.memory_space<hbm>> -> memref<8x128xf32, #tpu.memory_space<hbm>>
    %dma_start3A_197 = arith.constant 0 : i32
    %dma_start3A_198 = arith.constant 384 : i32
    %dma_start3A_199 = tpu.memref_slice %arg10[%dma_start3A_197, %dma_start3A_198] : memref<16x1024xf32, #tpu.memory_space<vmem>> -> memref<8x128xf32, #tpu.memory_space<vmem>>
    %dma_start3A_200 = arith.constant 0 : i32
    %dma_start3A_201 = tpu.memref_slice %arg5[%dma_start3A_200, %multiple_of3A_181] : memref<16x1000000xf32, #tpu.memory_space<hbm>> -> memref<8x128xf32, #tpu.memory_space<hbm>>
    tpu.enqueue_dma source(%dma_start3A_201 : memref<8x128xf32, #tpu.memory_space<hbm>>) target(%dma_start3A_199 : memref<8x128xf32, #tpu.memory_space<vmem>>) target_semaphore(%arg14 : memref<!tpu.dma_semaphore, #tpu.memory_space<semaphore_mem>>)
    %dma_start3A_202 = arith.constant 8 : i32
    %dma_start3A_203 = arith.constant 384 : i32
    %dma_start3A_204 = tpu.memref_slice %arg9[%dma_start3A_202, %dma_start3A_203] : memref<16x1024xf32, #tpu.memory_space<vmem>> -> memref<8x128xf32, #tpu.memory_space<vmem>>
    %dma_start3A_205 = arith.constant 8 : i32
    %dma_start3A_206 = tpu.memref_slice %arg4[%dma_start3A_205, %multiple_of3A_174] : memref<16x1000000xf32, #tpu.memory_space<hbm>> -> memref<8x128xf32, #tpu.memory_space<hbm>>
    %dma_start3A_207 = arith.constant 8 : i32
    %dma_start3A_208 = arith.constant 384 : i32
    %dma_start3A_209 = tpu.memref_slice %arg9[%dma_start3A_207, %dma_start3A_208] : memref<16x1024xf32, #tpu.memory_space<vmem>> -> memref<8x128xf32, #tpu.memory_space<vmem>>
    %dma_start3A_210 = arith.constant 8 : i32
    %dma_start3A_211 = tpu.memref_slice %arg4[%dma_start3A_210, %multiple_of3A_174] : memref<16x1000000xf32, #tpu.memory_space<hbm>> -> memref<8x128xf32, #tpu.memory_space<hbm>>
    tpu.enqueue_dma source(%dma_start3A_211 : memref<8x128xf32, #tpu.memory_space<hbm>>) target(%dma_start3A_209 : memref<8x128xf32, #tpu.memory_space<vmem>>) target_semaphore(%arg14 : memref<!tpu.dma_semaphore, #tpu.memory_space<semaphore_mem>>)
    %dma_start3A_212 = arith.constant 8 : i32
    %dma_start3A_213 = arith.constant 384 : i32
    %dma_start3A_214 = tpu.memref_slice %arg10[%dma_start3A_212, %dma_start3A_213] : memref<16x1024xf32, #tpu.memory_space<vmem>> -> memref<8x128xf32, #tpu.memory_space<vmem>>
    %dma_start3A_215 = arith.constant 8 : i32
    %dma_start3A_216 = tpu.memref_slice %arg5[%dma_start3A_215, %multiple_of3A_181] : memref<16x1000000xf32, #tpu.memory_space<hbm>> -> memref<8x128xf32, #tpu.memory_space<hbm>>
    %dma_start3A_217 = arith.constant 8 : i32
    %dma_start3A_218 = arith.constant 384 : i32
    %dma_start3A_219 = tpu.memref_slice %arg10[%dma_start3A_217, %dma_start3A_218] : memref<16x1024xf32, #tpu.memory_space<vmem>> -> memref<8x128xf32, #tpu.memory_space<vmem>>
    %dma_start3A_220 = arith.constant 8 : i32
    %dma_start3A_221 = tpu.memref_slice %arg5[%dma_start3A_220, %multiple_of3A_181] : memref<16x1000000xf32, #tpu.memory_space<hbm>> -> memref<8x128xf32, #tpu.memory_space<hbm>>
    tpu.enqueue_dma source(%dma_start3A_221 : memref<8x128xf32, #tpu.memory_space<hbm>>) target(%dma_start3A_219 : memref<8x128xf32, #tpu.memory_space<vmem>>) target_semaphore(%arg14 : memref<!tpu.dma_semaphore, #tpu.memory_space<semaphore_mem>>)
    %slice3A_222 = vector.extract_strided_slice %get3A_8 {offsets = [4], sizes = [1], strides = [1]} : vector<16xi32> to vector<1xi32>
    %squeeze3A_223 = vector.extract %slice3A_222[0] : i32 from vector<1xi32>
    %shift_right_arithmetic3A_224 = arith.constant 7 : i32
    %shift_right_arithmetic3A_225 = arith.shrsi %squeeze3A_223, %shift_right_arithmetic3A_224 : i32
    %mul3A_226 = arith.constant 128 : i32
    %mul3A_227 = arith.muli %shift_right_arithmetic3A_225, %mul3A_226 : i32
    %multiple_of3A_228 = tpu.assume_multiple %mul3A_227, 128 : i32
    %slice3A_229 = vector.extract_strided_slice %get3A_10 {offsets = [4], sizes = [1], strides = [1]} : vector<16xi32> to vector<1xi32>
    %squeeze3A_230 = vector.extract %slice3A_229[0] : i32 from vector<1xi32>
    %shift_right_arithmetic3A_231 = arith.constant 7 : i32
    %shift_right_arithmetic3A_232 = arith.shrsi %squeeze3A_230, %shift_right_arithmetic3A_231 : i32
    %mul3A_233 = arith.constant 128 : i32
    %mul3A_234 = arith.muli %shift_right_arithmetic3A_232, %mul3A_233 : i32
    %multiple_of3A_235 = tpu.assume_multiple %mul3A_234, 128 : i32
    %dma_start3A_236 = arith.constant 0 : i32
    %dma_start3A_237 = arith.constant 512 : i32
    %dma_start3A_238 = tpu.memref_slice %arg9[%dma_start3A_236, %dma_start3A_237] : memref<16x1024xf32, #tpu.memory_space<vmem>> -> memref<8x128xf32, #tpu.memory_space<vmem>>
    %dma_start3A_239 = arith.constant 0 : i32
    %dma_start3A_240 = tpu.memref_slice %arg4[%dma_start3A_239, %multiple_of3A_228] : memref<16x1000000xf32, #tpu.memory_space<hbm>> -> memref<8x128xf32, #tpu.memory_space<hbm>>
    %dma_start3A_241 = arith.constant 0 : i32
    %dma_start3A_242 = arith.constant 512 : i32
    %dma_start3A_243 = tpu.memref_slice %arg9[%dma_start3A_241, %dma_start3A_242] : memref<16x1024xf32, #tpu.memory_space<vmem>> -> memref<8x128xf32, #tpu.memory_space<vmem>>
    %dma_start3A_244 = arith.constant 0 : i32
    %dma_start3A_245 = tpu.memref_slice %arg4[%dma_start3A_244, %multiple_of3A_228] : memref<16x1000000xf32, #tpu.memory_space<hbm>> -> memref<8x128xf32, #tpu.memory_space<hbm>>
    tpu.enqueue_dma source(%dma_start3A_245 : memref<8x128xf32, #tpu.memory_space<hbm>>) target(%dma_start3A_243 : memref<8x128xf32, #tpu.memory_space<vmem>>) target_semaphore(%arg14 : memref<!tpu.dma_semaphore, #tpu.memory_space<semaphore_mem>>)
    %dma_start3A_246 = arith.constant 0 : i32
    %dma_start3A_247 = arith.constant 512 : i32
    %dma_start3A_248 = tpu.memref_slice %arg10[%dma_start3A_246, %dma_start3A_247] : memref<16x1024xf32, #tpu.memory_space<vmem>> -> memref<8x128xf32, #tpu.memory_space<vmem>>
    %dma_start3A_249 = arith.constant 0 : i32
    %dma_start3A_250 = tpu.memref_slice %arg5[%dma_start3A_249, %multiple_of3A_235] : memref<16x1000000xf32, #tpu.memory_space<hbm>> -> memref<8x128xf32, #tpu.memory_space<hbm>>
    %dma_start3A_251 = arith.constant 0 : i32
    %dma_start3A_252 = arith.constant 512 : i32
    %dma_start3A_253 = tpu.memref_slice %arg10[%dma_start3A_251, %dma_start3A_252] : memref<16x1024xf32, #tpu.memory_space<vmem>> -> memref<8x128xf32, #tpu.memory_space<vmem>>
    %dma_start3A_254 = arith.constant 0 : i32
    %dma_start3A_255 = tpu.memref_slice %arg5[%dma_start3A_254, %multiple_of3A_235] : memref<16x1000000xf32, #tpu.memory_space<hbm>> -> memref<8x128xf32, #tpu.memory_space<hbm>>
    tpu.enqueue_dma source(%dma_start3A_255 : memref<8x128xf32, #tpu.memory_space<hbm>>) target(%dma_start3A_253 : memref<8x128xf32, #tpu.memory_space<vmem>>) target_semaphore(%arg14 : memref<!tpu.dma_semaphore, #tpu.memory_space<semaphore_mem>>)
    %dma_start3A_256 = arith.constant 8 : i32
    %dma_start3A_257 = arith.constant 512 : i32
    %dma_start3A_258 = tpu.memref_slice %arg9[%dma_start3A_256, %dma_start3A_257] : memref<16x1024xf32, #tpu.memory_space<vmem>> -> memref<8x128xf32, #tpu.memory_space<vmem>>
    %dma_start3A_259 = arith.constant 8 : i32
    %dma_start3A_260 = tpu.memref_slice %arg4[%dma_start3A_259, %multiple_of3A_228] : memref<16x1000000xf32, #tpu.memory_space<hbm>> -> memref<8x128xf32, #tpu.memory_space<hbm>>
    %dma_start3A_261 = arith.constant 8 : i32
    %dma_start3A_262 = arith.constant 512 : i32
    %dma_start3A_263 = tpu.memref_slice %arg9[%dma_start3A_261, %dma_start3A_262] : memref<16x1024xf32, #tpu.memory_space<vmem>> -> memref<8x128xf32, #tpu.memory_space<vmem>>
    %dma_start3A_264 = arith.constant 8 : i32
    %dma_start3A_265 = tpu.memref_slice %arg4[%dma_start3A_264, %multiple_of3A_228] : memref<16x1000000xf32, #tpu.memory_space<hbm>> -> memref<8x128xf32, #tpu.memory_space<hbm>>
    tpu.enqueue_dma source(%dma_start3A_265 : memref<8x128xf32, #tpu.memory_space<hbm>>) target(%dma_start3A_263 : memref<8x128xf32, #tpu.memory_space<vmem>>) target_semaphore(%arg14 : memref<!tpu.dma_semaphore, #tpu.memory_space<semaphore_mem>>)
    %dma_start3A_266 = arith.constant 8 : i32
    %dma_start3A_267 = arith.constant 512 : i32
    %dma_start3A_268 = tpu.memref_slice %arg10[%dma_start3A_266, %dma_start3A_267] : memref<16x1024xf32, #tpu.memory_space<vmem>> -> memref<8x128xf32, #tpu.memory_space<vmem>>
    %dma_start3A_269 = arith.constant 8 : i32
    %dma_start3A_270 = tpu.memref_slice %arg5[%dma_start3A_269, %multiple_of3A_235] : memref<16x1000000xf32, #tpu.memory_space<hbm>> -> memref<8x128xf32, #tpu.memory_space<hbm>>
    %dma_start3A_271 = arith.constant 8 : i32
    %dma_start3A_272 = arith.constant 512 : i32
    %dma_start3A_273 = tpu.memref_slice %arg10[%dma_start3A_271, %dma_start3A_272] : memref<16x1024xf32, #tpu.memory_space<vmem>> -> memref<8x128xf32, #tpu.memory_space<vmem>>
    %dma_start3A_274 = arith.constant 8 : i32
    %dma_start3A_275 = tpu.memref_slice %arg5[%dma_start3A_274, %multiple_of3A_235] : memref<16x1000000xf32, #tpu.memory_space<hbm>> -> memref<8x128xf32, #tpu.memory_space<hbm>>
    tpu.enqueue_dma source(%dma_start3A_275 : memref<8x128xf32, #tpu.memory_space<hbm>>) target(%dma_start3A_273 : memref<8x128xf32, #tpu.memory_space<vmem>>) target_semaphore(%arg14 : memref<!tpu.dma_semaphore, #tpu.memory_space<semaphore_mem>>)
    %slice3A_276 = vector.extract_strided_slice %get3A_8 {offsets = [5], sizes = [1], strides = [1]} : vector<16xi32> to vector<1xi32>
    %squeeze3A_277 = vector.extract %slice3A_276[0] : i32 from vector<1xi32>
    %shift_right_arithmetic3A_278 = arith.constant 7 : i32
    %shift_right_arithmetic3A_279 = arith.shrsi %squeeze3A_277, %shift_right_arithmetic3A_278 : i32
    %mul3A_280 = arith.constant 128 : i32
    %mul3A_281 = arith.muli %shift_right_arithmetic3A_279, %mul3A_280 : i32
    %multiple_of3A_282 = tpu.assume_multiple %mul3A_281, 128 : i32
    %slice3A_283 = vector.extract_strided_slice %get3A_10 {offsets = [5], sizes = [1], strides = [1]} : vector<16xi32> to vector<1xi32>
    %squeeze3A_284 = vector.extract %slice3A_283[0] : i32 from vector<1xi32>
    %shift_right_arithmetic3A_285 = arith.constant 7 : i32
    %shift_right_arithmetic3A_286 = arith.shrsi %squeeze3A_284, %shift_right_arithmetic3A_285 : i32
    %mul3A_287 = arith.constant 128 : i32
    %mul3A_288 = arith.muli %shift_right_arithmetic3A_286, %mul3A_287 : i32
    %multiple_of3A_289 = tpu.assume_multiple %mul3A_288, 128 : i32
    %dma_start3A_290 = arith.constant 0 : i32
    %dma_start3A_291 = arith.constant 640 : i32
    %dma_start3A_292 = tpu.memref_slice %arg9[%dma_start3A_290, %dma_start3A_291] : memref<16x1024xf32, #tpu.memory_space<vmem>> -> memref<8x128xf32, #tpu.memory_space<vmem>>
    %dma_start3A_293 = arith.constant 0 : i32
    %dma_start3A_294 = tpu.memref_slice %arg4[%dma_start3A_293, %multiple_of3A_282] : memref<16x1000000xf32, #tpu.memory_space<hbm>> -> memref<8x128xf32, #tpu.memory_space<hbm>>
    %dma_start3A_295 = arith.constant 0 : i32
    %dma_start3A_296 = arith.constant 640 : i32
    %dma_start3A_297 = tpu.memref_slice %arg9[%dma_start3A_295, %dma_start3A_296] : memref<16x1024xf32, #tpu.memory_space<vmem>> -> memref<8x128xf32, #tpu.memory_space<vmem>>
    %dma_start3A_298 = arith.constant 0 : i32
    %dma_start3A_299 = tpu.memref_slice %arg4[%dma_start3A_298, %multiple_of3A_282] : memref<16x1000000xf32, #tpu.memory_space<hbm>> -> memref<8x128xf32, #tpu.memory_space<hbm>>
    tpu.enqueue_dma source(%dma_start3A_299 : memref<8x128xf32, #tpu.memory_space<hbm>>) target(%dma_start3A_297 : memref<8x128xf32, #tpu.memory_space<vmem>>) target_semaphore(%arg14 : memref<!tpu.dma_semaphore, #tpu.memory_space<semaphore_mem>>)
    %dma_start3A_300 = arith.constant 0 : i32
    %dma_start3A_301 = arith.constant 640 : i32
    %dma_start3A_302 = tpu.memref_slice %arg10[%dma_start3A_300, %dma_start3A_301] : memref<16x1024xf32, #tpu.memory_space<vmem>> -> memref<8x128xf32, #tpu.memory_space<vmem>>
    %dma_start3A_303 = arith.constant 0 : i32
    %dma_start3A_304 = tpu.memref_slice %arg5[%dma_start3A_303, %multiple_of3A_289] : memref<16x1000000xf32, #tpu.memory_space<hbm>> -> memref<8x128xf32, #tpu.memory_space<hbm>>
    %dma_start3A_305 = arith.constant 0 : i32
    %dma_start3A_306 = arith.constant 640 : i32
    %dma_start3A_307 = tpu.memref_slice %arg10[%dma_start3A_305, %dma_start3A_306] : memref<16x1024xf32, #tpu.memory_space<vmem>> -> memref<8x128xf32, #tpu.memory_space<vmem>>
    %dma_start3A_308 = arith.constant 0 : i32
    %dma_start3A_309 = tpu.memref_slice %arg5[%dma_start3A_308, %multiple_of3A_289] : memref<16x1000000xf32, #tpu.memory_space<hbm>> -> memref<8x128xf32, #tpu.memory_space<hbm>>
    tpu.enqueue_dma source(%dma_start3A_309 : memref<8x128xf32, #tpu.memory_space<hbm>>) target(%dma_start3A_307 : memref<8x128xf32, #tpu.memory_space<vmem>>) target_semaphore(%arg14 : memref<!tpu.dma_semaphore, #tpu.memory_space<semaphore_mem>>)
    %dma_start3A_310 = arith.constant 8 : i32
    %dma_start3A_311 = arith.constant 640 : i32
    %dma_start3A_312 = tpu.memref_slice %arg9[%dma_start3A_310, %dma_start3A_311] : memref<16x1024xf32, #tpu.memory_space<vmem>> -> memref<8x128xf32, #tpu.memory_space<vmem>>
    %dma_start3A_313 = arith.constant 8 : i32
    %dma_start3A_314 = tpu.memref_slice %arg4[%dma_start3A_313, %multiple_of3A_282] : memref<16x1000000xf32, #tpu.memory_space<hbm>> -> memref<8x128xf32, #tpu.memory_space<hbm>>
    %dma_start3A_315 = arith.constant 8 : i32
    %dma_start3A_316 = arith.constant 640 : i32
    %dma_start3A_317 = tpu.memref_slice %arg9[%dma_start3A_315, %dma_start3A_316] : memref<16x1024xf32, #tpu.memory_space<vmem>> -> memref<8x128xf32, #tpu.memory_space<vmem>>
    %dma_start3A_318 = arith.constant 8 : i32
    %dma_start3A_319 = tpu.memref_slice %arg4[%dma_start3A_318, %multiple_of3A_282] : memref<16x1000000xf32, #tpu.memory_space<hbm>> -> memref<8x128xf32, #tpu.memory_space<hbm>>
    tpu.enqueue_dma source(%dma_start3A_319 : memref<8x128xf32, #tpu.memory_space<hbm>>) target(%dma_start3A_317 : memref<8x128xf32, #tpu.memory_space<vmem>>) target_semaphore(%arg14 : memref<!tpu.dma_semaphore, #tpu.memory_space<semaphore_mem>>)
    %dma_start3A_320 = arith.constant 8 : i32
    %dma_start3A_321 = arith.constant 640 : i32
    %dma_start3A_322 = tpu.memref_slice %arg10[%dma_start3A_320, %dma_start3A_321] : memref<16x1024xf32, #tpu.memory_space<vmem>> -> memref<8x128xf32, #tpu.memory_space<vmem>>
    %dma_start3A_323 = arith.constant 8 : i32
    %dma_start3A_324 = tpu.memref_slice %arg5[%dma_start3A_323, %multiple_of3A_289] : memref<16x1000000xf32, #tpu.memory_space<hbm>> -> memref<8x128xf32, #tpu.memory_space<hbm>>
    %dma_start3A_325 = arith.constant 8 : i32
    %dma_start3A_326 = arith.constant 640 : i32
    %dma_start3A_327 = tpu.memref_slice %arg10[%dma_start3A_325, %dma_start3A_326] : memref<16x1024xf32, #tpu.memory_space<vmem>> -> memref<8x128xf32, #tpu.memory_space<vmem>>
    %dma_start3A_328 = arith.constant 8 : i32
    %dma_start3A_329 = tpu.memref_slice %arg5[%dma_start3A_328, %multiple_of3A_289] : memref<16x1000000xf32, #tpu.memory_space<hbm>> -> memref<8x128xf32, #tpu.memory_space<hbm>>
    tpu.enqueue_dma source(%dma_start3A_329 : memref<8x128xf32, #tpu.memory_space<hbm>>) target(%dma_start3A_327 : memref<8x128xf32, #tpu.memory_space<vmem>>) target_semaphore(%arg14 : memref<!tpu.dma_semaphore, #tpu.memory_space<semaphore_mem>>)
    %slice3A_330 = vector.extract_strided_slice %get3A_8 {offsets = [6], sizes = [1], strides = [1]} : vector<16xi32> to vector<1xi32>
    %squeeze3A_331 = vector.extract %slice3A_330[0] : i32 from vector<1xi32>
    %shift_right_arithmetic3A_332 = arith.constant 7 : i32
    %shift_right_arithmetic3A_333 = arith.shrsi %squeeze3A_331, %shift_right_arithmetic3A_332 : i32
    %mul3A_334 = arith.constant 128 : i32
    %mul3A_335 = arith.muli %shift_right_arithmetic3A_333, %mul3A_334 : i32
    %multiple_of3A_336 = tpu.assume_multiple %mul3A_335, 128 : i32
    %slice3A_337 = vector.extract_strided_slice %get3A_10 {offsets = [6], sizes = [1], strides = [1]} : vector<16xi32> to vector<1xi32>
    %squeeze3A_338 = vector.extract %slice3A_337[0] : i32 from vector<1xi32>
    %shift_right_arithmetic3A_339 = arith.constant 7 : i32
    %shift_right_arithmetic3A_340 = arith.shrsi %squeeze3A_338, %shift_right_arithmetic3A_339 : i32
    %mul3A_341 = arith.constant 128 : i32
    %mul3A_342 = arith.muli %shift_right_arithmetic3A_340, %mul3A_341 : i32
    %multiple_of3A_343 = tpu.assume_multiple %mul3A_342, 128 : i32
    %dma_start3A_344 = arith.constant 0 : i32
    %dma_start3A_345 = arith.constant 768 : i32
    %dma_start3A_346 = tpu.memref_slice %arg9[%dma_start3A_344, %dma_start3A_345] : memref<16x1024xf32, #tpu.memory_space<vmem>> -> memref<8x128xf32, #tpu.memory_space<vmem>>
    %dma_start3A_347 = arith.constant 0 : i32
    %dma_start3A_348 = tpu.memref_slice %arg4[%dma_start3A_347, %multiple_of3A_336] : memref<16x1000000xf32, #tpu.memory_space<hbm>> -> memref<8x128xf32, #tpu.memory_space<hbm>>
    %dma_start3A_349 = arith.constant 0 : i32
    %dma_start3A_350 = arith.constant 768 : i32
    %dma_start3A_351 = tpu.memref_slice %arg9[%dma_start3A_349, %dma_start3A_350] : memref<16x1024xf32, #tpu.memory_space<vmem>> -> memref<8x128xf32, #tpu.memory_space<vmem>>
    %dma_start3A_352 = arith.constant 0 : i32
    %dma_start3A_353 = tpu.memref_slice %arg4[%dma_start3A_352, %multiple_of3A_336] : memref<16x1000000xf32, #tpu.memory_space<hbm>> -> memref<8x128xf32, #tpu.memory_space<hbm>>
    tpu.enqueue_dma source(%dma_start3A_353 : memref<8x128xf32, #tpu.memory_space<hbm>>) target(%dma_start3A_351 : memref<8x128xf32, #tpu.memory_space<vmem>>) target_semaphore(%arg14 : memref<!tpu.dma_semaphore, #tpu.memory_space<semaphore_mem>>)
    %dma_start3A_354 = arith.constant 0 : i32
    %dma_start3A_355 = arith.constant 768 : i32
    %dma_start3A_356 = tpu.memref_slice %arg10[%dma_start3A_354, %dma_start3A_355] : memref<16x1024xf32, #tpu.memory_space<vmem>> -> memref<8x128xf32, #tpu.memory_space<vmem>>
    %dma_start3A_357 = arith.constant 0 : i32
    %dma_start3A_358 = tpu.memref_slice %arg5[%dma_start3A_357, %multiple_of3A_343] : memref<16x1000000xf32, #tpu.memory_space<hbm>> -> memref<8x128xf32, #tpu.memory_space<hbm>>
    %dma_start3A_359 = arith.constant 0 : i32
    %dma_start3A_360 = arith.constant 768 : i32
    %dma_start3A_361 = tpu.memref_slice %arg10[%dma_start3A_359, %dma_start3A_360] : memref<16x1024xf32, #tpu.memory_space<vmem>> -> memref<8x128xf32, #tpu.memory_space<vmem>>
    %dma_start3A_362 = arith.constant 0 : i32
    %dma_start3A_363 = tpu.memref_slice %arg5[%dma_start3A_362, %multiple_of3A_343] : memref<16x1000000xf32, #tpu.memory_space<hbm>> -> memref<8x128xf32, #tpu.memory_space<hbm>>
    tpu.enqueue_dma source(%dma_start3A_363 : memref<8x128xf32, #tpu.memory_space<hbm>>) target(%dma_start3A_361 : memref<8x128xf32, #tpu.memory_space<vmem>>) target_semaphore(%arg14 : memref<!tpu.dma_semaphore, #tpu.memory_space<semaphore_mem>>)
    %dma_start3A_364 = arith.constant 8 : i32
    %dma_start3A_365 = arith.constant 768 : i32
    %dma_start3A_366 = tpu.memref_slice %arg9[%dma_start3A_364, %dma_start3A_365] : memref<16x1024xf32, #tpu.memory_space<vmem>> -> memref<8x128xf32, #tpu.memory_space<vmem>>
    %dma_start3A_367 = arith.constant 8 : i32
    %dma_start3A_368 = tpu.memref_slice %arg4[%dma_start3A_367, %multiple_of3A_336] : memref<16x1000000xf32, #tpu.memory_space<hbm>> -> memref<8x128xf32, #tpu.memory_space<hbm>>
    %dma_start3A_369 = arith.constant 8 : i32
    %dma_start3A_370 = arith.constant 768 : i32
    %dma_start3A_371 = tpu.memref_slice %arg9[%dma_start3A_369, %dma_start3A_370] : memref<16x1024xf32, #tpu.memory_space<vmem>> -> memref<8x128xf32, #tpu.memory_space<vmem>>
    %dma_start3A_372 = arith.constant 8 : i32
    %dma_start3A_373 = tpu.memref_slice %arg4[%dma_start3A_372, %multiple_of3A_336] : memref<16x1000000xf32, #tpu.memory_space<hbm>> -> memref<8x128xf32, #tpu.memory_space<hbm>>
    tpu.enqueue_dma source(%dma_start3A_373 : memref<8x128xf32, #tpu.memory_space<hbm>>) target(%dma_start3A_371 : memref<8x128xf32, #tpu.memory_space<vmem>>) target_semaphore(%arg14 : memref<!tpu.dma_semaphore, #tpu.memory_space<semaphore_mem>>)
    %dma_start3A_374 = arith.constant 8 : i32
    %dma_start3A_375 = arith.constant 768 : i32
    %dma_start3A_376 = tpu.memref_slice %arg10[%dma_start3A_374, %dma_start3A_375] : memref<16x1024xf32, #tpu.memory_space<vmem>> -> memref<8x128xf32, #tpu.memory_space<vmem>>
    %dma_start3A_377 = arith.constant 8 : i32
    %dma_start3A_378 = tpu.memref_slice %arg5[%dma_start3A_377, %multiple_of3A_343] : memref<16x1000000xf32, #tpu.memory_space<hbm>> -> memref<8x128xf32, #tpu.memory_space<hbm>>
    %dma_start3A_379 = arith.constant 8 : i32
    %dma_start3A_380 = arith.constant 768 : i32
    %dma_start3A_381 = tpu.memref_slice %arg10[%dma_start3A_379, %dma_start3A_380] : memref<16x1024xf32, #tpu.memory_space<vmem>> -> memref<8x128xf32, #tpu.memory_space<vmem>>
    %dma_start3A_382 = arith.constant 8 : i32
    %dma_start3A_383 = tpu.memref_slice %arg5[%dma_start3A_382, %multiple_of3A_343] : memref<16x1000000xf32, #tpu.memory_space<hbm>> -> memref<8x128xf32, #tpu.memory_space<hbm>>
    tpu.enqueue_dma source(%dma_start3A_383 : memref<8x128xf32, #tpu.memory_space<hbm>>) target(%dma_start3A_381 : memref<8x128xf32, #tpu.memory_space<vmem>>) target_semaphore(%arg14 : memref<!tpu.dma_semaphore, #tpu.memory_space<semaphore_mem>>)
    %slice3A_384 = vector.extract_strided_slice %get3A_8 {offsets = [7], sizes = [1], strides = [1]} : vector<16xi32> to vector<1xi32>
    %squeeze3A_385 = vector.extract %slice3A_384[0] : i32 from vector<1xi32>
    %shift_right_arithmetic3A_386 = arith.constant 7 : i32
    %shift_right_arithmetic3A_387 = arith.shrsi %squeeze3A_385, %shift_right_arithmetic3A_386 : i32
    %mul3A_388 = arith.constant 128 : i32
    %mul3A_389 = arith.muli %shift_right_arithmetic3A_387, %mul3A_388 : i32
    %multiple_of3A_390 = tpu.assume_multiple %mul3A_389, 128 : i32
    %slice3A_391 = vector.extract_strided_slice %get3A_10 {offsets = [7], sizes = [1], strides = [1]} : vector<16xi32> to vector<1xi32>
    %squeeze3A_392 = vector.extract %slice3A_391[0] : i32 from vector<1xi32>
    %shift_right_arithmetic3A_393 = arith.constant 7 : i32
    %shift_right_arithmetic3A_394 = arith.shrsi %squeeze3A_392, %shift_right_arithmetic3A_393 : i32
    %mul3A_395 = arith.constant 128 : i32
    %mul3A_396 = arith.muli %shift_right_arithmetic3A_394, %mul3A_395 : i32
    %multiple_of3A_397 = tpu.assume_multiple %mul3A_396, 128 : i32
    %dma_start3A_398 = arith.constant 0 : i32
    %dma_start3A_399 = arith.constant 896 : i32
    %dma_start3A_400 = tpu.memref_slice %arg9[%dma_start3A_398, %dma_start3A_399] : memref<16x1024xf32, #tpu.memory_space<vmem>> -> memref<8x128xf32, #tpu.memory_space<vmem>>
    %dma_start3A_401 = arith.constant 0 : i32
    %dma_start3A_402 = tpu.memref_slice %arg4[%dma_start3A_401, %multiple_of3A_390] : memref<16x1000000xf32, #tpu.memory_space<hbm>> -> memref<8x128xf32, #tpu.memory_space<hbm>>
    %dma_start3A_403 = arith.constant 0 : i32
    %dma_start3A_404 = arith.constant 896 : i32
    %dma_start3A_405 = tpu.memref_slice %arg9[%dma_start3A_403, %dma_start3A_404] : memref<16x1024xf32, #tpu.memory_space<vmem>> -> memref<8x128xf32, #tpu.memory_space<vmem>>
    %dma_start3A_406 = arith.constant 0 : i32
    %dma_start3A_407 = tpu.memref_slice %arg4[%dma_start3A_406, %multiple_of3A_390] : memref<16x1000000xf32, #tpu.memory_space<hbm>> -> memref<8x128xf32, #tpu.memory_space<hbm>>
    tpu.enqueue_dma source(%dma_start3A_407 : memref<8x128xf32, #tpu.memory_space<hbm>>) target(%dma_start3A_405 : memref<8x128xf32, #tpu.memory_space<vmem>>) target_semaphore(%arg14 : memref<!tpu.dma_semaphore, #tpu.memory_space<semaphore_mem>>)
    %dma_start3A_408 = arith.constant 0 : i32
    %dma_start3A_409 = arith.constant 896 : i32
    %dma_start3A_410 = tpu.memref_slice %arg10[%dma_start3A_408, %dma_start3A_409] : memref<16x1024xf32, #tpu.memory_space<vmem>> -> memref<8x128xf32, #tpu.memory_space<vmem>>
    %dma_start3A_411 = arith.constant 0 : i32
    %dma_start3A_412 = tpu.memref_slice %arg5[%dma_start3A_411, %multiple_of3A_397] : memref<16x1000000xf32, #tpu.memory_space<hbm>> -> memref<8x128xf32, #tpu.memory_space<hbm>>
    %dma_start3A_413 = arith.constant 0 : i32
    %dma_start3A_414 = arith.constant 896 : i32
    %dma_start3A_415 = tpu.memref_slice %arg10[%dma_start3A_413, %dma_start3A_414] : memref<16x1024xf32, #tpu.memory_space<vmem>> -> memref<8x128xf32, #tpu.memory_space<vmem>>
    %dma_start3A_416 = arith.constant 0 : i32
    %dma_start3A_417 = tpu.memref_slice %arg5[%dma_start3A_416, %multiple_of3A_397] : memref<16x1000000xf32, #tpu.memory_space<hbm>> -> memref<8x128xf32, #tpu.memory_space<hbm>>
    tpu.enqueue_dma source(%dma_start3A_417 : memref<8x128xf32, #tpu.memory_space<hbm>>) target(%dma_start3A_415 : memref<8x128xf32, #tpu.memory_space<vmem>>) target_semaphore(%arg14 : memref<!tpu.dma_semaphore, #tpu.memory_space<semaphore_mem>>)
    %dma_start3A_418 = arith.constant 8 : i32
    %dma_start3A_419 = arith.constant 896 : i32
    %dma_start3A_420 = tpu.memref_slice %arg9[%dma_start3A_418, %dma_start3A_419] : memref<16x1024xf32, #tpu.memory_space<vmem>> -> memref<8x128xf32, #tpu.memory_space<vmem>>
    %dma_start3A_421 = arith.constant 8 : i32
    %dma_start3A_422 = tpu.memref_slice %arg4[%dma_start3A_421, %multiple_of3A_390] : memref<16x1000000xf32, #tpu.memory_space<hbm>> -> memref<8x128xf32, #tpu.memory_space<hbm>>
    %dma_start3A_423 = arith.constant 8 : i32
    %dma_start3A_424 = arith.constant 896 : i32
    %dma_start3A_425 = tpu.memref_slice %arg9[%dma_start3A_423, %dma_start3A_424] : memref<16x1024xf32, #tpu.memory_space<vmem>> -> memref<8x128xf32, #tpu.memory_space<vmem>>
    %dma_start3A_426 = arith.constant 8 : i32
    %dma_start3A_427 = tpu.memref_slice %arg4[%dma_start3A_426, %multiple_of3A_390] : memref<16x1000000xf32, #tpu.memory_space<hbm>> -> memref<8x128xf32, #tpu.memory_space<hbm>>
    tpu.enqueue_dma source(%dma_start3A_427 : memref<8x128xf32, #tpu.memory_space<hbm>>) target(%dma_start3A_425 : memref<8x128xf32, #tpu.memory_space<vmem>>) target_semaphore(%arg14 : memref<!tpu.dma_semaphore, #tpu.memory_space<semaphore_mem>>)
    %dma_start3A_428 = arith.constant 8 : i32
    %dma_start3A_429 = arith.constant 896 : i32
    %dma_start3A_430 = tpu.memref_slice %arg10[%dma_start3A_428, %dma_start3A_429] : memref<16x1024xf32, #tpu.memory_space<vmem>> -> memref<8x128xf32, #tpu.memory_space<vmem>>
    %dma_start3A_431 = arith.constant 8 : i32
    %dma_start3A_432 = tpu.memref_slice %arg5[%dma_start3A_431, %multiple_of3A_397] : memref<16x1000000xf32, #tpu.memory_space<hbm>> -> memref<8x128xf32, #tpu.memory_space<hbm>>
    %dma_start3A_433 = arith.constant 8 : i32
    %dma_start3A_434 = arith.constant 896 : i32
    %dma_start3A_435 = tpu.memref_slice %arg10[%dma_start3A_433, %dma_start3A_434] : memref<16x1024xf32, #tpu.memory_space<vmem>> -> memref<8x128xf32, #tpu.memory_space<vmem>>
    %dma_start3A_436 = arith.constant 8 : i32
    %dma_start3A_437 = tpu.memref_slice %arg5[%dma_start3A_436, %multiple_of3A_397] : memref<16x1000000xf32, #tpu.memory_space<hbm>> -> memref<8x128xf32, #tpu.memory_space<hbm>>
    tpu.enqueue_dma source(%dma_start3A_437 : memref<8x128xf32, #tpu.memory_space<hbm>>) target(%dma_start3A_435 : memref<8x128xf32, #tpu.memory_space<vmem>>) target_semaphore(%arg14 : memref<!tpu.dma_semaphore, #tpu.memory_space<semaphore_mem>>)
    %scan3A = arith.constant 0 : i32
    %scan3A_438 = arith.constant 0 : i32
    %scan3A_439 = arith.constant 32 : i32
    %scan3A_440 = arith.addi %scan3A_438, %scan3A_439 : i32
    %scan3A_441 = arith.constant 1 : i32
    %scan3A_442 = scf.for %scan3A_444 = %scan3A_438 to %scan3A_440 step %scan3A_441 iter_args(%scan3A_445 = %scan3A) -> (i32)  : i32 {
      %mul3A_446 = arith.constant 16 : i32
      %mul3A_447 = arith.muli %scan3A_444, %mul3A_446 : i32
      %get3A_448 = arith.index_cast %mul3A_447 : i32 to index
      %get3A_449 = tpu.vector_load %arg7[%get3A_448] {strides = array<i32>} : memref<512xi32, #tpu.memory_space<vmem>>, vector<16xi32>,
      %mul3A_450 = arith.constant 16 : i32
      %mul3A_451 = arith.muli %scan3A_444, %mul3A_450 : i32
      %get3A_452 = arith.index_cast %mul3A_451 : i32 to index
      %get3A_453 = tpu.vector_load %arg8[%get3A_452] {strides = array<i32>} : memref<512xi32, #tpu.memory_space<vmem>>, vector<16xi32>,
      %slice3A_454 = vector.extract_strided_slice %get3A_449 {offsets = [8], sizes = [1], strides = [1]} : vector<16xi32> to vector<1xi32>
      %squeeze3A_455 = vector.extract %slice3A_454[0] : i32 from vector<1xi32>
      %shift_right_arithmetic3A_456 = arith.constant 7 : i32
      %shift_right_arithmetic3A_457 = arith.shrsi %squeeze3A_455, %shift_right_arithmetic3A_456 : i32
      %mul3A_458 = arith.constant 128 : i32
      %mul3A_459 = arith.muli %shift_right_arithmetic3A_457, %mul3A_458 : i32
      %multiple_of3A_460 = tpu.assume_multiple %mul3A_459, 128 : i32
      %slice3A_461 = vector.extract_strided_slice %get3A_453 {offsets = [8], sizes = [1], strides = [1]} : vector<16xi32> to vector<1xi32>
      %squeeze3A_462 = vector.extract %slice3A_461[0] : i32 from vector<1xi32>
      %shift_right_arithmetic3A_463 = arith.constant 7 : i32
      %shift_right_arithmetic3A_464 = arith.shrsi %squeeze3A_462, %shift_right_arithmetic3A_463 : i32
      %mul3A_465 = arith.constant 128 : i32
      %mul3A_466 = arith.muli %shift_right_arithmetic3A_464, %mul3A_465 : i32
      %multiple_of3A_467 = tpu.assume_multiple %mul3A_466, 128 : i32
      %dma_start3A_468 = arith.constant 0 : i32
      %dma_start3A_469 = arith.constant 0 : i32
      %dma_start3A_470 = tpu.memref_slice %arg11[%dma_start3A_468, %dma_start3A_469] : memref<16x1024xf32, #tpu.memory_space<vmem>> -> memref<8x128xf32, #tpu.memory_space<vmem>>
      %dma_start3A_471 = arith.constant 0 : i32
      %dma_start3A_472 = tpu.memref_slice %arg4[%dma_start3A_471, %multiple_of3A_460] : memref<16x1000000xf32, #tpu.memory_space<hbm>> -> memref<8x128xf32, #tpu.memory_space<hbm>>
      %dma_start3A_473 = arith.constant 0 : i32
      %dma_start3A_474 = arith.constant 0 : i32
      %dma_start3A_475 = tpu.memref_slice %arg11[%dma_start3A_473, %dma_start3A_474] : memref<16x1024xf32, #tpu.memory_space<vmem>> -> memref<8x128xf32, #tpu.memory_space<vmem>>
      %dma_start3A_476 = arith.constant 0 : i32
      %dma_start3A_477 = tpu.memref_slice %arg4[%dma_start3A_476, %multiple_of3A_460] : memref<16x1000000xf32, #tpu.memory_space<hbm>> -> memref<8x128xf32, #tpu.memory_space<hbm>>
      tpu.enqueue_dma source(%dma_start3A_477 : memref<8x128xf32, #tpu.memory_space<hbm>>) target(%dma_start3A_475 : memref<8x128xf32, #tpu.memory_space<vmem>>) target_semaphore(%arg15 : memref<!tpu.dma_semaphore, #tpu.memory_space<semaphore_mem>>)
      %dma_start3A_478 = arith.constant 0 : i32
      %dma_start3A_479 = arith.constant 0 : i32
      %dma_start3A_480 = tpu.memref_slice %arg12[%dma_start3A_478, %dma_start3A_479] : memref<16x1024xf32, #tpu.memory_space<vmem>> -> memref<8x128xf32, #tpu.memory_space<vmem>>
      %dma_start3A_481 = arith.constant 0 : i32
      %dma_start3A_482 = tpu.memref_slice %arg5[%dma_start3A_481, %multiple_of3A_467] : memref<16x1000000xf32, #tpu.memory_space<hbm>> -> memref<8x128xf32, #tpu.memory_space<hbm>>
      %dma_start3A_483 = arith.constant 0 : i32
      %dma_start3A_484 = arith.constant 0 : i32
      %dma_start3A_485 = tpu.memref_slice %arg12[%dma_start3A_483, %dma_start3A_484] : memref<16x1024xf32, #tpu.memory_space<vmem>> -> memref<8x128xf32, #tpu.memory_space<vmem>>
      %dma_start3A_486 = arith.constant 0 : i32
      %dma_start3A_487 = tpu.memref_slice %arg5[%dma_start3A_486, %multiple_of3A_467] : memref<16x1000000xf32, #tpu.memory_space<hbm>> -> memref<8x128xf32, #tpu.memory_space<hbm>>
      tpu.enqueue_dma source(%dma_start3A_487 : memref<8x128xf32, #tpu.memory_space<hbm>>) target(%dma_start3A_485 : memref<8x128xf32, #tpu.memory_space<vmem>>) target_semaphore(%arg15 : memref<!tpu.dma_semaphore, #tpu.memory_space<semaphore_mem>>)
      %dma_start3A_488 = arith.constant 8 : i32
      %dma_start3A_489 = arith.constant 0 : i32
      %dma_start3A_490 = tpu.memref_slice %arg11[%dma_start3A_488, %dma_start3A_489] : memref<16x1024xf32, #tpu.memory_space<vmem>> -> memref<8x128xf32, #tpu.memory_space<vmem>>
      %dma_start3A_491 = arith.constant 8 : i32
      %dma_start3A_492 = tpu.memref_slice %arg4[%dma_start3A_491, %multiple_of3A_460] : memref<16x1000000xf32, #tpu.memory_space<hbm>> -> memref<8x128xf32, #tpu.memory_space<hbm>>
      %dma_start3A_493 = arith.constant 8 : i32
      %dma_start3A_494 = arith.constant 0 : i32
      %dma_start3A_495 = tpu.memref_slice %arg11[%dma_start3A_493, %dma_start3A_494] : memref<16x1024xf32, #tpu.memory_space<vmem>> -> memref<8x128xf32, #tpu.memory_space<vmem>>
      %dma_start3A_496 = arith.constant 8 : i32
      %dma_start3A_497 = tpu.memref_slice %arg4[%dma_start3A_496, %multiple_of3A_460] : memref<16x1000000xf32, #tpu.memory_space<hbm>> -> memref<8x128xf32, #tpu.memory_space<hbm>>
      tpu.enqueue_dma source(%dma_start3A_497 : memref<8x128xf32, #tpu.memory_space<hbm>>) target(%dma_start3A_495 : memref<8x128xf32, #tpu.memory_space<vmem>>) target_semaphore(%arg15 : memref<!tpu.dma_semaphore, #tpu.memory_space<semaphore_mem>>)
      %dma_start3A_498 = arith.constant 8 : i32
      %dma_start3A_499 = arith.constant 0 : i32
      %dma_start3A_500 = tpu.memref_slice %arg12[%dma_start3A_498, %dma_start3A_499] : memref<16x1024xf32, #tpu.memory_space<vmem>> -> memref<8x128xf32, #tpu.memory_space<vmem>>
      %dma_start3A_501 = arith.constant 8 : i32
      %dma_start3A_502 = tpu.memref_slice %arg5[%dma_start3A_501, %multiple_of3A_467] : memref<16x1000000xf32, #tpu.memory_space<hbm>> -> memref<8x128xf32, #tpu.memory_space<hbm>>
      %dma_start3A_503 = arith.constant 8 : i32
      %dma_start3A_504 = arith.constant 0 : i32
      %dma_start3A_505 = tpu.memref_slice %arg12[%dma_start3A_503, %dma_start3A_504] : memref<16x1024xf32, #tpu.memory_space<vmem>> -> memref<8x128xf32, #tpu.memory_space<vmem>>
      %dma_start3A_506 = arith.constant 8 : i32
      %dma_start3A_507 = tpu.memref_slice %arg5[%dma_start3A_506, %multiple_of3A_467] : memref<16x1000000xf32, #tpu.memory_space<hbm>> -> memref<8x128xf32, #tpu.memory_space<hbm>>
      tpu.enqueue_dma source(%dma_start3A_507 : memref<8x128xf32, #tpu.memory_space<hbm>>) target(%dma_start3A_505 : memref<8x128xf32, #tpu.memory_space<vmem>>) target_semaphore(%arg15 : memref<!tpu.dma_semaphore, #tpu.memory_space<semaphore_mem>>)
      %slice3A_508 = vector.extract_strided_slice %get3A_449 {offsets = [9], sizes = [1], strides = [1]} : vector<16xi32> to vector<1xi32>
      %squeeze3A_509 = vector.extract %slice3A_508[0] : i32 from vector<1xi32>
      %shift_right_arithmetic3A_510 = arith.constant 7 : i32
      %shift_right_arithmetic3A_511 = arith.shrsi %squeeze3A_509, %shift_right_arithmetic3A_510 : i32
      %mul3A_512 = arith.constant 128 : i32
      %mul3A_513 = arith.muli %shift_right_arithmetic3A_511, %mul3A_512 : i32
      %multiple_of3A_514 = tpu.assume_multiple %mul3A_513, 128 : i32
      %slice3A_515 = vector.extract_strided_slice %get3A_453 {offsets = [9], sizes = [1], strides = [1]} : vector<16xi32> to vector<1xi32>
      %squeeze3A_516 = vector.extract %slice3A_515[0] : i32 from vector<1xi32>
      %shift_right_arithmetic3A_517 = arith.constant 7 : i32
      %shift_right_arithmetic3A_518 = arith.shrsi %squeeze3A_516, %shift_right_arithmetic3A_517 : i32
      %mul3A_519 = arith.constant 128 : i32
      %mul3A_520 = arith.muli %shift_right_arithmetic3A_518, %mul3A_519 : i32
      %multiple_of3A_521 = tpu.assume_multiple %mul3A_520, 128 : i32
      %dma_start3A_522 = arith.constant 0 : i32
      %dma_start3A_523 = arith.constant 128 : i32
      %dma_start3A_524 = tpu.memref_slice %arg11[%dma_start3A_522, %dma_start3A_523] : memref<16x1024xf32, #tpu.memory_space<vmem>> -> memref<8x128xf32, #tpu.memory_space<vmem>>
      %dma_start3A_525 = arith.constant 0 : i32
      %dma_start3A_526 = tpu.memref_slice %arg4[%dma_start3A_525, %multiple_of3A_514] : memref<16x1000000xf32, #tpu.memory_space<hbm>> -> memref<8x128xf32, #tpu.memory_space<hbm>>
      %dma_start3A_527 = arith.constant 0 : i32
      %dma_start3A_528 = arith.constant 128 : i32
      %dma_start3A_529 = tpu.memref_slice %arg11[%dma_start3A_527, %dma_start3A_528] : memref<16x1024xf32, #tpu.memory_space<vmem>> -> memref<8x128xf32, #tpu.memory_space<vmem>>
      %dma_start3A_530 = arith.constant 0 : i32
      %dma_start3A_531 = tpu.memref_slice %arg4[%dma_start3A_530, %multiple_of3A_514] : memref<16x1000000xf32, #tpu.memory_space<hbm>> -> memref<8x128xf32, #tpu.memory_space<hbm>>
      tpu.enqueue_dma source(%dma_start3A_531 : memref<8x128xf32, #tpu.memory_space<hbm>>) target(%dma_start3A_529 : memref<8x128xf32, #tpu.memory_space<vmem>>) target_semaphore(%arg15 : memref<!tpu.dma_semaphore, #tpu.memory_space<semaphore_mem>>)
      %dma_start3A_532 = arith.constant 0 : i32
      %dma_start3A_533 = arith.constant 128 : i32
      %dma_start3A_534 = tpu.memref_slice %arg12[%dma_start3A_532, %dma_start3A_533] : memref<16x1024xf32, #tpu.memory_space<vmem>> -> memref<8x128xf32, #tpu.memory_space<vmem>>
      %dma_start3A_535 = arith.constant 0 : i32
      %dma_start3A_536 = tpu.memref_slice %arg5[%dma_start3A_535, %multiple_of3A_521] : memref<16x1000000xf32, #tpu.memory_space<hbm>> -> memref<8x128xf32, #tpu.memory_space<hbm>>
      %dma_start3A_537 = arith.constant 0 : i32
      %dma_start3A_538 = arith.constant 128 : i32
      %dma_start3A_539 = tpu.memref_slice %arg12[%dma_start3A_537, %dma_start3A_538] : memref<16x1024xf32, #tpu.memory_space<vmem>> -> memref<8x128xf32, #tpu.memory_space<vmem>>
      %dma_start3A_540 = arith.constant 0 : i32
      %dma_start3A_541 = tpu.memref_slice %arg5[%dma_start3A_540, %multiple_of3A_521] : memref<16x1000000xf32, #tpu.memory_space<hbm>> -> memref<8x128xf32, #tpu.memory_space<hbm>>
      tpu.enqueue_dma source(%dma_start3A_541 : memref<8x128xf32, #tpu.memory_space<hbm>>) target(%dma_start3A_539 : memref<8x128xf32, #tpu.memory_space<vmem>>) target_semaphore(%arg15 : memref<!tpu.dma_semaphore, #tpu.memory_space<semaphore_mem>>)
      %dma_start3A_542 = arith.constant 8 : i32
      %dma_start3A_543 = arith.constant 128 : i32
      %dma_start3A_544 = tpu.memref_slice %arg11[%dma_start3A_542, %dma_start3A_543] : memref<16x1024xf32, #tpu.memory_space<vmem>> -> memref<8x128xf32, #tpu.memory_space<vmem>>
      %dma_start3A_545 = arith.constant 8 : i32
      %dma_start3A_546 = tpu.memref_slice %arg4[%dma_start3A_545, %multiple_of3A_514] : memref<16x1000000xf32, #tpu.memory_space<hbm>> -> memref<8x128xf32, #tpu.memory_space<hbm>>
      %dma_start3A_547 = arith.constant 8 : i32
      %dma_start3A_548 = arith.constant 128 : i32
      %dma_start3A_549 = tpu.memref_slice %arg11[%dma_start3A_547, %dma_start3A_548] : memref<16x1024xf32, #tpu.memory_space<vmem>> -> memref<8x128xf32, #tpu.memory_space<vmem>>
      %dma_start3A_550 = arith.constant 8 : i32
      %dma_start3A_551 = tpu.memref_slice %arg4[%dma_start3A_550, %multiple_of3A_514] : memref<16x1000000xf32, #tpu.memory_space<hbm>> -> memref<8x128xf32, #tpu.memory_space<hbm>>
      tpu.enqueue_dma source(%dma_start3A_551 : memref<8x128xf32, #tpu.memory_space<hbm>>) target(%dma_start3A_549 : memref<8x128xf32, #tpu.memory_space<vmem>>) target_semaphore(%arg15 : memref<!tpu.dma_semaphore, #tpu.memory_space<semaphore_mem>>)
      %dma_start3A_552 = arith.constant 8 : i32
      %dma_start3A_553 = arith.constant 128 : i32
      %dma_start3A_554 = tpu.memref_slice %arg12[%dma_start3A_552, %dma_start3A_553] : memref<16x1024xf32, #tpu.memory_space<vmem>> -> memref<8x128xf32, #tpu.memory_space<vmem>>
      %dma_start3A_555 = arith.constant 8 : i32
      %dma_start3A_556 = tpu.memref_slice %arg5[%dma_start3A_555, %multiple_of3A_521] : memref<16x1000000xf32, #tpu.memory_space<hbm>> -> memref<8x128xf32, #tpu.memory_space<hbm>>
      %dma_start3A_557 = arith.constant 8 : i32
      %dma_start3A_558 = arith.constant 128 : i32
      %dma_start3A_559 = tpu.memref_slice %arg12[%dma_start3A_557, %dma_start3A_558] : memref<16x1024xf32, #tpu.memory_space<vmem>> -> memref<8x128xf32, #tpu.memory_space<vmem>>
      %dma_start3A_560 = arith.constant 8 : i32
      %dma_start3A_561 = tpu.memref_slice %arg5[%dma_start3A_560, %multiple_of3A_521] : memref<16x1000000xf32, #tpu.memory_space<hbm>> -> memref<8x128xf32, #tpu.memory_space<hbm>>
      tpu.enqueue_dma source(%dma_start3A_561 : memref<8x128xf32, #tpu.memory_space<hbm>>) target(%dma_start3A_559 : memref<8x128xf32, #tpu.memory_space<vmem>>) target_semaphore(%arg15 : memref<!tpu.dma_semaphore, #tpu.memory_space<semaphore_mem>>)
      %slice3A_562 = vector.extract_strided_slice %get3A_449 {offsets = [10], sizes = [1], strides = [1]} : vector<16xi32> to vector<1xi32>
      %squeeze3A_563 = vector.extract %slice3A_562[0] : i32 from vector<1xi32>
      %shift_right_arithmetic3A_564 = arith.constant 7 : i32
      %shift_right_arithmetic3A_565 = arith.shrsi %squeeze3A_563, %shift_right_arithmetic3A_564 : i32
      %mul3A_566 = arith.constant 128 : i32
      %mul3A_567 = arith.muli %shift_right_arithmetic3A_565, %mul3A_566 : i32
      %multiple_of3A_568 = tpu.assume_multiple %mul3A_567, 128 : i32
      %slice3A_569 = vector.extract_strided_slice %get3A_453 {offsets = [10], sizes = [1], strides = [1]} : vector<16xi32> to vector<1xi32>
      %squeeze3A_570 = vector.extract %slice3A_569[0] : i32 from vector<1xi32>
      %shift_right_arithmetic3A_571 = arith.constant 7 : i32
      %shift_right_arithmetic3A_572 = arith.shrsi %squeeze3A_570, %shift_right_arithmetic3A_571 : i32
      %mul3A_573 = arith.constant 128 : i32
      %mul3A_574 = arith.muli %shift_right_arithmetic3A_572, %mul3A_573 : i32
      %multiple_of3A_575 = tpu.assume_multiple %mul3A_574, 128 : i32
      %dma_start3A_576 = arith.constant 0 : i32
      %dma_start3A_577 = arith.constant 256 : i32
      %dma_start3A_578 = tpu.memref_slice %arg11[%dma_start3A_576, %dma_start3A_577] : memref<16x1024xf32, #tpu.memory_space<vmem>> -> memref<8x128xf32, #tpu.memory_space<vmem>>
      %dma_start3A_579 = arith.constant 0 : i32
      %dma_start3A_580 = tpu.memref_slice %arg4[%dma_start3A_579, %multiple_of3A_568] : memref<16x1000000xf32, #tpu.memory_space<hbm>> -> memref<8x128xf32, #tpu.memory_space<hbm>>
      %dma_start3A_581 = arith.constant 0 : i32
      %dma_start3A_582 = arith.constant 256 : i32
      %dma_start3A_583 = tpu.memref_slice %arg11[%dma_start3A_581, %dma_start3A_582] : memref<16x1024xf32, #tpu.memory_space<vmem>> -> memref<8x128xf32, #tpu.memory_space<vmem>>
      %dma_start3A_584 = arith.constant 0 : i32
      %dma_start3A_585 = tpu.memref_slice %arg4[%dma_start3A_584, %multiple_of3A_568] : memref<16x1000000xf32, #tpu.memory_space<hbm>> -> memref<8x128xf32, #tpu.memory_space<hbm>>
      tpu.enqueue_dma source(%dma_start3A_585 : memref<8x128xf32, #tpu.memory_space<hbm>>) target(%dma_start3A_583 : memref<8x128xf32, #tpu.memory_space<vmem>>) target_semaphore(%arg15 : memref<!tpu.dma_semaphore, #tpu.memory_space<semaphore_mem>>)
      %dma_start3A_586 = arith.constant 0 : i32
      %dma_start3A_587 = arith.constant 256 : i32
      %dma_start3A_588 = tpu.memref_slice %arg12[%dma_start3A_586, %dma_start3A_587] : memref<16x1024xf32, #tpu.memory_space<vmem>> -> memref<8x128xf32, #tpu.memory_space<vmem>>
      %dma_start3A_589 = arith.constant 0 : i32
      %dma_start3A_590 = tpu.memref_slice %arg5[%dma_start3A_589, %multiple_of3A_575] : memref<16x1000000xf32, #tpu.memory_space<hbm>> -> memref<8x128xf32, #tpu.memory_space<hbm>>
      %dma_start3A_591 = arith.constant 0 : i32
      %dma_start3A_592 = arith.constant 256 : i32
      %dma_start3A_593 = tpu.memref_slice %arg12[%dma_start3A_591, %dma_start3A_592] : memref<16x1024xf32, #tpu.memory_space<vmem>> -> memref<8x128xf32, #tpu.memory_space<vmem>>
      %dma_start3A_594 = arith.constant 0 : i32
      %dma_start3A_595 = tpu.memref_slice %arg5[%dma_start3A_594, %multiple_of3A_575] : memref<16x1000000xf32, #tpu.memory_space<hbm>> -> memref<8x128xf32, #tpu.memory_space<hbm>>
      tpu.enqueue_dma source(%dma_start3A_595 : memref<8x128xf32, #tpu.memory_space<hbm>>) target(%dma_start3A_593 : memref<8x128xf32, #tpu.memory_space<vmem>>) target_semaphore(%arg15 : memref<!tpu.dma_semaphore, #tpu.memory_space<semaphore_mem>>)
      %dma_start3A_596 = arith.constant 8 : i32
      %dma_start3A_597 = arith.constant 256 : i32
      %dma_start3A_598 = tpu.memref_slice %arg11[%dma_start3A_596, %dma_start3A_597] : memref<16x1024xf32, #tpu.memory_space<vmem>> -> memref<8x128xf32, #tpu.memory_space<vmem>>
      %dma_start3A_599 = arith.constant 8 : i32
      %dma_start3A_600 = tpu.memref_slice %arg4[%dma_start3A_599, %multiple_of3A_568] : memref<16x1000000xf32, #tpu.memory_space<hbm>> -> memref<8x128xf32, #tpu.memory_space<hbm>>
      %dma_start3A_601 = arith.constant 8 : i32
      %dma_start3A_602 = arith.constant 256 : i32
      %dma_start3A_603 = tpu.memref_slice %arg11[%dma_start3A_601, %dma_start3A_602] : memref<16x1024xf32, #tpu.memory_space<vmem>> -> memref<8x128xf32, #tpu.memory_space<vmem>>
      %dma_start3A_604 = arith.constant 8 : i32
      %dma_start3A_605 = tpu.memref_slice %arg4[%dma_start3A_604, %multiple_of3A_568] : memref<16x1000000xf32, #tpu.memory_space<hbm>> -> memref<8x128xf32, #tpu.memory_space<hbm>>
      tpu.enqueue_dma source(%dma_start3A_605 : memref<8x128xf32, #tpu.memory_space<hbm>>) target(%dma_start3A_603 : memref<8x128xf32, #tpu.memory_space<vmem>>) target_semaphore(%arg15 : memref<!tpu.dma_semaphore, #tpu.memory_space<semaphore_mem>>)
      %dma_start3A_606 = arith.constant 8 : i32
      %dma_start3A_607 = arith.constant 256 : i32
      %dma_start3A_608 = tpu.memref_slice %arg12[%dma_start3A_606, %dma_start3A_607] : memref<16x1024xf32, #tpu.memory_space<vmem>> -> memref<8x128xf32, #tpu.memory_space<vmem>>
      %dma_start3A_609 = arith.constant 8 : i32
      %dma_start3A_610 = tpu.memref_slice %arg5[%dma_start3A_609, %multiple_of3A_575] : memref<16x1000000xf32, #tpu.memory_space<hbm>> -> memref<8x128xf32, #tpu.memory_space<hbm>>
      %dma_start3A_611 = arith.constant 8 : i32
      %dma_start3A_612 = arith.constant 256 : i32
      %dma_start3A_613 = tpu.memref_slice %arg12[%dma_start3A_611, %dma_start3A_612] : memref<16x1024xf32, #tpu.memory_space<vmem>> -> memref<8x128xf32, #tpu.memory_space<vmem>>
      %dma_start3A_614 = arith.constant 8 : i32
      %dma_start3A_615 = tpu.memref_slice %arg5[%dma_start3A_614, %multiple_of3A_575] : memref<16x1000000xf32, #tpu.memory_space<hbm>> -> memref<8x128xf32, #tpu.memory_space<hbm>>
      tpu.enqueue_dma source(%dma_start3A_615 : memref<8x128xf32, #tpu.memory_space<hbm>>) target(%dma_start3A_613 : memref<8x128xf32, #tpu.memory_space<vmem>>) target_semaphore(%arg15 : memref<!tpu.dma_semaphore, #tpu.memory_space<semaphore_mem>>)
      %slice3A_616 = vector.extract_strided_slice %get3A_449 {offsets = [11], sizes = [1], strides = [1]} : vector<16xi32> to vector<1xi32>
      %squeeze3A_617 = vector.extract %slice3A_616[0] : i32 from vector<1xi32>
      %shift_right_arithmetic3A_618 = arith.constant 7 : i32
      %shift_right_arithmetic3A_619 = arith.shrsi %squeeze3A_617, %shift_right_arithmetic3A_618 : i32
      %mul3A_620 = arith.constant 128 : i32
      %mul3A_621 = arith.muli %shift_right_arithmetic3A_619, %mul3A_620 : i32
      %multiple_of3A_622 = tpu.assume_multiple %mul3A_621, 128 : i32
      %slice3A_623 = vector.extract_strided_slice %get3A_453 {offsets = [11], sizes = [1], strides = [1]} : vector<16xi32> to vector<1xi32>
      %squeeze3A_624 = vector.extract %slice3A_623[0] : i32 from vector<1xi32>
      %shift_right_arithmetic3A_625 = arith.constant 7 : i32
      %shift_right_arithmetic3A_626 = arith.shrsi %squeeze3A_624, %shift_right_arithmetic3A_625 : i32
      %mul3A_627 = arith.constant 128 : i32
      %mul3A_628 = arith.muli %shift_right_arithmetic3A_626, %mul3A_627 : i32
      %multiple_of3A_629 = tpu.assume_multiple %mul3A_628, 128 : i32
      %dma_start3A_630 = arith.constant 0 : i32
      %dma_start3A_631 = arith.constant 384 : i32
      %dma_start3A_632 = tpu.memref_slice %arg11[%dma_start3A_630, %dma_start3A_631] : memref<16x1024xf32, #tpu.memory_space<vmem>> -> memref<8x128xf32, #tpu.memory_space<vmem>>
      %dma_start3A_633 = arith.constant 0 : i32
      %dma_start3A_634 = tpu.memref_slice %arg4[%dma_start3A_633, %multiple_of3A_622] : memref<16x1000000xf32, #tpu.memory_space<hbm>> -> memref<8x128xf32, #tpu.memory_space<hbm>>
      %dma_start3A_635 = arith.constant 0 : i32
      %dma_start3A_636 = arith.constant 384 : i32
      %dma_start3A_637 = tpu.memref_slice %arg11[%dma_start3A_635, %dma_start3A_636] : memref<16x1024xf32, #tpu.memory_space<vmem>> -> memref<8x128xf32, #tpu.memory_space<vmem>>
      %dma_start3A_638 = arith.constant 0 : i32
      %dma_start3A_639 = tpu.memref_slice %arg4[%dma_start3A_638, %multiple_of3A_622] : memref<16x1000000xf32, #tpu.memory_space<hbm>> -> memref<8x128xf32, #tpu.memory_space<hbm>>
      tpu.enqueue_dma source(%dma_start3A_639 : memref<8x128xf32, #tpu.memory_space<hbm>>) target(%dma_start3A_637 : memref<8x128xf32, #tpu.memory_space<vmem>>) target_semaphore(%arg15 : memref<!tpu.dma_semaphore, #tpu.memory_space<semaphore_mem>>)
      %dma_start3A_640 = arith.constant 0 : i32
      %dma_start3A_641 = arith.constant 384 : i32
      %dma_start3A_642 = tpu.memref_slice %arg12[%dma_start3A_640, %dma_start3A_641] : memref<16x1024xf32, #tpu.memory_space<vmem>> -> memref<8x128xf32, #tpu.memory_space<vmem>>
      %dma_start3A_643 = arith.constant 0 : i32
      %dma_start3A_644 = tpu.memref_slice %arg5[%dma_start3A_643, %multiple_of3A_629] : memref<16x1000000xf32, #tpu.memory_space<hbm>> -> memref<8x128xf32, #tpu.memory_space<hbm>>
      %dma_start3A_645 = arith.constant 0 : i32
      %dma_start3A_646 = arith.constant 384 : i32
      %dma_start3A_647 = tpu.memref_slice %arg12[%dma_start3A_645, %dma_start3A_646] : memref<16x1024xf32, #tpu.memory_space<vmem>> -> memref<8x128xf32, #tpu.memory_space<vmem>>
      %dma_start3A_648 = arith.constant 0 : i32
      %dma_start3A_649 = tpu.memref_slice %arg5[%dma_start3A_648, %multiple_of3A_629] : memref<16x1000000xf32, #tpu.memory_space<hbm>> -> memref<8x128xf32, #tpu.memory_space<hbm>>
      tpu.enqueue_dma source(%dma_start3A_649 : memref<8x128xf32, #tpu.memory_space<hbm>>) target(%dma_start3A_647 : memref<8x128xf32, #tpu.memory_space<vmem>>) target_semaphore(%arg15 : memref<!tpu.dma_semaphore, #tpu.memory_space<semaphore_mem>>)
      %dma_start3A_650 = arith.constant 8 : i32
      %dma_start3A_651 = arith.constant 384 : i32
      %dma_start3A_652 = tpu.memref_slice %arg11[%dma_start3A_650, %dma_start3A_651] : memref<16x1024xf32, #tpu.memory_space<vmem>> -> memref<8x128xf32, #tpu.memory_space<vmem>>
      %dma_start3A_653 = arith.constant 8 : i32
      %dma_start3A_654 = tpu.memref_slice %arg4[%dma_start3A_653, %multiple_of3A_622] : memref<16x1000000xf32, #tpu.memory_space<hbm>> -> memref<8x128xf32, #tpu.memory_space<hbm>>
      %dma_start3A_655 = arith.constant 8 : i32
      %dma_start3A_656 = arith.constant 384 : i32
      %dma_start3A_657 = tpu.memref_slice %arg11[%dma_start3A_655, %dma_start3A_656] : memref<16x1024xf32, #tpu.memory_space<vmem>> -> memref<8x128xf32, #tpu.memory_space<vmem>>
      %dma_start3A_658 = arith.constant 8 : i32
      %dma_start3A_659 = tpu.memref_slice %arg4[%dma_start3A_658, %multiple_of3A_622] : memref<16x1000000xf32, #tpu.memory_space<hbm>> -> memref<8x128xf32, #tpu.memory_space<hbm>>
      tpu.enqueue_dma source(%dma_start3A_659 : memref<8x128xf32, #tpu.memory_space<hbm>>) target(%dma_start3A_657 : memref<8x128xf32, #tpu.memory_space<vmem>>) target_semaphore(%arg15 : memref<!tpu.dma_semaphore, #tpu.memory_space<semaphore_mem>>)
      %dma_start3A_660 = arith.constant 8 : i32
      %dma_start3A_661 = arith.constant 384 : i32
      %dma_start3A_662 = tpu.memref_slice %arg12[%dma_start3A_660, %dma_start3A_661] : memref<16x1024xf32, #tpu.memory_space<vmem>> -> memref<8x128xf32, #tpu.memory_space<vmem>>
      %dma_start3A_663 = arith.constant 8 : i32
      %dma_start3A_664 = tpu.memref_slice %arg5[%dma_start3A_663, %multiple_of3A_629] : memref<16x1000000xf32, #tpu.memory_space<hbm>> -> memref<8x128xf32, #tpu.memory_space<hbm>>
      %dma_start3A_665 = arith.constant 8 : i32
      %dma_start3A_666 = arith.constant 384 : i32
      %dma_start3A_667 = tpu.memref_slice %arg12[%dma_start3A_665, %dma_start3A_666] : memref<16x1024xf32, #tpu.memory_space<vmem>> -> memref<8x128xf32, #tpu.memory_space<vmem>>
      %dma_start3A_668 = arith.constant 8 : i32
      %dma_start3A_669 = tpu.memref_slice %arg5[%dma_start3A_668, %multiple_of3A_629] : memref<16x1000000xf32, #tpu.memory_space<hbm>> -> memref<8x128xf32, #tpu.memory_space<hbm>>
      tpu.enqueue_dma source(%dma_start3A_669 : memref<8x128xf32, #tpu.memory_space<hbm>>) target(%dma_start3A_667 : memref<8x128xf32, #tpu.memory_space<vmem>>) target_semaphore(%arg15 : memref<!tpu.dma_semaphore, #tpu.memory_space<semaphore_mem>>)
      %slice3A_670 = vector.extract_strided_slice %get3A_449 {offsets = [12], sizes = [1], strides = [1]} : vector<16xi32> to vector<1xi32>
      %squeeze3A_671 = vector.extract %slice3A_670[0] : i32 from vector<1xi32>
      %shift_right_arithmetic3A_672 = arith.constant 7 : i32
      %shift_right_arithmetic3A_673 = arith.shrsi %squeeze3A_671, %shift_right_arithmetic3A_672 : i32
      %mul3A_674 = arith.constant 128 : i32
      %mul3A_675 = arith.muli %shift_right_arithmetic3A_673, %mul3A_674 : i32
      %multiple_of3A_676 = tpu.assume_multiple %mul3A_675, 128 : i32
      %slice3A_677 = vector.extract_strided_slice %get3A_453 {offsets = [12], sizes = [1], strides = [1]} : vector<16xi32> to vector<1xi32>
      %squeeze3A_678 = vector.extract %slice3A_677[0] : i32 from vector<1xi32>
      %shift_right_arithmetic3A_679 = arith.constant 7 : i32
      %shift_right_arithmetic3A_680 = arith.shrsi %squeeze3A_678, %shift_right_arithmetic3A_679 : i32
      %mul3A_681 = arith.constant 128 : i32
      %mul3A_682 = arith.muli %shift_right_arithmetic3A_680, %mul3A_681 : i32
      %multiple_of3A_683 = tpu.assume_multiple %mul3A_682, 128 : i32
      %dma_start3A_684 = arith.constant 0 : i32
      %dma_start3A_685 = arith.constant 512 : i32
      %dma_start3A_686 = tpu.memref_slice %arg11[%dma_start3A_684, %dma_start3A_685] : memref<16x1024xf32, #tpu.memory_space<vmem>> -> memref<8x128xf32, #tpu.memory_space<vmem>>
      %dma_start3A_687 = arith.constant 0 : i32
      %dma_start3A_688 = tpu.memref_slice %arg4[%dma_start3A_687, %multiple_of3A_676] : memref<16x1000000xf32, #tpu.memory_space<hbm>> -> memref<8x128xf32, #tpu.memory_space<hbm>>
      %dma_start3A_689 = arith.constant 0 : i32
      %dma_start3A_690 = arith.constant 512 : i32
      %dma_start3A_691 = tpu.memref_slice %arg11[%dma_start3A_689, %dma_start3A_690] : memref<16x1024xf32, #tpu.memory_space<vmem>> -> memref<8x128xf32, #tpu.memory_space<vmem>>
      %dma_start3A_692 = arith.constant 0 : i32
      %dma_start3A_693 = tpu.memref_slice %arg4[%dma_start3A_692, %multiple_of3A_676] : memref<16x1000000xf32, #tpu.memory_space<hbm>> -> memref<8x128xf32, #tpu.memory_space<hbm>>
      tpu.enqueue_dma source(%dma_start3A_693 : memref<8x128xf32, #tpu.memory_space<hbm>>) target(%dma_start3A_691 : memref<8x128xf32, #tpu.memory_space<vmem>>) target_semaphore(%arg15 : memref<!tpu.dma_semaphore, #tpu.memory_space<semaphore_mem>>)
      %dma_start3A_694 = arith.constant 0 : i32
      %dma_start3A_695 = arith.constant 512 : i32
      %dma_start3A_696 = tpu.memref_slice %arg12[%dma_start3A_694, %dma_start3A_695] : memref<16x1024xf32, #tpu.memory_space<vmem>> -> memref<8x128xf32, #tpu.memory_space<vmem>>
      %dma_start3A_697 = arith.constant 0 : i32
      %dma_start3A_698 = tpu.memref_slice %arg5[%dma_start3A_697, %multiple_of3A_683] : memref<16x1000000xf32, #tpu.memory_space<hbm>> -> memref<8x128xf32, #tpu.memory_space<hbm>>
      %dma_start3A_699 = arith.constant 0 : i32
      %dma_start3A_700 = arith.constant 512 : i32
      %dma_start3A_701 = tpu.memref_slice %arg12[%dma_start3A_699, %dma_start3A_700] : memref<16x1024xf32, #tpu.memory_space<vmem>> -> memref<8x128xf32, #tpu.memory_space<vmem>>
      %dma_start3A_702 = arith.constant 0 : i32
      %dma_start3A_703 = tpu.memref_slice %arg5[%dma_start3A_702, %multiple_of3A_683] : memref<16x1000000xf32, #tpu.memory_space<hbm>> -> memref<8x128xf32, #tpu.memory_space<hbm>>
      tpu.enqueue_dma source(%dma_start3A_703 : memref<8x128xf32, #tpu.memory_space<hbm>>) target(%dma_start3A_701 : memref<8x128xf32, #tpu.memory_space<vmem>>) target_semaphore(%arg15 : memref<!tpu.dma_semaphore, #tpu.memory_space<semaphore_mem>>)
      %dma_start3A_704 = arith.constant 8 : i32
      %dma_start3A_705 = arith.constant 512 : i32
      %dma_start3A_706 = tpu.memref_slice %arg11[%dma_start3A_704, %dma_start3A_705] : memref<16x1024xf32, #tpu.memory_space<vmem>> -> memref<8x128xf32, #tpu.memory_space<vmem>>
      %dma_start3A_707 = arith.constant 8 : i32
      %dma_start3A_708 = tpu.memref_slice %arg4[%dma_start3A_707, %multiple_of3A_676] : memref<16x1000000xf32, #tpu.memory_space<hbm>> -> memref<8x128xf32, #tpu.memory_space<hbm>>
      %dma_start3A_709 = arith.constant 8 : i32
      %dma_start3A_710 = arith.constant 512 : i32
      %dma_start3A_711 = tpu.memref_slice %arg11[%dma_start3A_709, %dma_start3A_710] : memref<16x1024xf32, #tpu.memory_space<vmem>> -> memref<8x128xf32, #tpu.memory_space<vmem>>
      %dma_start3A_712 = arith.constant 8 : i32
      %dma_start3A_713 = tpu.memref_slice %arg4[%dma_start3A_712, %multiple_of3A_676] : memref<16x1000000xf32, #tpu.memory_space<hbm>> -> memref<8x128xf32, #tpu.memory_space<hbm>>
      tpu.enqueue_dma source(%dma_start3A_713 : memref<8x128xf32, #tpu.memory_space<hbm>>) target(%dma_start3A_711 : memref<8x128xf32, #tpu.memory_space<vmem>>) target_semaphore(%arg15 : memref<!tpu.dma_semaphore, #tpu.memory_space<semaphore_mem>>)
      %dma_start3A_714 = arith.constant 8 : i32
      %dma_start3A_715 = arith.constant 512 : i32
      %dma_start3A_716 = tpu.memref_slice %arg12[%dma_start3A_714, %dma_start3A_715] : memref<16x1024xf32, #tpu.memory_space<vmem>> -> memref<8x128xf32, #tpu.memory_space<vmem>>
      %dma_start3A_717 = arith.constant 8 : i32
      %dma_start3A_718 = tpu.memref_slice %arg5[%dma_start3A_717, %multiple_of3A_683] : memref<16x1000000xf32, #tpu.memory_space<hbm>> -> memref<8x128xf32, #tpu.memory_space<hbm>>
      %dma_start3A_719 = arith.constant 8 : i32
      %dma_start3A_720 = arith.constant 512 : i32
      %dma_start3A_721 = tpu.memref_slice %arg12[%dma_start3A_719, %dma_start3A_720] : memref<16x1024xf32, #tpu.memory_space<vmem>> -> memref<8x128xf32, #tpu.memory_space<vmem>>
      %dma_start3A_722 = arith.constant 8 : i32
      %dma_start3A_723 = tpu.memref_slice %arg5[%dma_start3A_722, %multiple_of3A_683] : memref<16x1000000xf32, #tpu.memory_space<hbm>> -> memref<8x128xf32, #tpu.memory_space<hbm>>
      tpu.enqueue_dma source(%dma_start3A_723 : memref<8x128xf32, #tpu.memory_space<hbm>>) target(%dma_start3A_721 : memref<8x128xf32, #tpu.memory_space<vmem>>) target_semaphore(%arg15 : memref<!tpu.dma_semaphore, #tpu.memory_space<semaphore_mem>>)
      %slice3A_724 = vector.extract_strided_slice %get3A_449 {offsets = [13], sizes = [1], strides = [1]} : vector<16xi32> to vector<1xi32>
      %squeeze3A_725 = vector.extract %slice3A_724[0] : i32 from vector<1xi32>
      %shift_right_arithmetic3A_726 = arith.constant 7 : i32
      %shift_right_arithmetic3A_727 = arith.shrsi %squeeze3A_725, %shift_right_arithmetic3A_726 : i32
      %mul3A_728 = arith.constant 128 : i32
      %mul3A_729 = arith.muli %shift_right_arithmetic3A_727, %mul3A_728 : i32
      %multiple_of3A_730 = tpu.assume_multiple %mul3A_729, 128 : i32
      %slice3A_731 = vector.extract_strided_slice %get3A_453 {offsets = [13], sizes = [1], strides = [1]} : vector<16xi32> to vector<1xi32>
      %squeeze3A_732 = vector.extract %slice3A_731[0] : i32 from vector<1xi32>
      %shift_right_arithmetic3A_733 = arith.constant 7 : i32
      %shift_right_arithmetic3A_734 = arith.shrsi %squeeze3A_732, %shift_right_arithmetic3A_733 : i32
      %mul3A_735 = arith.constant 128 : i32
      %mul3A_736 = arith.muli %shift_right_arithmetic3A_734, %mul3A_735 : i32
      %multiple_of3A_737 = tpu.assume_multiple %mul3A_736, 128 : i32
      %dma_start3A_738 = arith.constant 0 : i32
      %dma_start3A_739 = arith.constant 640 : i32
      %dma_start3A_740 = tpu.memref_slice %arg11[%dma_start3A_738, %dma_start3A_739] : memref<16x1024xf32, #tpu.memory_space<vmem>> -> memref<8x128xf32, #tpu.memory_space<vmem>>
      %dma_start3A_741 = arith.constant 0 : i32
      %dma_start3A_742 = tpu.memref_slice %arg4[%dma_start3A_741, %multiple_of3A_730] : memref<16x1000000xf32, #tpu.memory_space<hbm>> -> memref<8x128xf32, #tpu.memory_space<hbm>>
      %dma_start3A_743 = arith.constant 0 : i32
      %dma_start3A_744 = arith.constant 640 : i32
      %dma_start3A_745 = tpu.memref_slice %arg11[%dma_start3A_743, %dma_start3A_744] : memref<16x1024xf32, #tpu.memory_space<vmem>> -> memref<8x128xf32, #tpu.memory_space<vmem>>
      %dma_start3A_746 = arith.constant 0 : i32
      %dma_start3A_747 = tpu.memref_slice %arg4[%dma_start3A_746, %multiple_of3A_730] : memref<16x1000000xf32, #tpu.memory_space<hbm>> -> memref<8x128xf32, #tpu.memory_space<hbm>>
      tpu.enqueue_dma source(%dma_start3A_747 : memref<8x128xf32, #tpu.memory_space<hbm>>) target(%dma_start3A_745 : memref<8x128xf32, #tpu.memory_space<vmem>>) target_semaphore(%arg15 : memref<!tpu.dma_semaphore, #tpu.memory_space<semaphore_mem>>)
      %dma_start3A_748 = arith.constant 0 : i32
      %dma_start3A_749 = arith.constant 640 : i32
      %dma_start3A_750 = tpu.memref_slice %arg12[%dma_start3A_748, %dma_start3A_749] : memref<16x1024xf32, #tpu.memory_space<vmem>> -> memref<8x128xf32, #tpu.memory_space<vmem>>
      %dma_start3A_751 = arith.constant 0 : i32
      %dma_start3A_752 = tpu.memref_slice %arg5[%dma_start3A_751, %multiple_of3A_737] : memref<16x1000000xf32, #tpu.memory_space<hbm>> -> memref<8x128xf32, #tpu.memory_space<hbm>>
      %dma_start3A_753 = arith.constant 0 : i32
      %dma_start3A_754 = arith.constant 640 : i32
      %dma_start3A_755 = tpu.memref_slice %arg12[%dma_start3A_753, %dma_start3A_754] : memref<16x1024xf32, #tpu.memory_space<vmem>> -> memref<8x128xf32, #tpu.memory_space<vmem>>
      %dma_start3A_756 = arith.constant 0 : i32
      %dma_start3A_757 = tpu.memref_slice %arg5[%dma_start3A_756, %multiple_of3A_737] : memref<16x1000000xf32, #tpu.memory_space<hbm>> -> memref<8x128xf32, #tpu.memory_space<hbm>>
      tpu.enqueue_dma source(%dma_start3A_757 : memref<8x128xf32, #tpu.memory_space<hbm>>) target(%dma_start3A_755 : memref<8x128xf32, #tpu.memory_space<vmem>>) target_semaphore(%arg15 : memref<!tpu.dma_semaphore, #tpu.memory_space<semaphore_mem>>)
      %dma_start3A_758 = arith.constant 8 : i32
      %dma_start3A_759 = arith.constant 640 : i32
      %dma_start3A_760 = tpu.memref_slice %arg11[%dma_start3A_758, %dma_start3A_759] : memref<16x1024xf32, #tpu.memory_space<vmem>> -> memref<8x128xf32, #tpu.memory_space<vmem>>
      %dma_start3A_761 = arith.constant 8 : i32
      %dma_start3A_762 = tpu.memref_slice %arg4[%dma_start3A_761, %multiple_of3A_730] : memref<16x1000000xf32, #tpu.memory_space<hbm>> -> memref<8x128xf32, #tpu.memory_space<hbm>>
      %dma_start3A_763 = arith.constant 8 : i32
      %dma_start3A_764 = arith.constant 640 : i32
      %dma_start3A_765 = tpu.memref_slice %arg11[%dma_start3A_763, %dma_start3A_764] : memref<16x1024xf32, #tpu.memory_space<vmem>> -> memref<8x128xf32, #tpu.memory_space<vmem>>
      %dma_start3A_766 = arith.constant 8 : i32
      %dma_start3A_767 = tpu.memref_slice %arg4[%dma_start3A_766, %multiple_of3A_730] : memref<16x1000000xf32, #tpu.memory_space<hbm>> -> memref<8x128xf32, #tpu.memory_space<hbm>>
      tpu.enqueue_dma source(%dma_start3A_767 : memref<8x128xf32, #tpu.memory_space<hbm>>) target(%dma_start3A_765 : memref<8x128xf32, #tpu.memory_space<vmem>>) target_semaphore(%arg15 : memref<!tpu.dma_semaphore, #tpu.memory_space<semaphore_mem>>)
      %dma_start3A_768 = arith.constant 8 : i32
      %dma_start3A_769 = arith.constant 640 : i32
      %dma_start3A_770 = tpu.memref_slice %arg12[%dma_start3A_768, %dma_start3A_769] : memref<16x1024xf32, #tpu.memory_space<vmem>> -> memref<8x128xf32, #tpu.memory_space<vmem>>
      %dma_start3A_771 = arith.constant 8 : i32
      %dma_start3A_772 = tpu.memref_slice %arg5[%dma_start3A_771, %multiple_of3A_737] : memref<16x1000000xf32, #tpu.memory_space<hbm>> -> memref<8x128xf32, #tpu.memory_space<hbm>>
      %dma_start3A_773 = arith.constant 8 : i32
      %dma_start3A_774 = arith.constant 640 : i32
      %dma_start3A_775 = tpu.memref_slice %arg12[%dma_start3A_773, %dma_start3A_774] : memref<16x1024xf32, #tpu.memory_space<vmem>> -> memref<8x128xf32, #tpu.memory_space<vmem>>
      %dma_start3A_776 = arith.constant 8 : i32
      %dma_start3A_777 = tpu.memref_slice %arg5[%dma_start3A_776, %multiple_of3A_737] : memref<16x1000000xf32, #tpu.memory_space<hbm>> -> memref<8x128xf32, #tpu.memory_space<hbm>>
      tpu.enqueue_dma source(%dma_start3A_777 : memref<8x128xf32, #tpu.memory_space<hbm>>) target(%dma_start3A_775 : memref<8x128xf32, #tpu.memory_space<vmem>>) target_semaphore(%arg15 : memref<!tpu.dma_semaphore, #tpu.memory_space<semaphore_mem>>)
      %slice3A_778 = vector.extract_strided_slice %get3A_449 {offsets = [14], sizes = [1], strides = [1]} : vector<16xi32> to vector<1xi32>
      %squeeze3A_779 = vector.extract %slice3A_778[0] : i32 from vector<1xi32>
      %shift_right_arithmetic3A_780 = arith.constant 7 : i32
      %shift_right_arithmetic3A_781 = arith.shrsi %squeeze3A_779, %shift_right_arithmetic3A_780 : i32
      %mul3A_782 = arith.constant 128 : i32
      %mul3A_783 = arith.muli %shift_right_arithmetic3A_781, %mul3A_782 : i32
      %multiple_of3A_784 = tpu.assume_multiple %mul3A_783, 128 : i32
      %slice3A_785 = vector.extract_strided_slice %get3A_453 {offsets = [14], sizes = [1], strides = [1]} : vector<16xi32> to vector<1xi32>
      %squeeze3A_786 = vector.extract %slice3A_785[0] : i32 from vector<1xi32>
      %shift_right_arithmetic3A_787 = arith.constant 7 : i32
      %shift_right_arithmetic3A_788 = arith.shrsi %squeeze3A_786, %shift_right_arithmetic3A_787 : i32
      %mul3A_789 = arith.constant 128 : i32
      %mul3A_790 = arith.muli %shift_right_arithmetic3A_788, %mul3A_789 : i32
      %multiple_of3A_791 = tpu.assume_multiple %mul3A_790, 128 : i32
      %dma_start3A_792 = arith.constant 0 : i32
      %dma_start3A_793 = arith.constant 768 : i32
      %dma_start3A_794 = tpu.memref_slice %arg11[%dma_start3A_792, %dma_start3A_793] : memref<16x1024xf32, #tpu.memory_space<vmem>> -> memref<8x128xf32, #tpu.memory_space<vmem>>
      %dma_start3A_795 = arith.constant 0 : i32
      %dma_start3A_796 = tpu.memref_slice %arg4[%dma_start3A_795, %multiple_of3A_784] : memref<16x1000000xf32, #tpu.memory_space<hbm>> -> memref<8x128xf32, #tpu.memory_space<hbm>>
      %dma_start3A_797 = arith.constant 0 : i32
      %dma_start3A_798 = arith.constant 768 : i32
      %dma_start3A_799 = tpu.memref_slice %arg11[%dma_start3A_797, %dma_start3A_798] : memref<16x1024xf32, #tpu.memory_space<vmem>> -> memref<8x128xf32, #tpu.memory_space<vmem>>
      %dma_start3A_800 = arith.constant 0 : i32
      %dma_start3A_801 = tpu.memref_slice %arg4[%dma_start3A_800, %multiple_of3A_784] : memref<16x1000000xf32, #tpu.memory_space<hbm>> -> memref<8x128xf32, #tpu.memory_space<hbm>>
      tpu.enqueue_dma source(%dma_start3A_801 : memref<8x128xf32, #tpu.memory_space<hbm>>) target(%dma_start3A_799 : memref<8x128xf32, #tpu.memory_space<vmem>>) target_semaphore(%arg15 : memref<!tpu.dma_semaphore, #tpu.memory_space<semaphore_mem>>)
      %dma_start3A_802 = arith.constant 0 : i32
      %dma_start3A_803 = arith.constant 768 : i32
      %dma_start3A_804 = tpu.memref_slice %arg12[%dma_start3A_802, %dma_start3A_803] : memref<16x1024xf32, #tpu.memory_space<vmem>> -> memref<8x128xf32, #tpu.memory_space<vmem>>
      %dma_start3A_805 = arith.constant 0 : i32
      %dma_start3A_806 = tpu.memref_slice %arg5[%dma_start3A_805, %multiple_of3A_791] : memref<16x1000000xf32, #tpu.memory_space<hbm>> -> memref<8x128xf32, #tpu.memory_space<hbm>>
      %dma_start3A_807 = arith.constant 0 : i32
      %dma_start3A_808 = arith.constant 768 : i32
      %dma_start3A_809 = tpu.memref_slice %arg12[%dma_start3A_807, %dma_start3A_808] : memref<16x1024xf32, #tpu.memory_space<vmem>> -> memref<8x128xf32, #tpu.memory_space<vmem>>
      %dma_start3A_810 = arith.constant 0 : i32
      %dma_start3A_811 = tpu.memref_slice %arg5[%dma_start3A_810, %multiple_of3A_791] : memref<16x1000000xf32, #tpu.memory_space<hbm>> -> memref<8x128xf32, #tpu.memory_space<hbm>>
      tpu.enqueue_dma source(%dma_start3A_811 : memref<8x128xf32, #tpu.memory_space<hbm>>) target(%dma_start3A_809 : memref<8x128xf32, #tpu.memory_space<vmem>>) target_semaphore(%arg15 : memref<!tpu.dma_semaphore, #tpu.memory_space<semaphore_mem>>)
      %dma_start3A_812 = arith.constant 8 : i32
      %dma_start3A_813 = arith.constant 768 : i32
      %dma_start3A_814 = tpu.memref_slice %arg11[%dma_start3A_812, %dma_start3A_813] : memref<16x1024xf32, #tpu.memory_space<vmem>> -> memref<8x128xf32, #tpu.memory_space<vmem>>
      %dma_start3A_815 = arith.constant 8 : i32
      %dma_start3A_816 = tpu.memref_slice %arg4[%dma_start3A_815, %multiple_of3A_784] : memref<16x1000000xf32, #tpu.memory_space<hbm>> -> memref<8x128xf32, #tpu.memory_space<hbm>>
      %dma_start3A_817 = arith.constant 8 : i32
      %dma_start3A_818 = arith.constant 768 : i32
      %dma_start3A_819 = tpu.memref_slice %arg11[%dma_start3A_817, %dma_start3A_818] : memref<16x1024xf32, #tpu.memory_space<vmem>> -> memref<8x128xf32, #tpu.memory_space<vmem>>
      %dma_start3A_820 = arith.constant 8 : i32
      %dma_start3A_821 = tpu.memref_slice %arg4[%dma_start3A_820, %multiple_of3A_784] : memref<16x1000000xf32, #tpu.memory_space<hbm>> -> memref<8x128xf32, #tpu.memory_space<hbm>>
      tpu.enqueue_dma source(%dma_start3A_821 : memref<8x128xf32, #tpu.memory_space<hbm>>) target(%dma_start3A_819 : memref<8x128xf32, #tpu.memory_space<vmem>>) target_semaphore(%arg15 : memref<!tpu.dma_semaphore, #tpu.memory_space<semaphore_mem>>)
      %dma_start3A_822 = arith.constant 8 : i32
      %dma_start3A_823 = arith.constant 768 : i32
      %dma_start3A_824 = tpu.memref_slice %arg12[%dma_start3A_822, %dma_start3A_823] : memref<16x1024xf32, #tpu.memory_space<vmem>> -> memref<8x128xf32, #tpu.memory_space<vmem>>
      %dma_start3A_825 = arith.constant 8 : i32
      %dma_start3A_826 = tpu.memref_slice %arg5[%dma_start3A_825, %multiple_of3A_791] : memref<16x1000000xf32, #tpu.memory_space<hbm>> -> memref<8x128xf32, #tpu.memory_space<hbm>>
      %dma_start3A_827 = arith.constant 8 : i32
      %dma_start3A_828 = arith.constant 768 : i32
      %dma_start3A_829 = tpu.memref_slice %arg12[%dma_start3A_827, %dma_start3A_828] : memref<16x1024xf32, #tpu.memory_space<vmem>> -> memref<8x128xf32, #tpu.memory_space<vmem>>
      %dma_start3A_830 = arith.constant 8 : i32
      %dma_start3A_831 = tpu.memref_slice %arg5[%dma_start3A_830, %multiple_of3A_791] : memref<16x1000000xf32, #tpu.memory_space<hbm>> -> memref<8x128xf32, #tpu.memory_space<hbm>>
      tpu.enqueue_dma source(%dma_start3A_831 : memref<8x128xf32, #tpu.memory_space<hbm>>) target(%dma_start3A_829 : memref<8x128xf32, #tpu.memory_space<vmem>>) target_semaphore(%arg15 : memref<!tpu.dma_semaphore, #tpu.memory_space<semaphore_mem>>)
      %slice3A_832 = vector.extract_strided_slice %get3A_449 {offsets = [15], sizes = [1], strides = [1]} : vector<16xi32> to vector<1xi32>
      %squeeze3A_833 = vector.extract %slice3A_832[0] : i32 from vector<1xi32>
      %shift_right_arithmetic3A_834 = arith.constant 7 : i32
      %shift_right_arithmetic3A_835 = arith.shrsi %squeeze3A_833, %shift_right_arithmetic3A_834 : i32
      %mul3A_836 = arith.constant 128 : i32
      %mul3A_837 = arith.muli %shift_right_arithmetic3A_835, %mul3A_836 : i32
      %multiple_of3A_838 = tpu.assume_multiple %mul3A_837, 128 : i32
      %slice3A_839 = vector.extract_strided_slice %get3A_453 {offsets = [15], sizes = [1], strides = [1]} : vector<16xi32> to vector<1xi32>
      %squeeze3A_840 = vector.extract %slice3A_839[0] : i32 from vector<1xi32>
      %shift_right_arithmetic3A_841 = arith.constant 7 : i32
      %shift_right_arithmetic3A_842 = arith.shrsi %squeeze3A_840, %shift_right_arithmetic3A_841 : i32
      %mul3A_843 = arith.constant 128 : i32
      %mul3A_844 = arith.muli %shift_right_arithmetic3A_842, %mul3A_843 : i32
      %multiple_of3A_845 = tpu.assume_multiple %mul3A_844, 128 : i32
      %dma_start3A_846 = arith.constant 0 : i32
      %dma_start3A_847 = arith.constant 896 : i32
      %dma_start3A_848 = tpu.memref_slice %arg11[%dma_start3A_846, %dma_start3A_847] : memref<16x1024xf32, #tpu.memory_space<vmem>> -> memref<8x128xf32, #tpu.memory_space<vmem>>
      %dma_start3A_849 = arith.constant 0 : i32
      %dma_start3A_850 = tpu.memref_slice %arg4[%dma_start3A_849, %multiple_of3A_838] : memref<16x1000000xf32, #tpu.memory_space<hbm>> -> memref<8x128xf32, #tpu.memory_space<hbm>>
      %dma_start3A_851 = arith.constant 0 : i32
      %dma_start3A_852 = arith.constant 896 : i32
      %dma_start3A_853 = tpu.memref_slice %arg11[%dma_start3A_851, %dma_start3A_852] : memref<16x1024xf32, #tpu.memory_space<vmem>> -> memref<8x128xf32, #tpu.memory_space<vmem>>
      %dma_start3A_854 = arith.constant 0 : i32
      %dma_start3A_855 = tpu.memref_slice %arg4[%dma_start3A_854, %multiple_of3A_838] : memref<16x1000000xf32, #tpu.memory_space<hbm>> -> memref<8x128xf32, #tpu.memory_space<hbm>>
      tpu.enqueue_dma source(%dma_start3A_855 : memref<8x128xf32, #tpu.memory_space<hbm>>) target(%dma_start3A_853 : memref<8x128xf32, #tpu.memory_space<vmem>>) target_semaphore(%arg15 : memref<!tpu.dma_semaphore, #tpu.memory_space<semaphore_mem>>)
      %dma_start3A_856 = arith.constant 0 : i32
      %dma_start3A_857 = arith.constant 896 : i32
      %dma_start3A_858 = tpu.memref_slice %arg12[%dma_start3A_856, %dma_start3A_857] : memref<16x1024xf32, #tpu.memory_space<vmem>> -> memref<8x128xf32, #tpu.memory_space<vmem>>
      %dma_start3A_859 = arith.constant 0 : i32
      %dma_start3A_860 = tpu.memref_slice %arg5[%dma_start3A_859, %multiple_of3A_845] : memref<16x1000000xf32, #tpu.memory_space<hbm>> -> memref<8x128xf32, #tpu.memory_space<hbm>>
      %dma_start3A_861 = arith.constant 0 : i32
      %dma_start3A_862 = arith.constant 896 : i32
      %dma_start3A_863 = tpu.memref_slice %arg12[%dma_start3A_861, %dma_start3A_862] : memref<16x1024xf32, #tpu.memory_space<vmem>> -> memref<8x128xf32, #tpu.memory_space<vmem>>
      %dma_start3A_864 = arith.constant 0 : i32
      %dma_start3A_865 = tpu.memref_slice %arg5[%dma_start3A_864, %multiple_of3A_845] : memref<16x1000000xf32, #tpu.memory_space<hbm>> -> memref<8x128xf32, #tpu.memory_space<hbm>>
      tpu.enqueue_dma source(%dma_start3A_865 : memref<8x128xf32, #tpu.memory_space<hbm>>) target(%dma_start3A_863 : memref<8x128xf32, #tpu.memory_space<vmem>>) target_semaphore(%arg15 : memref<!tpu.dma_semaphore, #tpu.memory_space<semaphore_mem>>)
      %dma_start3A_866 = arith.constant 8 : i32
      %dma_start3A_867 = arith.constant 896 : i32
      %dma_start3A_868 = tpu.memref_slice %arg11[%dma_start3A_866, %dma_start3A_867] : memref<16x1024xf32, #tpu.memory_space<vmem>> -> memref<8x128xf32, #tpu.memory_space<vmem>>
      %dma_start3A_869 = arith.constant 8 : i32
      %dma_start3A_870 = tpu.memref_slice %arg4[%dma_start3A_869, %multiple_of3A_838] : memref<16x1000000xf32, #tpu.memory_space<hbm>> -> memref<8x128xf32, #tpu.memory_space<hbm>>
      %dma_start3A_871 = arith.constant 8 : i32
      %dma_start3A_872 = arith.constant 896 : i32
      %dma_start3A_873 = tpu.memref_slice %arg11[%dma_start3A_871, %dma_start3A_872] : memref<16x1024xf32, #tpu.memory_space<vmem>> -> memref<8x128xf32, #tpu.memory_space<vmem>>
      %dma_start3A_874 = arith.constant 8 : i32
      %dma_start3A_875 = tpu.memref_slice %arg4[%dma_start3A_874, %multiple_of3A_838] : memref<16x1000000xf32, #tpu.memory_space<hbm>> -> memref<8x128xf32, #tpu.memory_space<hbm>>
      tpu.enqueue_dma source(%dma_start3A_875 : memref<8x128xf32, #tpu.memory_space<hbm>>) target(%dma_start3A_873 : memref<8x128xf32, #tpu.memory_space<vmem>>) target_semaphore(%arg15 : memref<!tpu.dma_semaphore, #tpu.memory_space<semaphore_mem>>)
      %dma_start3A_876 = arith.constant 8 : i32
      %dma_start3A_877 = arith.constant 896 : i32
      %dma_start3A_878 = tpu.memref_slice %arg12[%dma_start3A_876, %dma_start3A_877] : memref<16x1024xf32, #tpu.memory_space<vmem>> -> memref<8x128xf32, #tpu.memory_space<vmem>>
      %dma_start3A_879 = arith.constant 8 : i32
      %dma_start3A_880 = tpu.memref_slice %arg5[%dma_start3A_879, %multiple_of3A_845] : memref<16x1000000xf32, #tpu.memory_space<hbm>> -> memref<8x128xf32, #tpu.memory_space<hbm>>
      %dma_start3A_881 = arith.constant 8 : i32
      %dma_start3A_882 = arith.constant 896 : i32
      %dma_start3A_883 = tpu.memref_slice %arg12[%dma_start3A_881, %dma_start3A_882] : memref<16x1024xf32, #tpu.memory_space<vmem>> -> memref<8x128xf32, #tpu.memory_space<vmem>>
      %dma_start3A_884 = arith.constant 8 : i32
      %dma_start3A_885 = tpu.memref_slice %arg5[%dma_start3A_884, %multiple_of3A_845] : memref<16x1000000xf32, #tpu.memory_space<hbm>> -> memref<8x128xf32, #tpu.memory_space<hbm>>
      tpu.enqueue_dma source(%dma_start3A_885 : memref<8x128xf32, #tpu.memory_space<hbm>>) target(%dma_start3A_883 : memref<8x128xf32, #tpu.memory_space<vmem>>) target_semaphore(%arg15 : memref<!tpu.dma_semaphore, #tpu.memory_space<semaphore_mem>>)
      %dma_wait3A = arith.constant 0 : i32
      %dma_wait3A_886 = arith.constant 0 : i32
      %dma_wait3A_887 = tpu.memref_slice %arg4[%dma_wait3A, %dma_wait3A_886] : memref<16x1000000xf32, #tpu.memory_space<hbm>> -> memref<16x1024xf32, #tpu.memory_space<hbm>>
      %dma_wait3A_888 = arith.constant 0 : i32
      %dma_wait3A_889 = arith.constant 0 : i32
      %dma_wait3A_890 = tpu.memref_slice %arg4[%dma_wait3A_888, %dma_wait3A_889] : memref<16x1000000xf32, #tpu.memory_space<hbm>> -> memref<16x1024xf32, #tpu.memory_space<hbm>>
      tpu.wait_dma2 semaphore(%arg14 : memref<!tpu.dma_semaphore, #tpu.memory_space<semaphore_mem>>) src(%dma_wait3A_890 : memref<16x1024xf32, #tpu.memory_space<hbm>>) dst(%arg9 : memref<16x1024xf32, #tpu.memory_space<vmem>>)
      %dma_wait3A_891 = arith.constant 0 : i32
      %dma_wait3A_892 = arith.constant 0 : i32
      %dma_wait3A_893 = tpu.memref_slice %arg5[%dma_wait3A_891, %dma_wait3A_892] : memref<16x1000000xf32, #tpu.memory_space<hbm>> -> memref<16x1024xf32, #tpu.memory_space<hbm>>
      %dma_wait3A_894 = arith.constant 0 : i32
      %dma_wait3A_895 = arith.constant 0 : i32
      %dma_wait3A_896 = tpu.memref_slice %arg5[%dma_wait3A_894, %dma_wait3A_895] : memref<16x1000000xf32, #tpu.memory_space<hbm>> -> memref<16x1024xf32, #tpu.memory_space<hbm>>
      tpu.wait_dma2 semaphore(%arg14 : memref<!tpu.dma_semaphore, #tpu.memory_space<semaphore_mem>>) src(%dma_wait3A_896 : memref<16x1024xf32, #tpu.memory_space<hbm>>) dst(%arg10 : memref<16x1024xf32, #tpu.memory_space<vmem>>)
      %and3A_897 = arith.constant 127 : i32
      %and3A_898 = vector.broadcast %and3A_897 : i32 to vector<16xi32>
      %and3A_899 = arith.andi %get3A_449, %and3A_898 : vector<16xi32>
      %add3A_900 = arith.addi %mul3A_7, %and3A_899 : vector<16xi32>
      %and3A_901 = arith.constant 127 : i32
      %and3A_902 = vector.broadcast %and3A_901 : i32 to vector<16xi32>
      %and3A_903 = arith.andi %get3A_453, %and3A_902 : vector<16xi32>
      %add3A_904 = arith.addi %mul3A_7, %and3A_903 : vector<16xi32>
      %broadcast_in_dim3A = arith.constant 0 : i32
      %broadcast_in_dim3A_905 = vector.broadcast %broadcast_in_dim3A : i32 to vector<16xi32>
      %gather3A = tpu.vector_load_idx %arg9[%broadcast_in_dim3A_905, %add3A_900] : memref<16x1024xf32, #tpu.memory_space<vmem>>[vector<16xi32>, vector<16xi32>], vector<16xf32>,
      %gather3A_906 = tpu.vector_load_idx %arg10[%broadcast_in_dim3A_905, %add3A_904] : memref<16x1024xf32, #tpu.memory_space<vmem>>[vector<16xi32>, vector<16xi32>], vector<16xf32>,
      %mul3A_907 = arith.mulf %gather3A, %gather3A_906 : vector<16xf32>
      %broadcast_in_dim3A_908 = arith.constant 1 : i32
      %broadcast_in_dim3A_909 = vector.broadcast %broadcast_in_dim3A_908 : i32 to vector<16xi32>
      %gather3A_910 = tpu.vector_load_idx %arg9[%broadcast_in_dim3A_909, %add3A_900] : memref<16x1024xf32, #tpu.memory_space<vmem>>[vector<16xi32>, vector<16xi32>], vector<16xf32>,
      %gather3A_911 = tpu.vector_load_idx %arg10[%broadcast_in_dim3A_909, %add3A_904] : memref<16x1024xf32, #tpu.memory_space<vmem>>[vector<16xi32>, vector<16xi32>], vector<16xf32>,
      %mul3A_912 = arith.mulf %gather3A_910, %gather3A_911 : vector<16xf32>
      %add3A_913 = arith.addf %mul3A_907, %mul3A_912 : vector<16xf32>
      %broadcast_in_dim3A_914 = arith.constant 2 : i32
      %broadcast_in_dim3A_915 = vector.broadcast %broadcast_in_dim3A_914 : i32 to vector<16xi32>
      %gather3A_916 = tpu.vector_load_idx %arg9[%broadcast_in_dim3A_915, %add3A_900] : memref<16x1024xf32, #tpu.memory_space<vmem>>[vector<16xi32>, vector<16xi32>], vector<16xf32>,
      %gather3A_917 = tpu.vector_load_idx %arg10[%broadcast_in_dim3A_915, %add3A_904] : memref<16x1024xf32, #tpu.memory_space<vmem>>[vector<16xi32>, vector<16xi32>], vector<16xf32>,
      %mul3A_918 = arith.mulf %gather3A_916, %gather3A_917 : vector<16xf32>
      %add3A_919 = arith.addf %add3A_913, %mul3A_918 : vector<16xf32>
      %broadcast_in_dim3A_920 = arith.constant 3 : i32
      %broadcast_in_dim3A_921 = vector.broadcast %broadcast_in_dim3A_920 : i32 to vector<16xi32>
      %gather3A_922 = tpu.vector_load_idx %arg9[%broadcast_in_dim3A_921, %add3A_900] : memref<16x1024xf32, #tpu.memory_space<vmem>>[vector<16xi32>, vector<16xi32>], vector<16xf32>,
      %gather3A_923 = tpu.vector_load_idx %arg10[%broadcast_in_dim3A_921, %add3A_904] : memref<16x1024xf32, #tpu.memory_space<vmem>>[vector<16xi32>, vector<16xi32>], vector<16xf32>,
      %mul3A_924 = arith.mulf %gather3A_922, %gather3A_923 : vector<16xf32>
      %add3A_925 = arith.addf %add3A_919, %mul3A_924 : vector<16xf32>
      %broadcast_in_dim3A_926 = arith.constant 4 : i32
      %broadcast_in_dim3A_927 = vector.broadcast %broadcast_in_dim3A_926 : i32 to vector<16xi32>
      %gather3A_928 = tpu.vector_load_idx %arg9[%broadcast_in_dim3A_927, %add3A_900] : memref<16x1024xf32, #tpu.memory_space<vmem>>[vector<16xi32>, vector<16xi32>], vector<16xf32>,
      %gather3A_929 = tpu.vector_load_idx %arg10[%broadcast_in_dim3A_927, %add3A_904] : memref<16x1024xf32, #tpu.memory_space<vmem>>[vector<16xi32>, vector<16xi32>], vector<16xf32>,
      %mul3A_930 = arith.mulf %gather3A_928, %gather3A_929 : vector<16xf32>
      %add3A_931 = arith.addf %add3A_925, %mul3A_930 : vector<16xf32>
      %broadcast_in_dim3A_932 = arith.constant 5 : i32
      %broadcast_in_dim3A_933 = vector.broadcast %broadcast_in_dim3A_932 : i32 to vector<16xi32>
      %gather3A_934 = tpu.vector_load_idx %arg9[%broadcast_in_dim3A_933, %add3A_900] : memref<16x1024xf32, #tpu.memory_space<vmem>>[vector<16xi32>, vector<16xi32>], vector<16xf32>,
      %gather3A_935 = tpu.vector_load_idx %arg10[%broadcast_in_dim3A_933, %add3A_904] : memref<16x1024xf32, #tpu.memory_space<vmem>>[vector<16xi32>, vector<16xi32>], vector<16xf32>,
      %mul3A_936 = arith.mulf %gather3A_934, %gather3A_935 : vector<16xf32>
      %add3A_937 = arith.addf %add3A_931, %mul3A_936 : vector<16xf32>
      %broadcast_in_dim3A_938 = arith.constant 6 : i32
      %broadcast_in_dim3A_939 = vector.broadcast %broadcast_in_dim3A_938 : i32 to vector<16xi32>
      %gather3A_940 = tpu.vector_load_idx %arg9[%broadcast_in_dim3A_939, %add3A_900] : memref<16x1024xf32, #tpu.memory_space<vmem>>[vector<16xi32>, vector<16xi32>], vector<16xf32>,
      %gather3A_941 = tpu.vector_load_idx %arg10[%broadcast_in_dim3A_939, %add3A_904] : memref<16x1024xf32, #tpu.memory_space<vmem>>[vector<16xi32>, vector<16xi32>], vector<16xf32>,
      %mul3A_942 = arith.mulf %gather3A_940, %gather3A_941 : vector<16xf32>
      %add3A_943 = arith.addf %add3A_937, %mul3A_942 : vector<16xf32>
      %broadcast_in_dim3A_944 = arith.constant 7 : i32
      %broadcast_in_dim3A_945 = vector.broadcast %broadcast_in_dim3A_944 : i32 to vector<16xi32>
      %gather3A_946 = tpu.vector_load_idx %arg9[%broadcast_in_dim3A_945, %add3A_900] : memref<16x1024xf32, #tpu.memory_space<vmem>>[vector<16xi32>, vector<16xi32>], vector<16xf32>,
      %gather3A_947 = tpu.vector_load_idx %arg10[%broadcast_in_dim3A_945, %add3A_904] : memref<16x1024xf32, #tpu.memory_space<vmem>>[vector<16xi32>, vector<16xi32>], vector<16xf32>,
      %mul3A_948 = arith.mulf %gather3A_946, %gather3A_947 : vector<16xf32>
      %add3A_949 = arith.addf %add3A_943, %mul3A_948 : vector<16xf32>
      %broadcast_in_dim3A_950 = arith.constant 8 : i32
      %broadcast_in_dim3A_951 = vector.broadcast %broadcast_in_dim3A_950 : i32 to vector<16xi32>
      %gather3A_952 = tpu.vector_load_idx %arg9[%broadcast_in_dim3A_951, %add3A_900] : memref<16x1024xf32, #tpu.memory_space<vmem>>[vector<16xi32>, vector<16xi32>], vector<16xf32>,
      %gather3A_953 = tpu.vector_load_idx %arg10[%broadcast_in_dim3A_951, %add3A_904] : memref<16x1024xf32, #tpu.memory_space<vmem>>[vector<16xi32>, vector<16xi32>], vector<16xf32>,
      %mul3A_954 = arith.mulf %gather3A_952, %gather3A_953 : vector<16xf32>
      %add3A_955 = arith.addf %add3A_949, %mul3A_954 : vector<16xf32>
      %broadcast_in_dim3A_956 = arith.constant 9 : i32
      %broadcast_in_dim3A_957 = vector.broadcast %broadcast_in_dim3A_956 : i32 to vector<16xi32>
      %gather3A_958 = tpu.vector_load_idx %arg9[%broadcast_in_dim3A_957, %add3A_900] : memref<16x1024xf32, #tpu.memory_space<vmem>>[vector<16xi32>, vector<16xi32>], vector<16xf32>,
      %gather3A_959 = tpu.vector_load_idx %arg10[%broadcast_in_dim3A_957, %add3A_904] : memref<16x1024xf32, #tpu.memory_space<vmem>>[vector<16xi32>, vector<16xi32>], vector<16xf32>,
      %mul3A_960 = arith.mulf %gather3A_958, %gather3A_959 : vector<16xf32>
      %add3A_961 = arith.addf %add3A_955, %mul3A_960 : vector<16xf32>
      %broadcast_in_dim3A_962 = arith.constant 10 : i32
      %broadcast_in_dim3A_963 = vector.broadcast %broadcast_in_dim3A_962 : i32 to vector<16xi32>
      %gather3A_964 = tpu.vector_load_idx %arg9[%broadcast_in_dim3A_963, %add3A_900] : memref<16x1024xf32, #tpu.memory_space<vmem>>[vector<16xi32>, vector<16xi32>], vector<16xf32>,
      %gather3A_965 = tpu.vector_load_idx %arg10[%broadcast_in_dim3A_963, %add3A_904] : memref<16x1024xf32, #tpu.memory_space<vmem>>[vector<16xi32>, vector<16xi32>], vector<16xf32>,
      %mul3A_966 = arith.mulf %gather3A_964, %gather3A_965 : vector<16xf32>
      %add3A_967 = arith.addf %add3A_961, %mul3A_966 : vector<16xf32>
      %broadcast_in_dim3A_968 = arith.constant 11 : i32
      %broadcast_in_dim3A_969 = vector.broadcast %broadcast_in_dim3A_968 : i32 to vector<16xi32>
      %gather3A_970 = tpu.vector_load_idx %arg9[%broadcast_in_dim3A_969, %add3A_900] : memref<16x1024xf32, #tpu.memory_space<vmem>>[vector<16xi32>, vector<16xi32>], vector<16xf32>,
      %gather3A_971 = tpu.vector_load_idx %arg10[%broadcast_in_dim3A_969, %add3A_904] : memref<16x1024xf32, #tpu.memory_space<vmem>>[vector<16xi32>, vector<16xi32>], vector<16xf32>,
      %mul3A_972 = arith.mulf %gather3A_970, %gather3A_971 : vector<16xf32>
      %add3A_973 = arith.addf %add3A_967, %mul3A_972 : vector<16xf32>
      %broadcast_in_dim3A_974 = arith.constant 12 : i32
      %broadcast_in_dim3A_975 = vector.broadcast %broadcast_in_dim3A_974 : i32 to vector<16xi32>
      %gather3A_976 = tpu.vector_load_idx %arg9[%broadcast_in_dim3A_975, %add3A_900] : memref<16x1024xf32, #tpu.memory_space<vmem>>[vector<16xi32>, vector<16xi32>], vector<16xf32>,
      %gather3A_977 = tpu.vector_load_idx %arg10[%broadcast_in_dim3A_975, %add3A_904] : memref<16x1024xf32, #tpu.memory_space<vmem>>[vector<16xi32>, vector<16xi32>], vector<16xf32>,
      %mul3A_978 = arith.mulf %gather3A_976, %gather3A_977 : vector<16xf32>
      %add3A_979 = arith.addf %add3A_973, %mul3A_978 : vector<16xf32>
      %broadcast_in_dim3A_980 = arith.constant 13 : i32
      %broadcast_in_dim3A_981 = vector.broadcast %broadcast_in_dim3A_980 : i32 to vector<16xi32>
      %gather3A_982 = tpu.vector_load_idx %arg9[%broadcast_in_dim3A_981, %add3A_900] : memref<16x1024xf32, #tpu.memory_space<vmem>>[vector<16xi32>, vector<16xi32>], vector<16xf32>,
      %gather3A_983 = tpu.vector_load_idx %arg10[%broadcast_in_dim3A_981, %add3A_904] : memref<16x1024xf32, #tpu.memory_space<vmem>>[vector<16xi32>, vector<16xi32>], vector<16xf32>,
      %mul3A_984 = arith.mulf %gather3A_982, %gather3A_983 : vector<16xf32>
      %add3A_985 = arith.addf %add3A_979, %mul3A_984 : vector<16xf32>
      %broadcast_in_dim3A_986 = arith.constant 14 : i32
      %broadcast_in_dim3A_987 = vector.broadcast %broadcast_in_dim3A_986 : i32 to vector<16xi32>
      %gather3A_988 = tpu.vector_load_idx %arg9[%broadcast_in_dim3A_987, %add3A_900] : memref<16x1024xf32, #tpu.memory_space<vmem>>[vector<16xi32>, vector<16xi32>], vector<16xf32>,
      %gather3A_989 = tpu.vector_load_idx %arg10[%broadcast_in_dim3A_987, %add3A_904] : memref<16x1024xf32, #tpu.memory_space<vmem>>[vector<16xi32>, vector<16xi32>], vector<16xf32>,
      %mul3A_990 = arith.mulf %gather3A_988, %gather3A_989 : vector<16xf32>
      %add3A_991 = arith.addf %add3A_985, %mul3A_990 : vector<16xf32>
      %broadcast_in_dim3A_992 = arith.constant 15 : i32
      %broadcast_in_dim3A_993 = vector.broadcast %broadcast_in_dim3A_992 : i32 to vector<16xi32>
      %gather3A_994 = tpu.vector_load_idx %arg9[%broadcast_in_dim3A_993, %add3A_900] : memref<16x1024xf32, #tpu.memory_space<vmem>>[vector<16xi32>, vector<16xi32>], vector<16xf32>,
      %gather3A_995 = tpu.vector_load_idx %arg10[%broadcast_in_dim3A_993, %add3A_904] : memref<16x1024xf32, #tpu.memory_space<vmem>>[vector<16xi32>, vector<16xi32>], vector<16xf32>,
      %mul3A_996 = arith.mulf %gather3A_994, %gather3A_995 : vector<16xf32>
      %add3A_997 = arith.addf %add3A_991, %mul3A_996 : vector<16xf32>
      %lt3A = arith.constant 31 : i32
      %lt3A_998 = arith.cmpi slt, %scan3A_444, %lt3A : i32
      %convert_element_type3A = arith.extui %lt3A_998 : i1 to i32
      %cond3A = arith.constant 0 : i32
      %cond3A_999 = arith.cmpi ne, %convert_element_type3A, %cond3A : i32
      scf.if %cond3A_999 {
        %add3A_1122 = arith.constant 1 : i32
        %add3A_1123 = arith.addi %scan3A_444, %add3A_1122 : i32
        %mul3A_1124 = arith.constant 16 : i32
        %mul3A_1125 = arith.muli %add3A_1123, %mul3A_1124 : i32
        %get3A_1126 = arith.index_cast %mul3A_1125 : i32 to index
        %get3A_1127 = tpu.vector_load %arg7[%get3A_1126] {strides = array<i32>} : memref<512xi32, #tpu.memory_space<vmem>>, vector<16xi32>,
        %add3A_1128 = arith.constant 1 : i32
        %add3A_1129 = arith.addi %scan3A_444, %add3A_1128 : i32
        %mul3A_1130 = arith.constant 16 : i32
        %mul3A_1131 = arith.muli %add3A_1129, %mul3A_1130 : i32
        %get3A_1132 = arith.index_cast %mul3A_1131 : i32 to index
        %get3A_1133 = tpu.vector_load %arg8[%get3A_1132] {strides = array<i32>} : memref<512xi32, #tpu.memory_space<vmem>>, vector<16xi32>,
        %slice3A_1134 = vector.extract_strided_slice %get3A_1127 {offsets = [0], sizes = [1], strides = [1]} : vector<16xi32> to vector<1xi32>
        %squeeze3A_1135 = vector.extract %slice3A_1134[0] : i32 from vector<1xi32>
        %shift_right_arithmetic3A_1136 = arith.constant 7 : i32
        %shift_right_arithmetic3A_1137 = arith.shrsi %squeeze3A_1135, %shift_right_arithmetic3A_1136 : i32
        %mul3A_1138 = arith.constant 128 : i32
        %mul3A_1139 = arith.muli %shift_right_arithmetic3A_1137, %mul3A_1138 : i32
        %multiple_of3A_1140 = tpu.assume_multiple %mul3A_1139, 128 : i32
        %slice3A_1141 = vector.extract_strided_slice %get3A_1133 {offsets = [0], sizes = [1], strides = [1]} : vector<16xi32> to vector<1xi32>
        %squeeze3A_1142 = vector.extract %slice3A_1141[0] : i32 from vector<1xi32>
        %shift_right_arithmetic3A_1143 = arith.constant 7 : i32
        %shift_right_arithmetic3A_1144 = arith.shrsi %squeeze3A_1142, %shift_right_arithmetic3A_1143 : i32
        %mul3A_1145 = arith.constant 128 : i32
        %mul3A_1146 = arith.muli %shift_right_arithmetic3A_1144, %mul3A_1145 : i32
        %multiple_of3A_1147 = tpu.assume_multiple %mul3A_1146, 128 : i32
        %dma_start3A_1148 = arith.constant 0 : i32
        %dma_start3A_1149 = arith.constant 0 : i32
        %dma_start3A_1150 = tpu.memref_slice %arg9[%dma_start3A_1148, %dma_start3A_1149] : memref<16x1024xf32, #tpu.memory_space<vmem>> -> memref<8x128xf32, #tpu.memory_space<vmem>>
        %dma_start3A_1151 = arith.constant 0 : i32
        %dma_start3A_1152 = tpu.memref_slice %arg4[%dma_start3A_1151, %multiple_of3A_1140] : memref<16x1000000xf32, #tpu.memory_space<hbm>> -> memref<8x128xf32, #tpu.memory_space<hbm>>
        %dma_start3A_1153 = arith.constant 0 : i32
        %dma_start3A_1154 = arith.constant 0 : i32
        %dma_start3A_1155 = tpu.memref_slice %arg9[%dma_start3A_1153, %dma_start3A_1154] : memref<16x1024xf32, #tpu.memory_space<vmem>> -> memref<8x128xf32, #tpu.memory_space<vmem>>
        %dma_start3A_1156 = arith.constant 0 : i32
        %dma_start3A_1157 = tpu.memref_slice %arg4[%dma_start3A_1156, %multiple_of3A_1140] : memref<16x1000000xf32, #tpu.memory_space<hbm>> -> memref<8x128xf32, #tpu.memory_space<hbm>>
        tpu.enqueue_dma source(%dma_start3A_1157 : memref<8x128xf32, #tpu.memory_space<hbm>>) target(%dma_start3A_1155 : memref<8x128xf32, #tpu.memory_space<vmem>>) target_semaphore(%arg14 : memref<!tpu.dma_semaphore, #tpu.memory_space<semaphore_mem>>)
        %dma_start3A_1158 = arith.constant 0 : i32
        %dma_start3A_1159 = arith.constant 0 : i32
        %dma_start3A_1160 = tpu.memref_slice %arg10[%dma_start3A_1158, %dma_start3A_1159] : memref<16x1024xf32, #tpu.memory_space<vmem>> -> memref<8x128xf32, #tpu.memory_space<vmem>>
        %dma_start3A_1161 = arith.constant 0 : i32
        %dma_start3A_1162 = tpu.memref_slice %arg5[%dma_start3A_1161, %multiple_of3A_1147] : memref<16x1000000xf32, #tpu.memory_space<hbm>> -> memref<8x128xf32, #tpu.memory_space<hbm>>
        %dma_start3A_1163 = arith.constant 0 : i32
        %dma_start3A_1164 = arith.constant 0 : i32
        %dma_start3A_1165 = tpu.memref_slice %arg10[%dma_start3A_1163, %dma_start3A_1164] : memref<16x1024xf32, #tpu.memory_space<vmem>> -> memref<8x128xf32, #tpu.memory_space<vmem>>
        %dma_start3A_1166 = arith.constant 0 : i32
        %dma_start3A_1167 = tpu.memref_slice %arg5[%dma_start3A_1166, %multiple_of3A_1147] : memref<16x1000000xf32, #tpu.memory_space<hbm>> -> memref<8x128xf32, #tpu.memory_space<hbm>>
        tpu.enqueue_dma source(%dma_start3A_1167 : memref<8x128xf32, #tpu.memory_space<hbm>>) target(%dma_start3A_1165 : memref<8x128xf32, #tpu.memory_space<vmem>>) target_semaphore(%arg14 : memref<!tpu.dma_semaphore, #tpu.memory_space<semaphore_mem>>)
        %dma_start3A_1168 = arith.constant 8 : i32
        %dma_start3A_1169 = arith.constant 0 : i32
        %dma_start3A_1170 = tpu.memref_slice %arg9[%dma_start3A_1168, %dma_start3A_1169] : memref<16x1024xf32, #tpu.memory_space<vmem>> -> memref<8x128xf32, #tpu.memory_space<vmem>>
        %dma_start3A_1171 = arith.constant 8 : i32
        %dma_start3A_1172 = tpu.memref_slice %arg4[%dma_start3A_1171, %multiple_of3A_1140] : memref<16x1000000xf32, #tpu.memory_space<hbm>> -> memref<8x128xf32, #tpu.memory_space<hbm>>
        %dma_start3A_1173 = arith.constant 8 : i32
        %dma_start3A_1174 = arith.constant 0 : i32
        %dma_start3A_1175 = tpu.memref_slice %arg9[%dma_start3A_1173, %dma_start3A_1174] : memref<16x1024xf32, #tpu.memory_space<vmem>> -> memref<8x128xf32, #tpu.memory_space<vmem>>
        %dma_start3A_1176 = arith.constant 8 : i32
        %dma_start3A_1177 = tpu.memref_slice %arg4[%dma_start3A_1176, %multiple_of3A_1140] : memref<16x1000000xf32, #tpu.memory_space<hbm>> -> memref<8x128xf32, #tpu.memory_space<hbm>>
        tpu.enqueue_dma source(%dma_start3A_1177 : memref<8x128xf32, #tpu.memory_space<hbm>>) target(%dma_start3A_1175 : memref<8x128xf32, #tpu.memory_space<vmem>>) target_semaphore(%arg14 : memref<!tpu.dma_semaphore, #tpu.memory_space<semaphore_mem>>)
        %dma_start3A_1178 = arith.constant 8 : i32
        %dma_start3A_1179 = arith.constant 0 : i32
        %dma_start3A_1180 = tpu.memref_slice %arg10[%dma_start3A_1178, %dma_start3A_1179] : memref<16x1024xf32, #tpu.memory_space<vmem>> -> memref<8x128xf32, #tpu.memory_space<vmem>>
        %dma_start3A_1181 = arith.constant 8 : i32
        %dma_start3A_1182 = tpu.memref_slice %arg5[%dma_start3A_1181, %multiple_of3A_1147] : memref<16x1000000xf32, #tpu.memory_space<hbm>> -> memref<8x128xf32, #tpu.memory_space<hbm>>
        %dma_start3A_1183 = arith.constant 8 : i32
        %dma_start3A_1184 = arith.constant 0 : i32
        %dma_start3A_1185 = tpu.memref_slice %arg10[%dma_start3A_1183, %dma_start3A_1184] : memref<16x1024xf32, #tpu.memory_space<vmem>> -> memref<8x128xf32, #tpu.memory_space<vmem>>
        %dma_start3A_1186 = arith.constant 8 : i32
        %dma_start3A_1187 = tpu.memref_slice %arg5[%dma_start3A_1186, %multiple_of3A_1147] : memref<16x1000000xf32, #tpu.memory_space<hbm>> -> memref<8x128xf32, #tpu.memory_space<hbm>>
        tpu.enqueue_dma source(%dma_start3A_1187 : memref<8x128xf32, #tpu.memory_space<hbm>>) target(%dma_start3A_1185 : memref<8x128xf32, #tpu.memory_space<vmem>>) target_semaphore(%arg14 : memref<!tpu.dma_semaphore, #tpu.memory_space<semaphore_mem>>)
        %slice3A_1188 = vector.extract_strided_slice %get3A_1127 {offsets = [1], sizes = [1], strides = [1]} : vector<16xi32> to vector<1xi32>
        %squeeze3A_1189 = vector.extract %slice3A_1188[0] : i32 from vector<1xi32>
        %shift_right_arithmetic3A_1190 = arith.constant 7 : i32
        %shift_right_arithmetic3A_1191 = arith.shrsi %squeeze3A_1189, %shift_right_arithmetic3A_1190 : i32
        %mul3A_1192 = arith.constant 128 : i32
        %mul3A_1193 = arith.muli %shift_right_arithmetic3A_1191, %mul3A_1192 : i32
        %multiple_of3A_1194 = tpu.assume_multiple %mul3A_1193, 128 : i32
        %slice3A_1195 = vector.extract_strided_slice %get3A_1133 {offsets = [1], sizes = [1], strides = [1]} : vector<16xi32> to vector<1xi32>
        %squeeze3A_1196 = vector.extract %slice3A_1195[0] : i32 from vector<1xi32>
        %shift_right_arithmetic3A_1197 = arith.constant 7 : i32
        %shift_right_arithmetic3A_1198 = arith.shrsi %squeeze3A_1196, %shift_right_arithmetic3A_1197 : i32
        %mul3A_1199 = arith.constant 128 : i32
        %mul3A_1200 = arith.muli %shift_right_arithmetic3A_1198, %mul3A_1199 : i32
        %multiple_of3A_1201 = tpu.assume_multiple %mul3A_1200, 128 : i32
        %dma_start3A_1202 = arith.constant 0 : i32
        %dma_start3A_1203 = arith.constant 128 : i32
        %dma_start3A_1204 = tpu.memref_slice %arg9[%dma_start3A_1202, %dma_start3A_1203] : memref<16x1024xf32, #tpu.memory_space<vmem>> -> memref<8x128xf32, #tpu.memory_space<vmem>>
        %dma_start3A_1205 = arith.constant 0 : i32
        %dma_start3A_1206 = tpu.memref_slice %arg4[%dma_start3A_1205, %multiple_of3A_1194] : memref<16x1000000xf32, #tpu.memory_space<hbm>> -> memref<8x128xf32, #tpu.memory_space<hbm>>
        %dma_start3A_1207 = arith.constant 0 : i32
        %dma_start3A_1208 = arith.constant 128 : i32
        %dma_start3A_1209 = tpu.memref_slice %arg9[%dma_start3A_1207, %dma_start3A_1208] : memref<16x1024xf32, #tpu.memory_space<vmem>> -> memref<8x128xf32, #tpu.memory_space<vmem>>
        %dma_start3A_1210 = arith.constant 0 : i32
        %dma_start3A_1211 = tpu.memref_slice %arg4[%dma_start3A_1210, %multiple_of3A_1194] : memref<16x1000000xf32, #tpu.memory_space<hbm>> -> memref<8x128xf32, #tpu.memory_space<hbm>>
        tpu.enqueue_dma source(%dma_start3A_1211 : memref<8x128xf32, #tpu.memory_space<hbm>>) target(%dma_start3A_1209 : memref<8x128xf32, #tpu.memory_space<vmem>>) target_semaphore(%arg14 : memref<!tpu.dma_semaphore, #tpu.memory_space<semaphore_mem>>)
        %dma_start3A_1212 = arith.constant 0 : i32
        %dma_start3A_1213 = arith.constant 128 : i32
        %dma_start3A_1214 = tpu.memref_slice %arg10[%dma_start3A_1212, %dma_start3A_1213] : memref<16x1024xf32, #tpu.memory_space<vmem>> -> memref<8x128xf32, #tpu.memory_space<vmem>>
        %dma_start3A_1215 = arith.constant 0 : i32
        %dma_start3A_1216 = tpu.memref_slice %arg5[%dma_start3A_1215, %multiple_of3A_1201] : memref<16x1000000xf32, #tpu.memory_space<hbm>> -> memref<8x128xf32, #tpu.memory_space<hbm>>
        %dma_start3A_1217 = arith.constant 0 : i32
        %dma_start3A_1218 = arith.constant 128 : i32
        %dma_start3A_1219 = tpu.memref_slice %arg10[%dma_start3A_1217, %dma_start3A_1218] : memref<16x1024xf32, #tpu.memory_space<vmem>> -> memref<8x128xf32, #tpu.memory_space<vmem>>
        %dma_start3A_1220 = arith.constant 0 : i32
        %dma_start3A_1221 = tpu.memref_slice %arg5[%dma_start3A_1220, %multiple_of3A_1201] : memref<16x1000000xf32, #tpu.memory_space<hbm>> -> memref<8x128xf32, #tpu.memory_space<hbm>>
        tpu.enqueue_dma source(%dma_start3A_1221 : memref<8x128xf32, #tpu.memory_space<hbm>>) target(%dma_start3A_1219 : memref<8x128xf32, #tpu.memory_space<vmem>>) target_semaphore(%arg14 : memref<!tpu.dma_semaphore, #tpu.memory_space<semaphore_mem>>)
        %dma_start3A_1222 = arith.constant 8 : i32
        %dma_start3A_1223 = arith.constant 128 : i32
        %dma_start3A_1224 = tpu.memref_slice %arg9[%dma_start3A_1222, %dma_start3A_1223] : memref<16x1024xf32, #tpu.memory_space<vmem>> -> memref<8x128xf32, #tpu.memory_space<vmem>>
        %dma_start3A_1225 = arith.constant 8 : i32
        %dma_start3A_1226 = tpu.memref_slice %arg4[%dma_start3A_1225, %multiple_of3A_1194] : memref<16x1000000xf32, #tpu.memory_space<hbm>> -> memref<8x128xf32, #tpu.memory_space<hbm>>
        %dma_start3A_1227 = arith.constant 8 : i32
        %dma_start3A_1228 = arith.constant 128 : i32
        %dma_start3A_1229 = tpu.memref_slice %arg9[%dma_start3A_1227, %dma_start3A_1228] : memref<16x1024xf32, #tpu.memory_space<vmem>> -> memref<8x128xf32, #tpu.memory_space<vmem>>
        %dma_start3A_1230 = arith.constant 8 : i32
        %dma_start3A_1231 = tpu.memref_slice %arg4[%dma_start3A_1230, %multiple_of3A_1194] : memref<16x1000000xf32, #tpu.memory_space<hbm>> -> memref<8x128xf32, #tpu.memory_space<hbm>>
        tpu.enqueue_dma source(%dma_start3A_1231 : memref<8x128xf32, #tpu.memory_space<hbm>>) target(%dma_start3A_1229 : memref<8x128xf32, #tpu.memory_space<vmem>>) target_semaphore(%arg14 : memref<!tpu.dma_semaphore, #tpu.memory_space<semaphore_mem>>)
        %dma_start3A_1232 = arith.constant 8 : i32
        %dma_start3A_1233 = arith.constant 128 : i32
        %dma_start3A_1234 = tpu.memref_slice %arg10[%dma_start3A_1232, %dma_start3A_1233] : memref<16x1024xf32, #tpu.memory_space<vmem>> -> memref<8x128xf32, #tpu.memory_space<vmem>>
        %dma_start3A_1235 = arith.constant 8 : i32
        %dma_start3A_1236 = tpu.memref_slice %arg5[%dma_start3A_1235, %multiple_of3A_1201] : memref<16x1000000xf32, #tpu.memory_space<hbm>> -> memref<8x128xf32, #tpu.memory_space<hbm>>
        %dma_start3A_1237 = arith.constant 8 : i32
        %dma_start3A_1238 = arith.constant 128 : i32
        %dma_start3A_1239 = tpu.memref_slice %arg10[%dma_start3A_1237, %dma_start3A_1238] : memref<16x1024xf32, #tpu.memory_space<vmem>> -> memref<8x128xf32, #tpu.memory_space<vmem>>
        %dma_start3A_1240 = arith.constant 8 : i32
        %dma_start3A_1241 = tpu.memref_slice %arg5[%dma_start3A_1240, %multiple_of3A_1201] : memref<16x1000000xf32, #tpu.memory_space<hbm>> -> memref<8x128xf32, #tpu.memory_space<hbm>>
        tpu.enqueue_dma source(%dma_start3A_1241 : memref<8x128xf32, #tpu.memory_space<hbm>>) target(%dma_start3A_1239 : memref<8x128xf32, #tpu.memory_space<vmem>>) target_semaphore(%arg14 : memref<!tpu.dma_semaphore, #tpu.memory_space<semaphore_mem>>)
        %slice3A_1242 = vector.extract_strided_slice %get3A_1127 {offsets = [2], sizes = [1], strides = [1]} : vector<16xi32> to vector<1xi32>
        %squeeze3A_1243 = vector.extract %slice3A_1242[0] : i32 from vector<1xi32>
        %shift_right_arithmetic3A_1244 = arith.constant 7 : i32
        %shift_right_arithmetic3A_1245 = arith.shrsi %squeeze3A_1243, %shift_right_arithmetic3A_1244 : i32
        %mul3A_1246 = arith.constant 128 : i32
        %mul3A_1247 = arith.muli %shift_right_arithmetic3A_1245, %mul3A_1246 : i32
        %multiple_of3A_1248 = tpu.assume_multiple %mul3A_1247, 128 : i32
        %slice3A_1249 = vector.extract_strided_slice %get3A_1133 {offsets = [2], sizes = [1], strides = [1]} : vector<16xi32> to vector<1xi32>
        %squeeze3A_1250 = vector.extract %slice3A_1249[0] : i32 from vector<1xi32>
        %shift_right_arithmetic3A_1251 = arith.constant 7 : i32
        %shift_right_arithmetic3A_1252 = arith.shrsi %squeeze3A_1250, %shift_right_arithmetic3A_1251 : i32
        %mul3A_1253 = arith.constant 128 : i32
        %mul3A_1254 = arith.muli %shift_right_arithmetic3A_1252, %mul3A_1253 : i32
        %multiple_of3A_1255 = tpu.assume_multiple %mul3A_1254, 128 : i32
        %dma_start3A_1256 = arith.constant 0 : i32
        %dma_start3A_1257 = arith.constant 256 : i32
        %dma_start3A_1258 = tpu.memref_slice %arg9[%dma_start3A_1256, %dma_start3A_1257] : memref<16x1024xf32, #tpu.memory_space<vmem>> -> memref<8x128xf32, #tpu.memory_space<vmem>>
        %dma_start3A_1259 = arith.constant 0 : i32
        %dma_start3A_1260 = tpu.memref_slice %arg4[%dma_start3A_1259, %multiple_of3A_1248] : memref<16x1000000xf32, #tpu.memory_space<hbm>> -> memref<8x128xf32, #tpu.memory_space<hbm>>
        %dma_start3A_1261 = arith.constant 0 : i32
        %dma_start3A_1262 = arith.constant 256 : i32
        %dma_start3A_1263 = tpu.memref_slice %arg9[%dma_start3A_1261, %dma_start3A_1262] : memref<16x1024xf32, #tpu.memory_space<vmem>> -> memref<8x128xf32, #tpu.memory_space<vmem>>
        %dma_start3A_1264 = arith.constant 0 : i32
        %dma_start3A_1265 = tpu.memref_slice %arg4[%dma_start3A_1264, %multiple_of3A_1248] : memref<16x1000000xf32, #tpu.memory_space<hbm>> -> memref<8x128xf32, #tpu.memory_space<hbm>>
        tpu.enqueue_dma source(%dma_start3A_1265 : memref<8x128xf32, #tpu.memory_space<hbm>>) target(%dma_start3A_1263 : memref<8x128xf32, #tpu.memory_space<vmem>>) target_semaphore(%arg14 : memref<!tpu.dma_semaphore, #tpu.memory_space<semaphore_mem>>)
        %dma_start3A_1266 = arith.constant 0 : i32
        %dma_start3A_1267 = arith.constant 256 : i32
        %dma_start3A_1268 = tpu.memref_slice %arg10[%dma_start3A_1266, %dma_start3A_1267] : memref<16x1024xf32, #tpu.memory_space<vmem>> -> memref<8x128xf32, #tpu.memory_space<vmem>>
        %dma_start3A_1269 = arith.constant 0 : i32
        %dma_start3A_1270 = tpu.memref_slice %arg5[%dma_start3A_1269, %multiple_of3A_1255] : memref<16x1000000xf32, #tpu.memory_space<hbm>> -> memref<8x128xf32, #tpu.memory_space<hbm>>
        %dma_start3A_1271 = arith.constant 0 : i32
        %dma_start3A_1272 = arith.constant 256 : i32
        %dma_start3A_1273 = tpu.memref_slice %arg10[%dma_start3A_1271, %dma_start3A_1272] : memref<16x1024xf32, #tpu.memory_space<vmem>> -> memref<8x128xf32, #tpu.memory_space<vmem>>
        %dma_start3A_1274 = arith.constant 0 : i32
        %dma_start3A_1275 = tpu.memref_slice %arg5[%dma_start3A_1274, %multiple_of3A_1255] : memref<16x1000000xf32, #tpu.memory_space<hbm>> -> memref<8x128xf32, #tpu.memory_space<hbm>>
        tpu.enqueue_dma source(%dma_start3A_1275 : memref<8x128xf32, #tpu.memory_space<hbm>>) target(%dma_start3A_1273 : memref<8x128xf32, #tpu.memory_space<vmem>>) target_semaphore(%arg14 : memref<!tpu.dma_semaphore, #tpu.memory_space<semaphore_mem>>)
        %dma_start3A_1276 = arith.constant 8 : i32
        %dma_start3A_1277 = arith.constant 256 : i32
        %dma_start3A_1278 = tpu.memref_slice %arg9[%dma_start3A_1276, %dma_start3A_1277] : memref<16x1024xf32, #tpu.memory_space<vmem>> -> memref<8x128xf32, #tpu.memory_space<vmem>>
        %dma_start3A_1279 = arith.constant 8 : i32
        %dma_start3A_1280 = tpu.memref_slice %arg4[%dma_start3A_1279, %multiple_of3A_1248] : memref<16x1000000xf32, #tpu.memory_space<hbm>> -> memref<8x128xf32, #tpu.memory_space<hbm>>
        %dma_start3A_1281 = arith.constant 8 : i32
        %dma_start3A_1282 = arith.constant 256 : i32
        %dma_start3A_1283 = tpu.memref_slice %arg9[%dma_start3A_1281, %dma_start3A_1282] : memref<16x1024xf32, #tpu.memory_space<vmem>> -> memref<8x128xf32, #tpu.memory_space<vmem>>
        %dma_start3A_1284 = arith.constant 8 : i32
        %dma_start3A_1285 = tpu.memref_slice %arg4[%dma_start3A_1284, %multiple_of3A_1248] : memref<16x1000000xf32, #tpu.memory_space<hbm>> -> memref<8x128xf32, #tpu.memory_space<hbm>>
        tpu.enqueue_dma source(%dma_start3A_1285 : memref<8x128xf32, #tpu.memory_space<hbm>>) target(%dma_start3A_1283 : memref<8x128xf32, #tpu.memory_space<vmem>>) target_semaphore(%arg14 : memref<!tpu.dma_semaphore, #tpu.memory_space<semaphore_mem>>)
        %dma_start3A_1286 = arith.constant 8 : i32
        %dma_start3A_1287 = arith.constant 256 : i32
        %dma_start3A_1288 = tpu.memref_slice %arg10[%dma_start3A_1286, %dma_start3A_1287] : memref<16x1024xf32, #tpu.memory_space<vmem>> -> memref<8x128xf32, #tpu.memory_space<vmem>>
        %dma_start3A_1289 = arith.constant 8 : i32
        %dma_start3A_1290 = tpu.memref_slice %arg5[%dma_start3A_1289, %multiple_of3A_1255] : memref<16x1000000xf32, #tpu.memory_space<hbm>> -> memref<8x128xf32, #tpu.memory_space<hbm>>
        %dma_start3A_1291 = arith.constant 8 : i32
        %dma_start3A_1292 = arith.constant 256 : i32
        %dma_start3A_1293 = tpu.memref_slice %arg10[%dma_start3A_1291, %dma_start3A_1292] : memref<16x1024xf32, #tpu.memory_space<vmem>> -> memref<8x128xf32, #tpu.memory_space<vmem>>
        %dma_start3A_1294 = arith.constant 8 : i32
        %dma_start3A_1295 = tpu.memref_slice %arg5[%dma_start3A_1294, %multiple_of3A_1255] : memref<16x1000000xf32, #tpu.memory_space<hbm>> -> memref<8x128xf32, #tpu.memory_space<hbm>>
        tpu.enqueue_dma source(%dma_start3A_1295 : memref<8x128xf32, #tpu.memory_space<hbm>>) target(%dma_start3A_1293 : memref<8x128xf32, #tpu.memory_space<vmem>>) target_semaphore(%arg14 : memref<!tpu.dma_semaphore, #tpu.memory_space<semaphore_mem>>)
        %slice3A_1296 = vector.extract_strided_slice %get3A_1127 {offsets = [3], sizes = [1], strides = [1]} : vector<16xi32> to vector<1xi32>
        %squeeze3A_1297 = vector.extract %slice3A_1296[0] : i32 from vector<1xi32>
        %shift_right_arithmetic3A_1298 = arith.constant 7 : i32
        %shift_right_arithmetic3A_1299 = arith.shrsi %squeeze3A_1297, %shift_right_arithmetic3A_1298 : i32
        %mul3A_1300 = arith.constant 128 : i32
        %mul3A_1301 = arith.muli %shift_right_arithmetic3A_1299, %mul3A_1300 : i32
        %multiple_of3A_1302 = tpu.assume_multiple %mul3A_1301, 128 : i32
        %slice3A_1303 = vector.extract_strided_slice %get3A_1133 {offsets = [3], sizes = [1], strides = [1]} : vector<16xi32> to vector<1xi32>
        %squeeze3A_1304 = vector.extract %slice3A_1303[0] : i32 from vector<1xi32>
        %shift_right_arithmetic3A_1305 = arith.constant 7 : i32
        %shift_right_arithmetic3A_1306 = arith.shrsi %squeeze3A_1304, %shift_right_arithmetic3A_1305 : i32
        %mul3A_1307 = arith.constant 128 : i32
        %mul3A_1308 = arith.muli %shift_right_arithmetic3A_1306, %mul3A_1307 : i32
        %multiple_of3A_1309 = tpu.assume_multiple %mul3A_1308, 128 : i32
        %dma_start3A_1310 = arith.constant 0 : i32
        %dma_start3A_1311 = arith.constant 384 : i32
        %dma_start3A_1312 = tpu.memref_slice %arg9[%dma_start3A_1310, %dma_start3A_1311] : memref<16x1024xf32, #tpu.memory_space<vmem>> -> memref<8x128xf32, #tpu.memory_space<vmem>>
        %dma_start3A_1313 = arith.constant 0 : i32
        %dma_start3A_1314 = tpu.memref_slice %arg4[%dma_start3A_1313, %multiple_of3A_1302] : memref<16x1000000xf32, #tpu.memory_space<hbm>> -> memref<8x128xf32, #tpu.memory_space<hbm>>
        %dma_start3A_1315 = arith.constant 0 : i32
        %dma_start3A_1316 = arith.constant 384 : i32
        %dma_start3A_1317 = tpu.memref_slice %arg9[%dma_start3A_1315, %dma_start3A_1316] : memref<16x1024xf32, #tpu.memory_space<vmem>> -> memref<8x128xf32, #tpu.memory_space<vmem>>
        %dma_start3A_1318 = arith.constant 0 : i32
        %dma_start3A_1319 = tpu.memref_slice %arg4[%dma_start3A_1318, %multiple_of3A_1302] : memref<16x1000000xf32, #tpu.memory_space<hbm>> -> memref<8x128xf32, #tpu.memory_space<hbm>>
        tpu.enqueue_dma source(%dma_start3A_1319 : memref<8x128xf32, #tpu.memory_space<hbm>>) target(%dma_start3A_1317 : memref<8x128xf32, #tpu.memory_space<vmem>>) target_semaphore(%arg14 : memref<!tpu.dma_semaphore, #tpu.memory_space<semaphore_mem>>)
        %dma_start3A_1320 = arith.constant 0 : i32
        %dma_start3A_1321 = arith.constant 384 : i32
        %dma_start3A_1322 = tpu.memref_slice %arg10[%dma_start3A_1320, %dma_start3A_1321] : memref<16x1024xf32, #tpu.memory_space<vmem>> -> memref<8x128xf32, #tpu.memory_space<vmem>>
        %dma_start3A_1323 = arith.constant 0 : i32
        %dma_start3A_1324 = tpu.memref_slice %arg5[%dma_start3A_1323, %multiple_of3A_1309] : memref<16x1000000xf32, #tpu.memory_space<hbm>> -> memref<8x128xf32, #tpu.memory_space<hbm>>
        %dma_start3A_1325 = arith.constant 0 : i32
        %dma_start3A_1326 = arith.constant 384 : i32
        %dma_start3A_1327 = tpu.memref_slice %arg10[%dma_start3A_1325, %dma_start3A_1326] : memref<16x1024xf32, #tpu.memory_space<vmem>> -> memref<8x128xf32, #tpu.memory_space<vmem>>
        %dma_start3A_1328 = arith.constant 0 : i32
        %dma_start3A_1329 = tpu.memref_slice %arg5[%dma_start3A_1328, %multiple_of3A_1309] : memref<16x1000000xf32, #tpu.memory_space<hbm>> -> memref<8x128xf32, #tpu.memory_space<hbm>>
        tpu.enqueue_dma source(%dma_start3A_1329 : memref<8x128xf32, #tpu.memory_space<hbm>>) target(%dma_start3A_1327 : memref<8x128xf32, #tpu.memory_space<vmem>>) target_semaphore(%arg14 : memref<!tpu.dma_semaphore, #tpu.memory_space<semaphore_mem>>)
        %dma_start3A_1330 = arith.constant 8 : i32
        %dma_start3A_1331 = arith.constant 384 : i32
        %dma_start3A_1332 = tpu.memref_slice %arg9[%dma_start3A_1330, %dma_start3A_1331] : memref<16x1024xf32, #tpu.memory_space<vmem>> -> memref<8x128xf32, #tpu.memory_space<vmem>>
        %dma_start3A_1333 = arith.constant 8 : i32
        %dma_start3A_1334 = tpu.memref_slice %arg4[%dma_start3A_1333, %multiple_of3A_1302] : memref<16x1000000xf32, #tpu.memory_space<hbm>> -> memref<8x128xf32, #tpu.memory_space<hbm>>
        %dma_start3A_1335 = arith.constant 8 : i32
        %dma_start3A_1336 = arith.constant 384 : i32
        %dma_start3A_1337 = tpu.memref_slice %arg9[%dma_start3A_1335, %dma_start3A_1336] : memref<16x1024xf32, #tpu.memory_space<vmem>> -> memref<8x128xf32, #tpu.memory_space<vmem>>
        %dma_start3A_1338 = arith.constant 8 : i32
        %dma_start3A_1339 = tpu.memref_slice %arg4[%dma_start3A_1338, %multiple_of3A_1302] : memref<16x1000000xf32, #tpu.memory_space<hbm>> -> memref<8x128xf32, #tpu.memory_space<hbm>>
        tpu.enqueue_dma source(%dma_start3A_1339 : memref<8x128xf32, #tpu.memory_space<hbm>>) target(%dma_start3A_1337 : memref<8x128xf32, #tpu.memory_space<vmem>>) target_semaphore(%arg14 : memref<!tpu.dma_semaphore, #tpu.memory_space<semaphore_mem>>)
        %dma_start3A_1340 = arith.constant 8 : i32
        %dma_start3A_1341 = arith.constant 384 : i32
        %dma_start3A_1342 = tpu.memref_slice %arg10[%dma_start3A_1340, %dma_start3A_1341] : memref<16x1024xf32, #tpu.memory_space<vmem>> -> memref<8x128xf32, #tpu.memory_space<vmem>>
        %dma_start3A_1343 = arith.constant 8 : i32
        %dma_start3A_1344 = tpu.memref_slice %arg5[%dma_start3A_1343, %multiple_of3A_1309] : memref<16x1000000xf32, #tpu.memory_space<hbm>> -> memref<8x128xf32, #tpu.memory_space<hbm>>
        %dma_start3A_1345 = arith.constant 8 : i32
        %dma_start3A_1346 = arith.constant 384 : i32
        %dma_start3A_1347 = tpu.memref_slice %arg10[%dma_start3A_1345, %dma_start3A_1346] : memref<16x1024xf32, #tpu.memory_space<vmem>> -> memref<8x128xf32, #tpu.memory_space<vmem>>
        %dma_start3A_1348 = arith.constant 8 : i32
        %dma_start3A_1349 = tpu.memref_slice %arg5[%dma_start3A_1348, %multiple_of3A_1309] : memref<16x1000000xf32, #tpu.memory_space<hbm>> -> memref<8x128xf32, #tpu.memory_space<hbm>>
        tpu.enqueue_dma source(%dma_start3A_1349 : memref<8x128xf32, #tpu.memory_space<hbm>>) target(%dma_start3A_1347 : memref<8x128xf32, #tpu.memory_space<vmem>>) target_semaphore(%arg14 : memref<!tpu.dma_semaphore, #tpu.memory_space<semaphore_mem>>)
        %slice3A_1350 = vector.extract_strided_slice %get3A_1127 {offsets = [4], sizes = [1], strides = [1]} : vector<16xi32> to vector<1xi32>
        %squeeze3A_1351 = vector.extract %slice3A_1350[0] : i32 from vector<1xi32>
        %shift_right_arithmetic3A_1352 = arith.constant 7 : i32
        %shift_right_arithmetic3A_1353 = arith.shrsi %squeeze3A_1351, %shift_right_arithmetic3A_1352 : i32
        %mul3A_1354 = arith.constant 128 : i32
        %mul3A_1355 = arith.muli %shift_right_arithmetic3A_1353, %mul3A_1354 : i32
        %multiple_of3A_1356 = tpu.assume_multiple %mul3A_1355, 128 : i32
        %slice3A_1357 = vector.extract_strided_slice %get3A_1133 {offsets = [4], sizes = [1], strides = [1]} : vector<16xi32> to vector<1xi32>
        %squeeze3A_1358 = vector.extract %slice3A_1357[0] : i32 from vector<1xi32>
        %shift_right_arithmetic3A_1359 = arith.constant 7 : i32
        %shift_right_arithmetic3A_1360 = arith.shrsi %squeeze3A_1358, %shift_right_arithmetic3A_1359 : i32
        %mul3A_1361 = arith.constant 128 : i32
        %mul3A_1362 = arith.muli %shift_right_arithmetic3A_1360, %mul3A_1361 : i32
        %multiple_of3A_1363 = tpu.assume_multiple %mul3A_1362, 128 : i32
        %dma_start3A_1364 = arith.constant 0 : i32
        %dma_start3A_1365 = arith.constant 512 : i32
        %dma_start3A_1366 = tpu.memref_slice %arg9[%dma_start3A_1364, %dma_start3A_1365] : memref<16x1024xf32, #tpu.memory_space<vmem>> -> memref<8x128xf32, #tpu.memory_space<vmem>>
        %dma_start3A_1367 = arith.constant 0 : i32
        %dma_start3A_1368 = tpu.memref_slice %arg4[%dma_start3A_1367, %multiple_of3A_1356] : memref<16x1000000xf32, #tpu.memory_space<hbm>> -> memref<8x128xf32, #tpu.memory_space<hbm>>
        %dma_start3A_1369 = arith.constant 0 : i32
        %dma_start3A_1370 = arith.constant 512 : i32
        %dma_start3A_1371 = tpu.memref_slice %arg9[%dma_start3A_1369, %dma_start3A_1370] : memref<16x1024xf32, #tpu.memory_space<vmem>> -> memref<8x128xf32, #tpu.memory_space<vmem>>
        %dma_start3A_1372 = arith.constant 0 : i32
        %dma_start3A_1373 = tpu.memref_slice %arg4[%dma_start3A_1372, %multiple_of3A_1356] : memref<16x1000000xf32, #tpu.memory_space<hbm>> -> memref<8x128xf32, #tpu.memory_space<hbm>>
        tpu.enqueue_dma source(%dma_start3A_1373 : memref<8x128xf32, #tpu.memory_space<hbm>>) target(%dma_start3A_1371 : memref<8x128xf32, #tpu.memory_space<vmem>>) target_semaphore(%arg14 : memref<!tpu.dma_semaphore, #tpu.memory_space<semaphore_mem>>)
        %dma_start3A_1374 = arith.constant 0 : i32
        %dma_start3A_1375 = arith.constant 512 : i32
        %dma_start3A_1376 = tpu.memref_slice %arg10[%dma_start3A_1374, %dma_start3A_1375] : memref<16x1024xf32, #tpu.memory_space<vmem>> -> memref<8x128xf32, #tpu.memory_space<vmem>>
        %dma_start3A_1377 = arith.constant 0 : i32
        %dma_start3A_1378 = tpu.memref_slice %arg5[%dma_start3A_1377, %multiple_of3A_1363] : memref<16x1000000xf32, #tpu.memory_space<hbm>> -> memref<8x128xf32, #tpu.memory_space<hbm>>
        %dma_start3A_1379 = arith.constant 0 : i32
        %dma_start3A_1380 = arith.constant 512 : i32
        %dma_start3A_1381 = tpu.memref_slice %arg10[%dma_start3A_1379, %dma_start3A_1380] : memref<16x1024xf32, #tpu.memory_space<vmem>> -> memref<8x128xf32, #tpu.memory_space<vmem>>
        %dma_start3A_1382 = arith.constant 0 : i32
        %dma_start3A_1383 = tpu.memref_slice %arg5[%dma_start3A_1382, %multiple_of3A_1363] : memref<16x1000000xf32, #tpu.memory_space<hbm>> -> memref<8x128xf32, #tpu.memory_space<hbm>>
        tpu.enqueue_dma source(%dma_start3A_1383 : memref<8x128xf32, #tpu.memory_space<hbm>>) target(%dma_start3A_1381 : memref<8x128xf32, #tpu.memory_space<vmem>>) target_semaphore(%arg14 : memref<!tpu.dma_semaphore, #tpu.memory_space<semaphore_mem>>)
        %dma_start3A_1384 = arith.constant 8 : i32
        %dma_start3A_1385 = arith.constant 512 : i32
        %dma_start3A_1386 = tpu.memref_slice %arg9[%dma_start3A_1384, %dma_start3A_1385] : memref<16x1024xf32, #tpu.memory_space<vmem>> -> memref<8x128xf32, #tpu.memory_space<vmem>>
        %dma_start3A_1387 = arith.constant 8 : i32
        %dma_start3A_1388 = tpu.memref_slice %arg4[%dma_start3A_1387, %multiple_of3A_1356] : memref<16x1000000xf32, #tpu.memory_space<hbm>> -> memref<8x128xf32, #tpu.memory_space<hbm>>
        %dma_start3A_1389 = arith.constant 8 : i32
        %dma_start3A_1390 = arith.constant 512 : i32
        %dma_start3A_1391 = tpu.memref_slice %arg9[%dma_start3A_1389, %dma_start3A_1390] : memref<16x1024xf32, #tpu.memory_space<vmem>> -> memref<8x128xf32, #tpu.memory_space<vmem>>
        %dma_start3A_1392 = arith.constant 8 : i32
        %dma_start3A_1393 = tpu.memref_slice %arg4[%dma_start3A_1392, %multiple_of3A_1356] : memref<16x1000000xf32, #tpu.memory_space<hbm>> -> memref<8x128xf32, #tpu.memory_space<hbm>>
        tpu.enqueue_dma source(%dma_start3A_1393 : memref<8x128xf32, #tpu.memory_space<hbm>>) target(%dma_start3A_1391 : memref<8x128xf32, #tpu.memory_space<vmem>>) target_semaphore(%arg14 : memref<!tpu.dma_semaphore, #tpu.memory_space<semaphore_mem>>)
        %dma_start3A_1394 = arith.constant 8 : i32
        %dma_start3A_1395 = arith.constant 512 : i32
        %dma_start3A_1396 = tpu.memref_slice %arg10[%dma_start3A_1394, %dma_start3A_1395] : memref<16x1024xf32, #tpu.memory_space<vmem>> -> memref<8x128xf32, #tpu.memory_space<vmem>>
        %dma_start3A_1397 = arith.constant 8 : i32
        %dma_start3A_1398 = tpu.memref_slice %arg5[%dma_start3A_1397, %multiple_of3A_1363] : memref<16x1000000xf32, #tpu.memory_space<hbm>> -> memref<8x128xf32, #tpu.memory_space<hbm>>
        %dma_start3A_1399 = arith.constant 8 : i32
        %dma_start3A_1400 = arith.constant 512 : i32
        %dma_start3A_1401 = tpu.memref_slice %arg10[%dma_start3A_1399, %dma_start3A_1400] : memref<16x1024xf32, #tpu.memory_space<vmem>> -> memref<8x128xf32, #tpu.memory_space<vmem>>
        %dma_start3A_1402 = arith.constant 8 : i32
        %dma_start3A_1403 = tpu.memref_slice %arg5[%dma_start3A_1402, %multiple_of3A_1363] : memref<16x1000000xf32, #tpu.memory_space<hbm>> -> memref<8x128xf32, #tpu.memory_space<hbm>>
        tpu.enqueue_dma source(%dma_start3A_1403 : memref<8x128xf32, #tpu.memory_space<hbm>>) target(%dma_start3A_1401 : memref<8x128xf32, #tpu.memory_space<vmem>>) target_semaphore(%arg14 : memref<!tpu.dma_semaphore, #tpu.memory_space<semaphore_mem>>)
        %slice3A_1404 = vector.extract_strided_slice %get3A_1127 {offsets = [5], sizes = [1], strides = [1]} : vector<16xi32> to vector<1xi32>
        %squeeze3A_1405 = vector.extract %slice3A_1404[0] : i32 from vector<1xi32>
        %shift_right_arithmetic3A_1406 = arith.constant 7 : i32
        %shift_right_arithmetic3A_1407 = arith.shrsi %squeeze3A_1405, %shift_right_arithmetic3A_1406 : i32
        %mul3A_1408 = arith.constant 128 : i32
        %mul3A_1409 = arith.muli %shift_right_arithmetic3A_1407, %mul3A_1408 : i32
        %multiple_of3A_1410 = tpu.assume_multiple %mul3A_1409, 128 : i32
        %slice3A_1411 = vector.extract_strided_slice %get3A_1133 {offsets = [5], sizes = [1], strides = [1]} : vector<16xi32> to vector<1xi32>
        %squeeze3A_1412 = vector.extract %slice3A_1411[0] : i32 from vector<1xi32>
        %shift_right_arithmetic3A_1413 = arith.constant 7 : i32
        %shift_right_arithmetic3A_1414 = arith.shrsi %squeeze3A_1412, %shift_right_arithmetic3A_1413 : i32
        %mul3A_1415 = arith.constant 128 : i32
        %mul3A_1416 = arith.muli %shift_right_arithmetic3A_1414, %mul3A_1415 : i32
        %multiple_of3A_1417 = tpu.assume_multiple %mul3A_1416, 128 : i32
        %dma_start3A_1418 = arith.constant 0 : i32
        %dma_start3A_1419 = arith.constant 640 : i32
        %dma_start3A_1420 = tpu.memref_slice %arg9[%dma_start3A_1418, %dma_start3A_1419] : memref<16x1024xf32, #tpu.memory_space<vmem>> -> memref<8x128xf32, #tpu.memory_space<vmem>>
        %dma_start3A_1421 = arith.constant 0 : i32
        %dma_start3A_1422 = tpu.memref_slice %arg4[%dma_start3A_1421, %multiple_of3A_1410] : memref<16x1000000xf32, #tpu.memory_space<hbm>> -> memref<8x128xf32, #tpu.memory_space<hbm>>
        %dma_start3A_1423 = arith.constant 0 : i32
        %dma_start3A_1424 = arith.constant 640 : i32
        %dma_start3A_1425 = tpu.memref_slice %arg9[%dma_start3A_1423, %dma_start3A_1424] : memref<16x1024xf32, #tpu.memory_space<vmem>> -> memref<8x128xf32, #tpu.memory_space<vmem>>
        %dma_start3A_1426 = arith.constant 0 : i32
        %dma_start3A_1427 = tpu.memref_slice %arg4[%dma_start3A_1426, %multiple_of3A_1410] : memref<16x1000000xf32, #tpu.memory_space<hbm>> -> memref<8x128xf32, #tpu.memory_space<hbm>>
        tpu.enqueue_dma source(%dma_start3A_1427 : memref<8x128xf32, #tpu.memory_space<hbm>>) target(%dma_start3A_1425 : memref<8x128xf32, #tpu.memory_space<vmem>>) target_semaphore(%arg14 : memref<!tpu.dma_semaphore, #tpu.memory_space<semaphore_mem>>)
        %dma_start3A_1428 = arith.constant 0 : i32
        %dma_start3A_1429 = arith.constant 640 : i32
        %dma_start3A_1430 = tpu.memref_slice %arg10[%dma_start3A_1428, %dma_start3A_1429] : memref<16x1024xf32, #tpu.memory_space<vmem>> -> memref<8x128xf32, #tpu.memory_space<vmem>>
        %dma_start3A_1431 = arith.constant 0 : i32
        %dma_start3A_1432 = tpu.memref_slice %arg5[%dma_start3A_1431, %multiple_of3A_1417] : memref<16x1000000xf32, #tpu.memory_space<hbm>> -> memref<8x128xf32, #tpu.memory_space<hbm>>
        %dma_start3A_1433 = arith.constant 0 : i32
        %dma_start3A_1434 = arith.constant 640 : i32
        %dma_start3A_1435 = tpu.memref_slice %arg10[%dma_start3A_1433, %dma_start3A_1434] : memref<16x1024xf32, #tpu.memory_space<vmem>> -> memref<8x128xf32, #tpu.memory_space<vmem>>
        %dma_start3A_1436 = arith.constant 0 : i32
        %dma_start3A_1437 = tpu.memref_slice %arg5[%dma_start3A_1436, %multiple_of3A_1417] : memref<16x1000000xf32, #tpu.memory_space<hbm>> -> memref<8x128xf32, #tpu.memory_space<hbm>>
        tpu.enqueue_dma source(%dma_start3A_1437 : memref<8x128xf32, #tpu.memory_space<hbm>>) target(%dma_start3A_1435 : memref<8x128xf32, #tpu.memory_space<vmem>>) target_semaphore(%arg14 : memref<!tpu.dma_semaphore, #tpu.memory_space<semaphore_mem>>)
        %dma_start3A_1438 = arith.constant 8 : i32
        %dma_start3A_1439 = arith.constant 640 : i32
        %dma_start3A_1440 = tpu.memref_slice %arg9[%dma_start3A_1438, %dma_start3A_1439] : memref<16x1024xf32, #tpu.memory_space<vmem>> -> memref<8x128xf32, #tpu.memory_space<vmem>>
        %dma_start3A_1441 = arith.constant 8 : i32
        %dma_start3A_1442 = tpu.memref_slice %arg4[%dma_start3A_1441, %multiple_of3A_1410] : memref<16x1000000xf32, #tpu.memory_space<hbm>> -> memref<8x128xf32, #tpu.memory_space<hbm>>
        %dma_start3A_1443 = arith.constant 8 : i32
        %dma_start3A_1444 = arith.constant 640 : i32
        %dma_start3A_1445 = tpu.memref_slice %arg9[%dma_start3A_1443, %dma_start3A_1444] : memref<16x1024xf32, #tpu.memory_space<vmem>> -> memref<8x128xf32, #tpu.memory_space<vmem>>
        %dma_start3A_1446 = arith.constant 8 : i32
        %dma_start3A_1447 = tpu.memref_slice %arg4[%dma_start3A_1446, %multiple_of3A_1410] : memref<16x1000000xf32, #tpu.memory_space<hbm>> -> memref<8x128xf32, #tpu.memory_space<hbm>>
        tpu.enqueue_dma source(%dma_start3A_1447 : memref<8x128xf32, #tpu.memory_space<hbm>>) target(%dma_start3A_1445 : memref<8x128xf32, #tpu.memory_space<vmem>>) target_semaphore(%arg14 : memref<!tpu.dma_semaphore, #tpu.memory_space<semaphore_mem>>)
        %dma_start3A_1448 = arith.constant 8 : i32
        %dma_start3A_1449 = arith.constant 640 : i32
        %dma_start3A_1450 = tpu.memref_slice %arg10[%dma_start3A_1448, %dma_start3A_1449] : memref<16x1024xf32, #tpu.memory_space<vmem>> -> memref<8x128xf32, #tpu.memory_space<vmem>>
        %dma_start3A_1451 = arith.constant 8 : i32
        %dma_start3A_1452 = tpu.memref_slice %arg5[%dma_start3A_1451, %multiple_of3A_1417] : memref<16x1000000xf32, #tpu.memory_space<hbm>> -> memref<8x128xf32, #tpu.memory_space<hbm>>
        %dma_start3A_1453 = arith.constant 8 : i32
        %dma_start3A_1454 = arith.constant 640 : i32
        %dma_start3A_1455 = tpu.memref_slice %arg10[%dma_start3A_1453, %dma_start3A_1454] : memref<16x1024xf32, #tpu.memory_space<vmem>> -> memref<8x128xf32, #tpu.memory_space<vmem>>
        %dma_start3A_1456 = arith.constant 8 : i32
        %dma_start3A_1457 = tpu.memref_slice %arg5[%dma_start3A_1456, %multiple_of3A_1417] : memref<16x1000000xf32, #tpu.memory_space<hbm>> -> memref<8x128xf32, #tpu.memory_space<hbm>>
        tpu.enqueue_dma source(%dma_start3A_1457 : memref<8x128xf32, #tpu.memory_space<hbm>>) target(%dma_start3A_1455 : memref<8x128xf32, #tpu.memory_space<vmem>>) target_semaphore(%arg14 : memref<!tpu.dma_semaphore, #tpu.memory_space<semaphore_mem>>)
        %slice3A_1458 = vector.extract_strided_slice %get3A_1127 {offsets = [6], sizes = [1], strides = [1]} : vector<16xi32> to vector<1xi32>
        %squeeze3A_1459 = vector.extract %slice3A_1458[0] : i32 from vector<1xi32>
        %shift_right_arithmetic3A_1460 = arith.constant 7 : i32
        %shift_right_arithmetic3A_1461 = arith.shrsi %squeeze3A_1459, %shift_right_arithmetic3A_1460 : i32
        %mul3A_1462 = arith.constant 128 : i32
        %mul3A_1463 = arith.muli %shift_right_arithmetic3A_1461, %mul3A_1462 : i32
        %multiple_of3A_1464 = tpu.assume_multiple %mul3A_1463, 128 : i32
        %slice3A_1465 = vector.extract_strided_slice %get3A_1133 {offsets = [6], sizes = [1], strides = [1]} : vector<16xi32> to vector<1xi32>
        %squeeze3A_1466 = vector.extract %slice3A_1465[0] : i32 from vector<1xi32>
        %shift_right_arithmetic3A_1467 = arith.constant 7 : i32
        %shift_right_arithmetic3A_1468 = arith.shrsi %squeeze3A_1466, %shift_right_arithmetic3A_1467 : i32
        %mul3A_1469 = arith.constant 128 : i32
        %mul3A_1470 = arith.muli %shift_right_arithmetic3A_1468, %mul3A_1469 : i32
        %multiple_of3A_1471 = tpu.assume_multiple %mul3A_1470, 128 : i32
        %dma_start3A_1472 = arith.constant 0 : i32
        %dma_start3A_1473 = arith.constant 768 : i32
        %dma_start3A_1474 = tpu.memref_slice %arg9[%dma_start3A_1472, %dma_start3A_1473] : memref<16x1024xf32, #tpu.memory_space<vmem>> -> memref<8x128xf32, #tpu.memory_space<vmem>>
        %dma_start3A_1475 = arith.constant 0 : i32
        %dma_start3A_1476 = tpu.memref_slice %arg4[%dma_start3A_1475, %multiple_of3A_1464] : memref<16x1000000xf32, #tpu.memory_space<hbm>> -> memref<8x128xf32, #tpu.memory_space<hbm>>
        %dma_start3A_1477 = arith.constant 0 : i32
        %dma_start3A_1478 = arith.constant 768 : i32
        %dma_start3A_1479 = tpu.memref_slice %arg9[%dma_start3A_1477, %dma_start3A_1478] : memref<16x1024xf32, #tpu.memory_space<vmem>> -> memref<8x128xf32, #tpu.memory_space<vmem>>
        %dma_start3A_1480 = arith.constant 0 : i32
        %dma_start3A_1481 = tpu.memref_slice %arg4[%dma_start3A_1480, %multiple_of3A_1464] : memref<16x1000000xf32, #tpu.memory_space<hbm>> -> memref<8x128xf32, #tpu.memory_space<hbm>>
        tpu.enqueue_dma source(%dma_start3A_1481 : memref<8x128xf32, #tpu.memory_space<hbm>>) target(%dma_start3A_1479 : memref<8x128xf32, #tpu.memory_space<vmem>>) target_semaphore(%arg14 : memref<!tpu.dma_semaphore, #tpu.memory_space<semaphore_mem>>)
        %dma_start3A_1482 = arith.constant 0 : i32
        %dma_start3A_1483 = arith.constant 768 : i32
        %dma_start3A_1484 = tpu.memref_slice %arg10[%dma_start3A_1482, %dma_start3A_1483] : memref<16x1024xf32, #tpu.memory_space<vmem>> -> memref<8x128xf32, #tpu.memory_space<vmem>>
        %dma_start3A_1485 = arith.constant 0 : i32
        %dma_start3A_1486 = tpu.memref_slice %arg5[%dma_start3A_1485, %multiple_of3A_1471] : memref<16x1000000xf32, #tpu.memory_space<hbm>> -> memref<8x128xf32, #tpu.memory_space<hbm>>
        %dma_start3A_1487 = arith.constant 0 : i32
        %dma_start3A_1488 = arith.constant 768 : i32
        %dma_start3A_1489 = tpu.memref_slice %arg10[%dma_start3A_1487, %dma_start3A_1488] : memref<16x1024xf32, #tpu.memory_space<vmem>> -> memref<8x128xf32, #tpu.memory_space<vmem>>
        %dma_start3A_1490 = arith.constant 0 : i32
        %dma_start3A_1491 = tpu.memref_slice %arg5[%dma_start3A_1490, %multiple_of3A_1471] : memref<16x1000000xf32, #tpu.memory_space<hbm>> -> memref<8x128xf32, #tpu.memory_space<hbm>>
        tpu.enqueue_dma source(%dma_start3A_1491 : memref<8x128xf32, #tpu.memory_space<hbm>>) target(%dma_start3A_1489 : memref<8x128xf32, #tpu.memory_space<vmem>>) target_semaphore(%arg14 : memref<!tpu.dma_semaphore, #tpu.memory_space<semaphore_mem>>)
        %dma_start3A_1492 = arith.constant 8 : i32
        %dma_start3A_1493 = arith.constant 768 : i32
        %dma_start3A_1494 = tpu.memref_slice %arg9[%dma_start3A_1492, %dma_start3A_1493] : memref<16x1024xf32, #tpu.memory_space<vmem>> -> memref<8x128xf32, #tpu.memory_space<vmem>>
        %dma_start3A_1495 = arith.constant 8 : i32
        %dma_start3A_1496 = tpu.memref_slice %arg4[%dma_start3A_1495, %multiple_of3A_1464] : memref<16x1000000xf32, #tpu.memory_space<hbm>> -> memref<8x128xf32, #tpu.memory_space<hbm>>
        %dma_start3A_1497 = arith.constant 8 : i32
        %dma_start3A_1498 = arith.constant 768 : i32
        %dma_start3A_1499 = tpu.memref_slice %arg9[%dma_start3A_1497, %dma_start3A_1498] : memref<16x1024xf32, #tpu.memory_space<vmem>> -> memref<8x128xf32, #tpu.memory_space<vmem>>
        %dma_start3A_1500 = arith.constant 8 : i32
        %dma_start3A_1501 = tpu.memref_slice %arg4[%dma_start3A_1500, %multiple_of3A_1464] : memref<16x1000000xf32, #tpu.memory_space<hbm>> -> memref<8x128xf32, #tpu.memory_space<hbm>>
        tpu.enqueue_dma source(%dma_start3A_1501 : memref<8x128xf32, #tpu.memory_space<hbm>>) target(%dma_start3A_1499 : memref<8x128xf32, #tpu.memory_space<vmem>>) target_semaphore(%arg14 : memref<!tpu.dma_semaphore, #tpu.memory_space<semaphore_mem>>)
        %dma_start3A_1502 = arith.constant 8 : i32
        %dma_start3A_1503 = arith.constant 768 : i32
        %dma_start3A_1504 = tpu.memref_slice %arg10[%dma_start3A_1502, %dma_start3A_1503] : memref<16x1024xf32, #tpu.memory_space<vmem>> -> memref<8x128xf32, #tpu.memory_space<vmem>>
        %dma_start3A_1505 = arith.constant 8 : i32
        %dma_start3A_1506 = tpu.memref_slice %arg5[%dma_start3A_1505, %multiple_of3A_1471] : memref<16x1000000xf32, #tpu.memory_space<hbm>> -> memref<8x128xf32, #tpu.memory_space<hbm>>
        %dma_start3A_1507 = arith.constant 8 : i32
        %dma_start3A_1508 = arith.constant 768 : i32
        %dma_start3A_1509 = tpu.memref_slice %arg10[%dma_start3A_1507, %dma_start3A_1508] : memref<16x1024xf32, #tpu.memory_space<vmem>> -> memref<8x128xf32, #tpu.memory_space<vmem>>
        %dma_start3A_1510 = arith.constant 8 : i32
        %dma_start3A_1511 = tpu.memref_slice %arg5[%dma_start3A_1510, %multiple_of3A_1471] : memref<16x1000000xf32, #tpu.memory_space<hbm>> -> memref<8x128xf32, #tpu.memory_space<hbm>>
        tpu.enqueue_dma source(%dma_start3A_1511 : memref<8x128xf32, #tpu.memory_space<hbm>>) target(%dma_start3A_1509 : memref<8x128xf32, #tpu.memory_space<vmem>>) target_semaphore(%arg14 : memref<!tpu.dma_semaphore, #tpu.memory_space<semaphore_mem>>)
        %slice3A_1512 = vector.extract_strided_slice %get3A_1127 {offsets = [7], sizes = [1], strides = [1]} : vector<16xi32> to vector<1xi32>
        %squeeze3A_1513 = vector.extract %slice3A_1512[0] : i32 from vector<1xi32>
        %shift_right_arithmetic3A_1514 = arith.constant 7 : i32
        %shift_right_arithmetic3A_1515 = arith.shrsi %squeeze3A_1513, %shift_right_arithmetic3A_1514 : i32
        %mul3A_1516 = arith.constant 128 : i32
        %mul3A_1517 = arith.muli %shift_right_arithmetic3A_1515, %mul3A_1516 : i32
        %multiple_of3A_1518 = tpu.assume_multiple %mul3A_1517, 128 : i32
        %slice3A_1519 = vector.extract_strided_slice %get3A_1133 {offsets = [7], sizes = [1], strides = [1]} : vector<16xi32> to vector<1xi32>
        %squeeze3A_1520 = vector.extract %slice3A_1519[0] : i32 from vector<1xi32>
        %shift_right_arithmetic3A_1521 = arith.constant 7 : i32
        %shift_right_arithmetic3A_1522 = arith.shrsi %squeeze3A_1520, %shift_right_arithmetic3A_1521 : i32
        %mul3A_1523 = arith.constant 128 : i32
        %mul3A_1524 = arith.muli %shift_right_arithmetic3A_1522, %mul3A_1523 : i32
        %multiple_of3A_1525 = tpu.assume_multiple %mul3A_1524, 128 : i32
        %dma_start3A_1526 = arith.constant 0 : i32
        %dma_start3A_1527 = arith.constant 896 : i32
        %dma_start3A_1528 = tpu.memref_slice %arg9[%dma_start3A_1526, %dma_start3A_1527] : memref<16x1024xf32, #tpu.memory_space<vmem>> -> memref<8x128xf32, #tpu.memory_space<vmem>>
        %dma_start3A_1529 = arith.constant 0 : i32
        %dma_start3A_1530 = tpu.memref_slice %arg4[%dma_start3A_1529, %multiple_of3A_1518] : memref<16x1000000xf32, #tpu.memory_space<hbm>> -> memref<8x128xf32, #tpu.memory_space<hbm>>
        %dma_start3A_1531 = arith.constant 0 : i32
        %dma_start3A_1532 = arith.constant 896 : i32
        %dma_start3A_1533 = tpu.memref_slice %arg9[%dma_start3A_1531, %dma_start3A_1532] : memref<16x1024xf32, #tpu.memory_space<vmem>> -> memref<8x128xf32, #tpu.memory_space<vmem>>
        %dma_start3A_1534 = arith.constant 0 : i32
        %dma_start3A_1535 = tpu.memref_slice %arg4[%dma_start3A_1534, %multiple_of3A_1518] : memref<16x1000000xf32, #tpu.memory_space<hbm>> -> memref<8x128xf32, #tpu.memory_space<hbm>>
        tpu.enqueue_dma source(%dma_start3A_1535 : memref<8x128xf32, #tpu.memory_space<hbm>>) target(%dma_start3A_1533 : memref<8x128xf32, #tpu.memory_space<vmem>>) target_semaphore(%arg14 : memref<!tpu.dma_semaphore, #tpu.memory_space<semaphore_mem>>)
        %dma_start3A_1536 = arith.constant 0 : i32
        %dma_start3A_1537 = arith.constant 896 : i32
        %dma_start3A_1538 = tpu.memref_slice %arg10[%dma_start3A_1536, %dma_start3A_1537] : memref<16x1024xf32, #tpu.memory_space<vmem>> -> memref<8x128xf32, #tpu.memory_space<vmem>>
        %dma_start3A_1539 = arith.constant 0 : i32
        %dma_start3A_1540 = tpu.memref_slice %arg5[%dma_start3A_1539, %multiple_of3A_1525] : memref<16x1000000xf32, #tpu.memory_space<hbm>> -> memref<8x128xf32, #tpu.memory_space<hbm>>
        %dma_start3A_1541 = arith.constant 0 : i32
        %dma_start3A_1542 = arith.constant 896 : i32
        %dma_start3A_1543 = tpu.memref_slice %arg10[%dma_start3A_1541, %dma_start3A_1542] : memref<16x1024xf32, #tpu.memory_space<vmem>> -> memref<8x128xf32, #tpu.memory_space<vmem>>
        %dma_start3A_1544 = arith.constant 0 : i32
        %dma_start3A_1545 = tpu.memref_slice %arg5[%dma_start3A_1544, %multiple_of3A_1525] : memref<16x1000000xf32, #tpu.memory_space<hbm>> -> memref<8x128xf32, #tpu.memory_space<hbm>>
        tpu.enqueue_dma source(%dma_start3A_1545 : memref<8x128xf32, #tpu.memory_space<hbm>>) target(%dma_start3A_1543 : memref<8x128xf32, #tpu.memory_space<vmem>>) target_semaphore(%arg14 : memref<!tpu.dma_semaphore, #tpu.memory_space<semaphore_mem>>)
        %dma_start3A_1546 = arith.constant 8 : i32
        %dma_start3A_1547 = arith.constant 896 : i32
        %dma_start3A_1548 = tpu.memref_slice %arg9[%dma_start3A_1546, %dma_start3A_1547] : memref<16x1024xf32, #tpu.memory_space<vmem>> -> memref<8x128xf32, #tpu.memory_space<vmem>>
        %dma_start3A_1549 = arith.constant 8 : i32
        %dma_start3A_1550 = tpu.memref_slice %arg4[%dma_start3A_1549, %multiple_of3A_1518] : memref<16x1000000xf32, #tpu.memory_space<hbm>> -> memref<8x128xf32, #tpu.memory_space<hbm>>
        %dma_start3A_1551 = arith.constant 8 : i32
        %dma_start3A_1552 = arith.constant 896 : i32
        %dma_start3A_1553 = tpu.memref_slice %arg9[%dma_start3A_1551, %dma_start3A_1552] : memref<16x1024xf32, #tpu.memory_space<vmem>> -> memref<8x128xf32, #tpu.memory_space<vmem>>
        %dma_start3A_1554 = arith.constant 8 : i32
        %dma_start3A_1555 = tpu.memref_slice %arg4[%dma_start3A_1554, %multiple_of3A_1518] : memref<16x1000000xf32, #tpu.memory_space<hbm>> -> memref<8x128xf32, #tpu.memory_space<hbm>>
        tpu.enqueue_dma source(%dma_start3A_1555 : memref<8x128xf32, #tpu.memory_space<hbm>>) target(%dma_start3A_1553 : memref<8x128xf32, #tpu.memory_space<vmem>>) target_semaphore(%arg14 : memref<!tpu.dma_semaphore, #tpu.memory_space<semaphore_mem>>)
        %dma_start3A_1556 = arith.constant 8 : i32
        %dma_start3A_1557 = arith.constant 896 : i32
        %dma_start3A_1558 = tpu.memref_slice %arg10[%dma_start3A_1556, %dma_start3A_1557] : memref<16x1024xf32, #tpu.memory_space<vmem>> -> memref<8x128xf32, #tpu.memory_space<vmem>>
        %dma_start3A_1559 = arith.constant 8 : i32
        %dma_start3A_1560 = tpu.memref_slice %arg5[%dma_start3A_1559, %multiple_of3A_1525] : memref<16x1000000xf32, #tpu.memory_space<hbm>> -> memref<8x128xf32, #tpu.memory_space<hbm>>
        %dma_start3A_1561 = arith.constant 8 : i32
        %dma_start3A_1562 = arith.constant 896 : i32
        %dma_start3A_1563 = tpu.memref_slice %arg10[%dma_start3A_1561, %dma_start3A_1562] : memref<16x1024xf32, #tpu.memory_space<vmem>> -> memref<8x128xf32, #tpu.memory_space<vmem>>
        %dma_start3A_1564 = arith.constant 8 : i32
        %dma_start3A_1565 = tpu.memref_slice %arg5[%dma_start3A_1564, %multiple_of3A_1525] : memref<16x1000000xf32, #tpu.memory_space<hbm>> -> memref<8x128xf32, #tpu.memory_space<hbm>>
        tpu.enqueue_dma source(%dma_start3A_1565 : memref<8x128xf32, #tpu.memory_space<hbm>>) target(%dma_start3A_1563 : memref<8x128xf32, #tpu.memory_space<vmem>>) target_semaphore(%arg14 : memref<!tpu.dma_semaphore, #tpu.memory_space<semaphore_mem>>)
      } else {
      }
      %dma_wait3A_1000 = arith.constant 0 : i32
      %dma_wait3A_1001 = arith.constant 0 : i32
      %dma_wait3A_1002 = tpu.memref_slice %arg4[%dma_wait3A_1000, %dma_wait3A_1001] : memref<16x1000000xf32, #tpu.memory_space<hbm>> -> memref<16x1024xf32, #tpu.memory_space<hbm>>
      %dma_wait3A_1003 = arith.constant 0 : i32
      %dma_wait3A_1004 = arith.constant 0 : i32
      %dma_wait3A_1005 = tpu.memref_slice %arg4[%dma_wait3A_1003, %dma_wait3A_1004] : memref<16x1000000xf32, #tpu.memory_space<hbm>> -> memref<16x1024xf32, #tpu.memory_space<hbm>>
      tpu.wait_dma2 semaphore(%arg15 : memref<!tpu.dma_semaphore, #tpu.memory_space<semaphore_mem>>) src(%dma_wait3A_1005 : memref<16x1024xf32, #tpu.memory_space<hbm>>) dst(%arg11 : memref<16x1024xf32, #tpu.memory_space<vmem>>)
      %dma_wait3A_1006 = arith.constant 0 : i32
      %dma_wait3A_1007 = arith.constant 0 : i32
      %dma_wait3A_1008 = tpu.memref_slice %arg5[%dma_wait3A_1006, %dma_wait3A_1007] : memref<16x1000000xf32, #tpu.memory_space<hbm>> -> memref<16x1024xf32, #tpu.memory_space<hbm>>
      %dma_wait3A_1009 = arith.constant 0 : i32
      %dma_wait3A_1010 = arith.constant 0 : i32
      %dma_wait3A_1011 = tpu.memref_slice %arg5[%dma_wait3A_1009, %dma_wait3A_1010] : memref<16x1000000xf32, #tpu.memory_space<hbm>> -> memref<16x1024xf32, #tpu.memory_space<hbm>>
      tpu.wait_dma2 semaphore(%arg15 : memref<!tpu.dma_semaphore, #tpu.memory_space<semaphore_mem>>) src(%dma_wait3A_1011 : memref<16x1024xf32, #tpu.memory_space<hbm>>) dst(%arg12 : memref<16x1024xf32, #tpu.memory_space<vmem>>)
      %and3A_1012 = arith.constant 127 : i32
      %and3A_1013 = vector.broadcast %and3A_1012 : i32 to vector<16xi32>
      %and3A_1014 = arith.andi %get3A_449, %and3A_1013 : vector<16xi32>
      %add3A_1015 = arith.addi %mul3A_7, %and3A_1014 : vector<16xi32>
      %and3A_1016 = arith.constant 127 : i32
      %and3A_1017 = vector.broadcast %and3A_1016 : i32 to vector<16xi32>
      %and3A_1018 = arith.andi %get3A_453, %and3A_1017 : vector<16xi32>
      %add3A_1019 = arith.addi %mul3A_7, %and3A_1018 : vector<16xi32>
      %broadcast_in_dim3A_1020 = arith.constant 0 : i32
      %broadcast_in_dim3A_1021 = vector.broadcast %broadcast_in_dim3A_1020 : i32 to vector<16xi32>
      %gather3A_1022 = tpu.vector_load_idx %arg11[%broadcast_in_dim3A_1021, %add3A_1015] : memref<16x1024xf32, #tpu.memory_space<vmem>>[vector<16xi32>, vector<16xi32>], vector<16xf32>,
      %gather3A_1023 = tpu.vector_load_idx %arg12[%broadcast_in_dim3A_1021, %add3A_1019] : memref<16x1024xf32, #tpu.memory_space<vmem>>[vector<16xi32>, vector<16xi32>], vector<16xf32>,
      %mul3A_1024 = arith.mulf %gather3A_1022, %gather3A_1023 : vector<16xf32>
      %broadcast_in_dim3A_1025 = arith.constant 1 : i32
      %broadcast_in_dim3A_1026 = vector.broadcast %broadcast_in_dim3A_1025 : i32 to vector<16xi32>
      %gather3A_1027 = tpu.vector_load_idx %arg11[%broadcast_in_dim3A_1026, %add3A_1015] : memref<16x1024xf32, #tpu.memory_space<vmem>>[vector<16xi32>, vector<16xi32>], vector<16xf32>,
      %gather3A_1028 = tpu.vector_load_idx %arg12[%broadcast_in_dim3A_1026, %add3A_1019] : memref<16x1024xf32, #tpu.memory_space<vmem>>[vector<16xi32>, vector<16xi32>], vector<16xf32>,
      %mul3A_1029 = arith.mulf %gather3A_1027, %gather3A_1028 : vector<16xf32>
      %add3A_1030 = arith.addf %mul3A_1024, %mul3A_1029 : vector<16xf32>
      %broadcast_in_dim3A_1031 = arith.constant 2 : i32
      %broadcast_in_dim3A_1032 = vector.broadcast %broadcast_in_dim3A_1031 : i32 to vector<16xi32>
      %gather3A_1033 = tpu.vector_load_idx %arg11[%broadcast_in_dim3A_1032, %add3A_1015] : memref<16x1024xf32, #tpu.memory_space<vmem>>[vector<16xi32>, vector<16xi32>], vector<16xf32>,
      %gather3A_1034 = tpu.vector_load_idx %arg12[%broadcast_in_dim3A_1032, %add3A_1019] : memref<16x1024xf32, #tpu.memory_space<vmem>>[vector<16xi32>, vector<16xi32>], vector<16xf32>,
      %mul3A_1035 = arith.mulf %gather3A_1033, %gather3A_1034 : vector<16xf32>
      %add3A_1036 = arith.addf %add3A_1030, %mul3A_1035 : vector<16xf32>
      %broadcast_in_dim3A_1037 = arith.constant 3 : i32
      %broadcast_in_dim3A_1038 = vector.broadcast %broadcast_in_dim3A_1037 : i32 to vector<16xi32>
      %gather3A_1039 = tpu.vector_load_idx %arg11[%broadcast_in_dim3A_1038, %add3A_1015] : memref<16x1024xf32, #tpu.memory_space<vmem>>[vector<16xi32>, vector<16xi32>], vector<16xf32>,
      %gather3A_1040 = tpu.vector_load_idx %arg12[%broadcast_in_dim3A_1038, %add3A_1019] : memref<16x1024xf32, #tpu.memory_space<vmem>>[vector<16xi32>, vector<16xi32>], vector<16xf32>,
      %mul3A_1041 = arith.mulf %gather3A_1039, %gather3A_1040 : vector<16xf32>
      %add3A_1042 = arith.addf %add3A_1036, %mul3A_1041 : vector<16xf32>
      %broadcast_in_dim3A_1043 = arith.constant 4 : i32
      %broadcast_in_dim3A_1044 = vector.broadcast %broadcast_in_dim3A_1043 : i32 to vector<16xi32>
      %gather3A_1045 = tpu.vector_load_idx %arg11[%broadcast_in_dim3A_1044, %add3A_1015] : memref<16x1024xf32, #tpu.memory_space<vmem>>[vector<16xi32>, vector<16xi32>], vector<16xf32>,
      %gather3A_1046 = tpu.vector_load_idx %arg12[%broadcast_in_dim3A_1044, %add3A_1019] : memref<16x1024xf32, #tpu.memory_space<vmem>>[vector<16xi32>, vector<16xi32>], vector<16xf32>,
      %mul3A_1047 = arith.mulf %gather3A_1045, %gather3A_1046 : vector<16xf32>
      %add3A_1048 = arith.addf %add3A_1042, %mul3A_1047 : vector<16xf32>
      %broadcast_in_dim3A_1049 = arith.constant 5 : i32
      %broadcast_in_dim3A_1050 = vector.broadcast %broadcast_in_dim3A_1049 : i32 to vector<16xi32>
      %gather3A_1051 = tpu.vector_load_idx %arg11[%broadcast_in_dim3A_1050, %add3A_1015] : memref<16x1024xf32, #tpu.memory_space<vmem>>[vector<16xi32>, vector<16xi32>], vector<16xf32>,
      %gather3A_1052 = tpu.vector_load_idx %arg12[%broadcast_in_dim3A_1050, %add3A_1019] : memref<16x1024xf32, #tpu.memory_space<vmem>>[vector<16xi32>, vector<16xi32>], vector<16xf32>,
      %mul3A_1053 = arith.mulf %gather3A_1051, %gather3A_1052 : vector<16xf32>
      %add3A_1054 = arith.addf %add3A_1048, %mul3A_1053 : vector<16xf32>
      %broadcast_in_dim3A_1055 = arith.constant 6 : i32
      %broadcast_in_dim3A_1056 = vector.broadcast %broadcast_in_dim3A_1055 : i32 to vector<16xi32>
      %gather3A_1057 = tpu.vector_load_idx %arg11[%broadcast_in_dim3A_1056, %add3A_1015] : memref<16x1024xf32, #tpu.memory_space<vmem>>[vector<16xi32>, vector<16xi32>], vector<16xf32>,
      %gather3A_1058 = tpu.vector_load_idx %arg12[%broadcast_in_dim3A_1056, %add3A_1019] : memref<16x1024xf32, #tpu.memory_space<vmem>>[vector<16xi32>, vector<16xi32>], vector<16xf32>,
      %mul3A_1059 = arith.mulf %gather3A_1057, %gather3A_1058 : vector<16xf32>
      %add3A_1060 = arith.addf %add3A_1054, %mul3A_1059 : vector<16xf32>
      %broadcast_in_dim3A_1061 = arith.constant 7 : i32
      %broadcast_in_dim3A_1062 = vector.broadcast %broadcast_in_dim3A_1061 : i32 to vector<16xi32>
      %gather3A_1063 = tpu.vector_load_idx %arg11[%broadcast_in_dim3A_1062, %add3A_1015] : memref<16x1024xf32, #tpu.memory_space<vmem>>[vector<16xi32>, vector<16xi32>], vector<16xf32>,
      %gather3A_1064 = tpu.vector_load_idx %arg12[%broadcast_in_dim3A_1062, %add3A_1019] : memref<16x1024xf32, #tpu.memory_space<vmem>>[vector<16xi32>, vector<16xi32>], vector<16xf32>,
      %mul3A_1065 = arith.mulf %gather3A_1063, %gather3A_1064 : vector<16xf32>
      %add3A_1066 = arith.addf %add3A_1060, %mul3A_1065 : vector<16xf32>
      %broadcast_in_dim3A_1067 = arith.constant 8 : i32
      %broadcast_in_dim3A_1068 = vector.broadcast %broadcast_in_dim3A_1067 : i32 to vector<16xi32>
      %gather3A_1069 = tpu.vector_load_idx %arg11[%broadcast_in_dim3A_1068, %add3A_1015] : memref<16x1024xf32, #tpu.memory_space<vmem>>[vector<16xi32>, vector<16xi32>], vector<16xf32>,
      %gather3A_1070 = tpu.vector_load_idx %arg12[%broadcast_in_dim3A_1068, %add3A_1019] : memref<16x1024xf32, #tpu.memory_space<vmem>>[vector<16xi32>, vector<16xi32>], vector<16xf32>,
      %mul3A_1071 = arith.mulf %gather3A_1069, %gather3A_1070 : vector<16xf32>
      %add3A_1072 = arith.addf %add3A_1066, %mul3A_1071 : vector<16xf32>
      %broadcast_in_dim3A_1073 = arith.constant 9 : i32
      %broadcast_in_dim3A_1074 = vector.broadcast %broadcast_in_dim3A_1073 : i32 to vector<16xi32>
      %gather3A_1075 = tpu.vector_load_idx %arg11[%broadcast_in_dim3A_1074, %add3A_1015] : memref<16x1024xf32, #tpu.memory_space<vmem>>[vector<16xi32>, vector<16xi32>], vector<16xf32>,
      %gather3A_1076 = tpu.vector_load_idx %arg12[%broadcast_in_dim3A_1074, %add3A_1019] : memref<16x1024xf32, #tpu.memory_space<vmem>>[vector<16xi32>, vector<16xi32>], vector<16xf32>,
      %mul3A_1077 = arith.mulf %gather3A_1075, %gather3A_1076 : vector<16xf32>
      %add3A_1078 = arith.addf %add3A_1072, %mul3A_1077 : vector<16xf32>
      %broadcast_in_dim3A_1079 = arith.constant 10 : i32
      %broadcast_in_dim3A_1080 = vector.broadcast %broadcast_in_dim3A_1079 : i32 to vector<16xi32>
      %gather3A_1081 = tpu.vector_load_idx %arg11[%broadcast_in_dim3A_1080, %add3A_1015] : memref<16x1024xf32, #tpu.memory_space<vmem>>[vector<16xi32>, vector<16xi32>], vector<16xf32>,
      %gather3A_1082 = tpu.vector_load_idx %arg12[%broadcast_in_dim3A_1080, %add3A_1019] : memref<16x1024xf32, #tpu.memory_space<vmem>>[vector<16xi32>, vector<16xi32>], vector<16xf32>,
      %mul3A_1083 = arith.mulf %gather3A_1081, %gather3A_1082 : vector<16xf32>
      %add3A_1084 = arith.addf %add3A_1078, %mul3A_1083 : vector<16xf32>
      %broadcast_in_dim3A_1085 = arith.constant 11 : i32
      %broadcast_in_dim3A_1086 = vector.broadcast %broadcast_in_dim3A_1085 : i32 to vector<16xi32>
      %gather3A_1087 = tpu.vector_load_idx %arg11[%broadcast_in_dim3A_1086, %add3A_1015] : memref<16x1024xf32, #tpu.memory_space<vmem>>[vector<16xi32>, vector<16xi32>], vector<16xf32>,
      %gather3A_1088 = tpu.vector_load_idx %arg12[%broadcast_in_dim3A_1086, %add3A_1019] : memref<16x1024xf32, #tpu.memory_space<vmem>>[vector<16xi32>, vector<16xi32>], vector<16xf32>,
      %mul3A_1089 = arith.mulf %gather3A_1087, %gather3A_1088 : vector<16xf32>
      %add3A_1090 = arith.addf %add3A_1084, %mul3A_1089 : vector<16xf32>
      %broadcast_in_dim3A_1091 = arith.constant 12 : i32
      %broadcast_in_dim3A_1092 = vector.broadcast %broadcast_in_dim3A_1091 : i32 to vector<16xi32>
      %gather3A_1093 = tpu.vector_load_idx %arg11[%broadcast_in_dim3A_1092, %add3A_1015] : memref<16x1024xf32, #tpu.memory_space<vmem>>[vector<16xi32>, vector<16xi32>], vector<16xf32>,
      %gather3A_1094 = tpu.vector_load_idx %arg12[%broadcast_in_dim3A_1092, %add3A_1019] : memref<16x1024xf32, #tpu.memory_space<vmem>>[vector<16xi32>, vector<16xi32>], vector<16xf32>,
      %mul3A_1095 = arith.mulf %gather3A_1093, %gather3A_1094 : vector<16xf32>
      %add3A_1096 = arith.addf %add3A_1090, %mul3A_1095 : vector<16xf32>
      %broadcast_in_dim3A_1097 = arith.constant 13 : i32
      %broadcast_in_dim3A_1098 = vector.broadcast %broadcast_in_dim3A_1097 : i32 to vector<16xi32>
      %gather3A_1099 = tpu.vector_load_idx %arg11[%broadcast_in_dim3A_1098, %add3A_1015] : memref<16x1024xf32, #tpu.memory_space<vmem>>[vector<16xi32>, vector<16xi32>], vector<16xf32>,
      %gather3A_1100 = tpu.vector_load_idx %arg12[%broadcast_in_dim3A_1098, %add3A_1019] : memref<16x1024xf32, #tpu.memory_space<vmem>>[vector<16xi32>, vector<16xi32>], vector<16xf32>,
      %mul3A_1101 = arith.mulf %gather3A_1099, %gather3A_1100 : vector<16xf32>
      %add3A_1102 = arith.addf %add3A_1096, %mul3A_1101 : vector<16xf32>
      %broadcast_in_dim3A_1103 = arith.constant 14 : i32
      %broadcast_in_dim3A_1104 = vector.broadcast %broadcast_in_dim3A_1103 : i32 to vector<16xi32>
      %gather3A_1105 = tpu.vector_load_idx %arg11[%broadcast_in_dim3A_1104, %add3A_1015] : memref<16x1024xf32, #tpu.memory_space<vmem>>[vector<16xi32>, vector<16xi32>], vector<16xf32>,
      %gather3A_1106 = tpu.vector_load_idx %arg12[%broadcast_in_dim3A_1104, %add3A_1019] : memref<16x1024xf32, #tpu.memory_space<vmem>>[vector<16xi32>, vector<16xi32>], vector<16xf32>,
      %mul3A_1107 = arith.mulf %gather3A_1105, %gather3A_1106 : vector<16xf32>
      %add3A_1108 = arith.addf %add3A_1102, %mul3A_1107 : vector<16xf32>
      %broadcast_in_dim3A_1109 = arith.constant 15 : i32
      %broadcast_in_dim3A_1110 = vector.broadcast %broadcast_in_dim3A_1109 : i32 to vector<16xi32>
      %gather3A_1111 = tpu.vector_load_idx %arg11[%broadcast_in_dim3A_1110, %add3A_1015] : memref<16x1024xf32, #tpu.memory_space<vmem>>[vector<16xi32>, vector<16xi32>], vector<16xf32>,
      %gather3A_1112 = tpu.vector_load_idx %arg12[%broadcast_in_dim3A_1110, %add3A_1019] : memref<16x1024xf32, #tpu.memory_space<vmem>>[vector<16xi32>, vector<16xi32>], vector<16xf32>,
      %mul3A_1113 = arith.mulf %gather3A_1111, %gather3A_1112 : vector<16xf32>
      %add3A_1114 = arith.addf %add3A_1108, %mul3A_1113 : vector<16xf32>
      %lt3A_1115 = arith.constant 8 : i32
      %lt3A_1116 = vector.broadcast %lt3A_1115 : i32 to vector<16xi32>
      %lt3A_1117 = arith.cmpi slt, %iota3A, %lt3A_1116 : vector<16xi32>
      %select_n3A = arith.select %lt3A_1117, %add3A_997, %add3A_1114 : vector<16xi1>, vector<16xf32>
      %mul3A_1118 = arith.constant 16 : i32
      %mul3A_1119 = arith.muli %scan3A_444, %mul3A_1118 : i32
      %swap3A = arith.index_cast %mul3A_1119 : i32 to index
      %swap3A_1120 = tpu.vector_load %arg13[%swap3A] {strides = array<i32>} : memref<512xf32, #tpu.memory_space<vmem>>, vector<16xf32>,
      tpu.vector_store %arg13[%swap3A], %select_n3A {strides = array<i32>} : memref<512xf32, #tpu.memory_space<vmem>>, vector<16xf32>,
      %scan3A_1121 = arith.constant 0 : i32
      scf.yield %scan3A_1121 : i32
    }
    %scan3A_443 = arith.constant 32 : i32
    "tpu.region"() ({
      %run_scoped3A = tpu.sem_alloc : memref<!tpu.dma_semaphore, #tpu.memory_space<semaphore_mem>>
      %dma_start3A_444 = tpu.memref_slice %arg6[%mul3A_2] : memref<16384xf32, #tpu.memory_space<hbm>> -> memref<512xf32, #tpu.memory_space<hbm>>
      %dma_start3A_445 = tpu.memref_slice %arg6[%mul3A_2] : memref<16384xf32, #tpu.memory_space<hbm>> -> memref<512xf32, #tpu.memory_space<hbm>>
      tpu.enqueue_dma source(%arg13 : memref<512xf32, #tpu.memory_space<vmem>>) target(%dma_start3A_445 : memref<512xf32, #tpu.memory_space<hbm>>) target_semaphore(%run_scoped3A : memref<!tpu.dma_semaphore, #tpu.memory_space<semaphore_mem>>)
      %dma_wait3A = tpu.memref_slice %arg6[%mul3A_2] : memref<16384xf32, #tpu.memory_space<hbm>> -> memref<512xf32, #tpu.memory_space<hbm>>
      %dma_wait3A_446 = tpu.memref_slice %arg6[%mul3A_2] : memref<16384xf32, #tpu.memory_space<hbm>> -> memref<512xf32, #tpu.memory_space<hbm>>
      tpu.wait_dma2 semaphore(%run_scoped3A : memref<!tpu.dma_semaphore, #tpu.memory_space<semaphore_mem>>) src(%arg13 : memref<512xf32, #tpu.memory_space<vmem>>) dst(%dma_wait3A_446 : memref<512xf32, #tpu.memory_space<hbm>>)
      tpu.yield
    }) : () -> ()
    return
  }
}

</mosaic_0001>

<sc_bundles>
// kernel: kernel.3.cloned.1.call-start
scs
__scs_entry_jumppad:
0x0: {  	(pc) =	sbr.rel $0x88, $3  }
0x1: {  	(tag) =	ssettag $0x0;
	lr =	simm.s32 $0x1  }
0x2: {  	[smem:$0x3F9D] =	sst lr;
	_ =	strace $0xD0000000  }
0x3: {  	_ = 	snop  }
0x4: {  	_ = 	snop  }
0x5: {  	_ = 	snop  }
0x6: {  	_ = 	snop  }
0x7: {  	_ = 	snop  }
__scs_overlays_trampoline_lowered:
0x8: {  	[smem:$0x3FAC] =	sst s0  }
0x9: {  	[smem:$0x3FAD] =	sst s1  }
0xa: {  	[smem:$0x3FAE] =	sst s2  }
0xb: {  	[smem:$0x3FAF] =	sst s3  }
0xc: {  	[smem:$0x3FB0] =	sst s4  }
0xd: {  	[smem:$0x3FB1] =	sst s5  }
0xe: {  	[smem:$0x3FB2] =	sst s6  }
0xf: {  	[smem:$0x3FB3] =	sst s7  }
0x10: {  	[smem:$0x3FB4] =	sst s8  }
0x11: {  	[smem:$0x3FB5] =	sst s9;
	s0 =	simm.s32 @!p0 $0x0  }
0x12: {  	s1 =	sld [smem:$0x3F9B];
	s0 =	simm.s32 @p0 $0x1  }
0x13: {  	[smem:$0x3FB6] =	sst s0;
	s0 =	simm.s32 @!p1 $0x0  }
0x14: {  	s2 =	sld [smem:$0x3F9A];
	s0 =	simm.s32 @p1 $0x1  }
0x15: {  	[smem:$0x3FB7] =	sst s0;
	s0 =	simm.s32 @!p2 $0x0  }
0x16: {  	s3 =	sld [smem:$0x3FDB];
	s0 =	simm.s32 @p2 $0x1  }
0x17: {  	s4 =	simm.s32 $0x1BF5;
	[smem:$0x3FB9] =	sst s0  }
0x18: {  	s0 =	sld [smem:$0x3F9C];
	_ =	swait.ge [sflag:s4], $0x0  }
0x19: {  	s7 =	sld [smem:$0x3F9D]  }
0x1a: {  	s8 =	sadd.s32 $0xFFFFE003, lr  }
0x1b: {  	s9 =	sadd.s32 $0xFFFFFEF7, lr;
	s5 =	simm.s32 $0xFFFFFFFF;
	p2 =	slt.u32 s8, $0xFFFFF086  }
0x1c: {  	p1 =	slt.u32 s9, $0xF7A;
	s5 =	simm.s32 @!p2 $0x0  }
0x1d: {  	s5 =	simm.s32 @p1 $0x1;
	p0 =	seq.s32 s7, s2  }
0x1e: {  	s7 =	smul.u32 @!p0 $0xF7A, s2;
	p2 =	seq.s32 @!p0 s5, $0x0  }
0x1f: {  	s9 =	smul.u32 $0xF7A, s1;
	s8 =	simm.s32 @!p0 $0x1BF5;
	p2 =	por !p2, p0  }
0x20: {  	[sflag:s8] =	ssyncset.s32 @!p0 $0xFFFFF086;
	s6 =	sadd.s32 @!p0 s3, s7;
	s7 =	simm.s32 @!p0 $0x108  }
0x21: {  	s3 =	sadd.s32 s3, s9;
	s6 =	sadd.s32 @!p0 $0x88, s6;
	s7 =	simm.s32 @p2 $0x1082  }
0x22: {  	[simem:s7], [sflag:s8] =	dma.local @!p0 [hbm:s6], $0xF7A  }
0x23: {  	s9 =	sor.u32 $0xD0000000, s2;
	s6 =	simm.s32 $0x108;
	_ =	swait.ge @!p0 [sflag:s8], $0x0  }
0x24: {  	s3 =	sadd.s32 $0x88, s3;
	s6 =	simm.s32 @!p1 $0x1082;
	[sflag:s4] =	ssyncset.s32 $0xFFFFF086  }
0x25: {  	[simem:s6], [sflag:s4] =	dma.local [hbm:s3], $0xF7A  }
0x26: {  	[smem:$0x3F9D] =	sst s1;
	(tag) =	ssettag s2;
	_ =	strace s9  }
0x27: {  	s1 =	sld [smem:$0x3FAD]  }
0x28: {  	s2 =	sld [smem:$0x3FAE]  }
0x29: {  	s4 =	sld [smem:$0x3FB0]  }
0x2a: {  	p0 =	seq.s32 s5, $0x0;
	s5 =	sld [smem:$0x3FB1]  }
0x2b: {  	s6 =	sld [smem:$0x3FB2]  }
0x2c: {  	s7 =	sld [smem:$0x3FB3]  }
0x2d: {  	s3 =	simm.s32 $0x108;
	s8 =	sld [smem:$0x3FB4]  }
0x2e: {  	s3 =	simm.s32 @!p0 $0x1082;
	s9 =	sld [smem:$0x3FB5]  }
0x2f: {  	lr =	sadd.s32 s0, s3;
	s0 =	sld [smem:$0x3FAC]  }
0x30: {  	s3 =	sld [smem:$0x3FAF]  }
0x31: {  	[smem:$0x3FB8] =	sst s10  }
0x32: {  	s10 =	sld [smem:$0x3FB6];
	_ =	sdelay $0x3  }
0x33: {  	p0 =	seq.s32 s10, $0x1;
	s10 =	sld [smem:$0x3FB8];
	_ =	sdelay $0x3  }
0x34: {  	[smem:$0x3FB8] =	sst s10  }
0x35: {  	s10 =	sld [smem:$0x3FB7];
	_ =	sdelay $0x3  }
0x36: {  	p1 =	seq.s32 s10, $0x1;
	s10 =	sld [smem:$0x3FB8];
	_ =	sdelay $0x3  }
0x37: {  	[smem:$0x3FB8] =	sst s10  }
0x38: {  	s10 =	sld [smem:$0x3FB9]  }
0x39: {  	_ = 	snop;
	(pc) =	sbr.ind lr, $3  }
0x3a: {  	_ = 	snop  }
0x3b: {  	_ = 	snop  }
0x3c: {  	p2 =	seq.s32 s10, $0x1;
	s10 =	sld [smem:$0x3FB8]  }
0x3d: {  	_ =	shalt  }
0x3e: {  	_ =	shalt  }
0x3f: {  	_ =	shalt  }
0x40: {  	_ =	shalt  }
0x41: {  	_ =	shalt  }
0x42: {  	_ =	shalt  }
0x43: {  	_ =	shalt  }
0x44: {  	_ =	shalt  }
0x45: {  	_ =	shalt  }
0x46: {  	_ =	shalt  }
0x47: {  	_ =	shalt  }
0x48: {  	_ =	shalt  }
0x49: {  	_ =	shalt  }
0x4a: {  	_ =	shalt  }
0x4b: {  	_ =	shalt  }
0x4c: {  	_ =	shalt  }
0x4d: {  	_ =	shalt  }
0x4e: {  	_ =	shalt  }
0x4f: {  	_ =	shalt  }
0x50: {  	_ =	shalt  }
0x51: {  	_ =	shalt  }
0x52: {  	_ =	shalt  }
0x53: {  	_ =	shalt  }
0x54: {  	_ =	shalt  }
0x55: {  	_ =	shalt  }
0x56: {  	_ =	shalt  }
0x57: {  	_ =	shalt  }
0x58: {  	_ =	shalt  }
0x59: {  	_ =	shalt  }
0x5a: {  	_ =	shalt  }
0x5b: {  	_ =	shalt  }
0x5c: {  	_ =	shalt  }
0x5d: {  	_ =	shalt  }
0x5e: {  	_ =	shalt  }
0x5f: {  	_ =	shalt  }
0x60: {  	_ =	shalt  }
0x61: {  	_ =	shalt  }
0x62: {  	_ =	shalt  }
0x63: {  	_ =	shalt  }
0x64: {  	_ =	shalt  }
0x65: {  	_ =	shalt  }
0x66: {  	_ =	shalt  }
0x67: {  	_ =	shalt  }
0x68: {  	_ =	shalt  }
0x69: {  	_ =	shalt  }
0x6a: {  	_ =	shalt  }
0x6b: {  	_ =	shalt  }
0x6c: {  	_ =	shalt  }
0x6d: {  	_ =	shalt  }
0x6e: {  	_ =	shalt  }
0x6f: {  	_ =	shalt  }
0x70: {  	_ =	shalt  }
0x71: {  	_ =	shalt  }
0x72: {  	_ =	shalt  }
0x73: {  	_ =	shalt  }
0x74: {  	_ =	shalt  }
0x75: {  	_ =	shalt  }
0x76: {  	_ =	shalt  }
0x77: {  	_ =	shalt  }
0x78: {  	_ =	shalt  }
0x79: {  	_ =	shalt  }
0x7a: {  	_ =	shalt  }
0x7b: {  	_ =	shalt  }
0x7c: {  	_ =	shalt  }
0x7d: {  	_ =	shalt  }
0x7e: {  	_ =	shalt  }
0x7f: {  	_ =	shalt  }
0x80: {  	_ =	shalt  }
0x81: {  	_ =	shalt  }
0x82: {  	_ =	shalt  }
0x83: {  	_ =	shalt  }
0x84: {  	_ =	shalt  }
0x85: {  	_ =	shalt  }
0x86: {  	_ =	shalt  }
0x87: {  	_ =	shalt  }
.Lfunc_end0:
.L_simem_size_0:
called_computation_lowered:
.L_overlay_start_0:
0x88: {  	s2 =	sld [smem:$0x3FD9]  }
0x89: {  	s3 =	sld [smem:$0x3FFE];
	_ =	sdelay $0x1  }
0x8a: {  	s1 =	srdreg.scid  }
0x8b: {  	s0 =	sand.u32 $0x1, s1  }
0x8c: {  	s18 =	sshll.u32 s0, $0xA;
	s2 =	sadd.s32 s3, s2  }
0x8d: {  	s2 =	sadd.s32 s2, s18  }
0x8e: {  	[smem:$0x3FC4] =	sst s2  }
0x8f: {  	_ = 	snop  }
0x90: {  	s2 =	sld [smem:$0x3FC9]  }
0x91: {  	s19 =	sld [smem:$0x3FC8]  }
0x92: {  	s4 =	sld [smem:$0x3FC7]  }
0x93: {  	s5 =	sld [smem:$0x3FC6]  }
0x94: {  	s6 =	sld [smem:$0x3FD0];
	(tm) =	ssettm $0x1  }
0x95: {  	s7 =	sld [smem:$0x3FFB];
	_ =	sdelay $0x3  }
0x96: {  	_ =	strace s7  }
0x97: {  	s7 =	sld [smem:$0x3FFC];
	_ =	sdelay $0x3  }
0x98: {  	_ =	strace s7  }
0x99: {  	s7 =	sld [smem:$0x3FFD];
	_ =	sdelay $0x3  }
0x9a: {  	_ =	strace s7  }
0x9b: {  	_ =	strace $0x8FFFFFFF  }
0x9c: {  	s20 =	sld [smem:$0x3FDB];
	_ =	sdelay $0x1  }
0x9d: {  	s8 =	simm.s32 $_scs_section_size  }
0x9e: {  	s9 =	simm.s32 $_size__tile_overlayer_lowered;
	s10 =	simm.s32 $_tile_overlayer_lowered  }
0x9f: {  	s23 =	simm.s32 $0x1BFF;
	s22 =	sshll.u32 s10, $0x1;
	s7 =	sadd.s32 s8, s20  }
0xa0: {  	s11 =	simm.s32 $0x0;
	s21 =	sshll.u32 s9, $0x1;
	s9 =	sadd.s32 s22, s7  }
0xa1: {  	[timem:s11], [sflag:s23] =	dma.local [hbm:s9], s21  }
0xa2: {  	_ =	swait.ge [sflag:s23], s21  }
0xa3: {  	s8 =	ssub.s32 $0x0, s21;
	[sflag:s23] =	ssyncset.done $0x0  }
0xa4: {  	[sflag:s23] =	ssyncadd.s32 s8;
	_ =	sdelay $0x1  }
0xa5: {  	s24 =	simm.s32 $0x1B8B  }
0xa6: {  	_ =	swait.ge [sflag:s24], $0x1  }
0xa7: {  	[sflag:s24] =	ssyncset.done $0x0  }
0xa8: {  	s25 =	simm.s32 $0x1B8E;
	[sflag:s24] =	ssyncadd.s32 $0xFFFFFFFF  }
0xa9: {  	s26 =	simm.s32 $execute0_lowered;
	[smem:$0x3FD2] =	sst s25  }
0xaa: {  	s8 =	sshll.u32 s26, $0x1;
	_ =	strace $0x80000046;
	[dreg:$0x1] =	wrdreg $0xFFFFFFFF  }
0xab: {  	s28 =	simm.s32 $_size_execute0_lowered;
	s7 =	sadd.s32 s7, s8;
	[dreg:$0x0] =	wrdreg $0x0  }
0xac: {  	s8 =	sshll.u32 s28, $0x1;
	[dreg:$0x2] =	wrdreg s7  }
0xad: {  	[dreg:$0x3] =	wrdreg s8  }
0xae: {  	[dreg:$0x4] =	wrdreg $0xC0  }
0xaf: {  	_ =	task [dreg:s11], $0x5FFFF  }
0xb0: {  	[dreg:$0x1] =	wrdreg $0xFFFFFFFF  }
0xb1: {  	[dreg:$0x0] =	wrdreg $0x60  }
0xb2: {  	[dreg:$0x2] =	wrdreg s2  }
0xb3: {  	[dreg:$0x3] =	wrdreg s19  }
0xb4: {  	[dreg:$0x4] =	wrdreg s4  }
0xb5: {  	[dreg:$0x5] =	wrdreg s5  }
0xb6: {  	[dreg:$0x6] =	wrdreg s6  }
0xb7: {  	[dreg:$0x7] =	wrdreg $0x9  }
0xb8: {  	_ =	task.clear_ibuf [dreg:s11], $0x8FFFF;
	_ =	strace $0x90000046  }
0xb9: {  	s29 =	simm.s32 $0x9;
	_ =	strace $0x80000048  }
0xba: {  	_ =	swait.ge [sflag:s29], $0x1  }
0xbb: {  	[sflag:s29] =	ssyncadd.s32 $0xFFFFFFFF  }
0xbc: {  	_ =	strace $0x90000048  }
0xbd: {  	_ =	sfence  }
0xbe: {  	s30 =	sld [smem:$0x0];
	_ =	sdelay $0x2  }
0xbf: {  	s31 =	sshll.u32 s1, $0xD;
	s1 =	sshrl.u32 s1, $0x2  }
0xc0: {  	s3 =	sand.u32 $0x4000, s31;
	s1 =	sadd.s32 s1, s30  }
0xc1: {  	s0 =	sor.u32 s3, s0;
	s1 =	sshll.u32 s1, $0x11  }
0xc2: {  	s0 =	sor.u32 s1, s0  }
0xc3: {  	s0 =	sadd.s32 $0x8F2B, s0  }
0xc4: {  	[sflag:s0] =	ssyncadd.remote.s32 $0x1  }
0xc5: {  	_ =	sfence.sel $0xFFFF  }
0xc6: {  	[dreg:$0x0] =	wrdreg $0xFFFFFFFF;
	(pc) =	sbr.abs _section_cstart, $3  }
0xc7: {  	[dreg:$0x1] =	wrdreg $0xFFFFFFFF  }
0xc8: {  	_ =	task.clear_ibuf [dreg:s11], $0x2FFFF;
	_ =	strace $0x9FFFFFFF  }
0xc9: {  	(tm) =	ssettm $0x7FFFFFFF  }
tec
execute0_lowered:
.L_overlay_start_1:
0x0: {  	(tag) =	ssettag $0x1  }
0x1: {  	s0 =	rddreg [dreg:$0x0]  }
0x2: {  	s3 =	rddreg [dreg:$0x1];
	v0 =	vlaneseq.u32  }
0x3: {  	s1 =	rddreg [dreg:$0x2];
	v0 =	vand.u32 $0x7, v0  }
0x4: {  	s2 =	rddreg [dreg:$0x3];
	s4 =	simm.s32 $0x0;
	v0 =	vmul.u32 $0x400, v0  }
0x5: {  	[smem:$0x7FF] =	sst s4  }
0x6: {  	s5 =	rddreg [dreg:$0x4];
	_ =	strace $0x80000047;
	v1 =	vor.u32 $0x80, v0;
	[tilespmem:$0x1FFE0] =	vst v0  }
0x7: {  	s6 =	srdreg.scid;
	v51 =	vor.u32 $0x100, v0;
	[tilespmem:$0x1FF00] =	vst v1  }
0x8: {  	s8 =	stileid.u32;
	s29 =	simm.s32 $0x3;
	s11 =	simm.s32 $0x400;
	v52 =	vor.u32 $0x180, v0;
	[tilespmem:$0x1FF10] =	vst v51  }
0x9: {  	s12 =	simm.s32 $0x4400;
	s17 =	simm.s32 $0x8400;
	s18 =	simm.s32 $0xC400;
	v53 =	vor.u32 $0x200, v0;
	[tilespmem:$0x1FF20] =	vst v52  }
0xa: {  	s10 =	simm.s32 $0x9400;
	s13 =	simm.s32 $0xB800;
	s14 =	simm.s32 $0xF800;
	v54 =	vor.u32 $0x280, v0;
	[tilespmem:$0x1FF30] =	vst v53  }
0xb: {  	s15 =	simm.s32 $0x9C00;
	s16 =	simm.s32 $0xDC00;
	s19 =	simm.s32 $0xBC00;
	v55 =	vor.u32 $0x300, v0;
	[tilespmem:$0x1FF40] =	vst v54  }
0xc: {  	s20 =	simm.s32 $0xFC00;
	s21 =	simm.s32 $0xA000;
	s22 =	simm.s32 $0xE000;
	v56 =	vor.u32 $0x380, v0;
	[tilespmem:$0x1FF50] =	vst v55  }
0xd: {  	s23 =	simm.s32 $0xC000;
	s24 =	simm.s32 $0x10000;
	s6 =	sand.u32 $0x1, s6;
	v57 =	vor.u32 $0x2000, v0;
	[tilespmem:$0x1FF60] =	vst v56  }
0xe: {  	s25 =	simm.s32 $0x1;
	s26 =	simm.s32 $0x2;
	s7 =	ssub.s32 $0x2, s6;
	v58 =	vor.u32 $0x2080, v0;
	[tilespmem:$0x1FF70] =	vst v57  }
0xf: {  	s8 =	sshll.u32 s8, $0x7;
	s6 =	sshll.u32 s6, $0x6;
	s9 =	sshrl.u32 s7, $0x1;
	v59 =	vor.u32 $0x2100, v0;
	[tilespmem:$0x1FF80] =	vst v58  }
0x10: {  	s6 =	sor.u32 s6, s8;
	s8 =	simm.s32 $0x9800;
	s7 =	ssub.s32 s7, s9;
	v60 =	vor.u32 $0x2180, v0;
	[tilespmem:$0x1FF90] =	vst v59  }
.Ltmp0:
0x11: {  	s0 =	sadd.s32 s0, s6;
	s28 =	sadd.s32 s3, s6;
	v61 =	vor.u32 $0x2200, v0;
	[tilespmem:$0x1FFA0] =	vst v60;
	(pc) =	sbr.rel .LBB2_1-.Ltmp0, $4  }
0x12: {  	s30 =	sadd.s32 s5, s6;
	s3 =	simm.s32 $0xF000;
	v62 =	vor.u32 $0x2280, v0;
	[dreg:$0x6] =	wrdreg s0;
	[tilespmem:$0x1FFB0] =	vst v61  }
0x13: {  	s5 =	simm.s32 $0xD400;
	s6 =	simm.s32 $0xB400;
	v63 =	vor.u32 $0x2300, v0;
	[dreg:$0x7] =	wrdreg s28;
	[tilespmem:$0x1FFC0] =	vst v62  }
0x14: {  	s9 =	simm.s32 $0xD800;
	v0 =	vor.u32 $0x2380, v0;
	[dreg:$0x8] =	wrdreg s30;
	s31 =	smax.u32 s7, $0x1;
	[tilespmem:$0x1FFD0] =	vst v63  }
0x15: {  	vm0 =	vmmov $0xff;
	s7 =	simm.s32 $0xF400;
	[tilespmem:$0x1FFF0] =	vst v0;
	s0 =	simm.s32 $0x0;
	[dreg:$0x9] =	wrdreg s31  }
.LBB2_5:
0x16: {  	s28 =	rddreg [dreg:$0x8];
	s0 =	simm.s32 $0x10400;
	s29 =	simm.s32 $0x3  }
0x17: {  	[hbm4b:s28+s4] =	stream.linear.scatter [tilespmem:s0], [sflag:$0x3], $0x200, $0x38;
	[tilespmem:$0x10600] =	vst v63  }
0x18: {  	_ =	swait.ge [sflag:s29], $0x200  }
0x19: {  	s30 =	rddreg [dreg:$0xa]  }
0x1a: {  	s31 =	rddreg [dreg:$0x9];
	s0 =	sadd.s32 $0x1, s30  }
0x1b: {  	p0 =	sne.s32 s0, s31  }
.Ltmp1:
0x1c: {  	_ = 	snop;
	(pc) =	sbr.rel @!p0 .LBB2_6-.Ltmp1, $3  }
0x1d: {  	_ =	sdelay $0x1  }
0x1e: {  	[sflag:s29] =	ssyncset.done $0x0  }
0x1f: {  	[sflag:s29] =	ssyncadd.s32 $0xFFFFFE00  }
.LBB2_1:
0x20: {  	[dreg:$0xa] =	wrdreg s0  }
0x21: {  	s28 =	rddreg [dreg:$0x6]  }
0x22: {  	[tilespmem:s4], [sflag:$0x3] =	stream.linear.gather [hbm4b:s28+s4], $0x200, $0x38;
	[tilespmem:$0x10600] =	vst v63  }
0x23: {  	_ =	swait.ge [sflag:s29], $0x200  }
0x24: {  	[sflag:s29] =	ssyncset.done $0x0  }
0x25: {  	s30 =	simm.s32 $0x200;
	s28 =	rddreg [dreg:$0x7];
	[sflag:s29] =	ssyncadd.s32 $0xFFFFFE00  }
0x26: {  	[tilespmem:s30], [sflag:$0x3] =	stream.linear.gather [hbm4b:s28+s4], $0x200, $0x38;
	[tilespmem:$0x10600] =	vst v63  }
0x27: {  	_ =	swait.ge [sflag:s29], $0x200  }
0x28: {  	[sflag:s29] =	ssyncset.done $0x0  }
0x29: {  	[sflag:s29] =	ssyncadd.s32 $0xFFFFFE00  }
0x2a: {  	v0 =	vld [tilespmem:$0x0]  }
0x2b: {  	v1 =	vld [tilespmem:$0x200];
	_ =	sdelay $0x3  }
0x2c: {  	(v2sf) =	vpush v0, $0x0  }
0x2d: {  	(v2sf) =	vpush v1, $0x0;
	_ =	sdelay $0x8  }
0x2e: {  	(v2sf) =	vpush v0, $0x1  }
0x2f: {  	(v2sf) =	vpush v1, $0x1;
	_ =	sdelay $0x3  }
0x30: {  	s28 =	spop (v2sf)  }
0x31: {  	s28 =	sand.u32 $0xFFFFF80, s28;
	s31 =	spop (v2sf)  }
0x32: {  	s28 =	sadd.s32 s1, s28;
	s29 =	sand.u32 $0xFFFFF80, s31  }
0x33: {  	[tilespmem:s11], [sflag:$0x1] =	stream.linear.gather [hbm4b:s28+s4], $0x400, $0x38;
	[tilespmem:$0x10600] =	vst v63  }
0x34: {  	s29 =	sadd.s32 s2, s29  }
0x35: {  	(v2sf) =	vpush v0, $0x2;
	[tilespmem:s12], [sflag:$0x1] =	stream.linear.gather [hbm4b:s29+s4], $0x400, $0x38;
	[tilespmem:$0x10600] =	vst v63  }
0x36: {  	s0 =	simm.s32 $0x2400;
	(v2sf) =	vpush v1, $0x2;
	s28 =	sadd.s32 $0xF4280, s28  }
0x37: {  	[tilespmem:s0], [sflag:$0x1] =	stream.linear.gather [hbm4b:s28+s4], $0x400, $0x38;
	[tilespmem:$0x10600] =	vst v63  }
0x38: {  	s28 =	sadd.s32 $0xF4280, s29;
	s29 =	simm.s32 $0x6400  }
0x39: {  	[tilespmem:s29], [sflag:$0x1] =	stream.linear.gather [hbm4b:s28+s4], $0x400, $0x38;
	[tilespmem:$0x10600] =	vst v63  }
0x3a: {  	s28 =	spop (v2sf)  }
0x3b: {  	s28 =	sand.u32 $0xFFFFF80, s28;
	s30 =	spop (v2sf)  }
0x3c: {  	s31 =	simm.s32 $0x800;
	s28 =	sadd.s32 s1, s28;
	s29 =	sand.u32 $0xFFFFF80, s30  }
0x3d: {  	[tilespmem:s31], [sflag:$0x1] =	stream.linear.gather [hbm4b:s28+s4], $0x400, $0x38;
	[tilespmem:$0x10600] =	vst v63  }
0x3e: {  	s30 =	simm.s32 $0x4800;
	s29 =	sadd.s32 s2, s29  }
0x3f: {  	(v2sf) =	vpush v0, $0x3;
	[tilespmem:s30], [sflag:$0x1] =	stream.linear.gather [hbm4b:s29+s4], $0x400, $0x38;
	[tilespmem:$0x10600] =	vst v63  }
0x40: {  	(v2sf) =	vpush v1, $0x3;
	s28 =	sadd.s32 $0xF4280, s28;
	s31 =	simm.s32 $0x2800  }
0x41: {  	[tilespmem:s31], [sflag:$0x1] =	stream.linear.gather [hbm4b:s28+s4], $0x400, $0x38;
	[tilespmem:$0x10600] =	vst v63  }
0x42: {  	s28 =	sadd.s32 $0xF4280, s29;
	s29 =	simm.s32 $0x6800  }
0x43: {  	[tilespmem:s29], [sflag:$0x1] =	stream.linear.gather [hbm4b:s28+s4], $0x400, $0x38;
	[tilespmem:$0x10600] =	vst v63  }
0x44: {  	s28 =	spop (v2sf)  }
0x45: {  	s28 =	sand.u32 $0xFFFFF80, s28;
	s30 =	spop (v2sf)  }
0x46: {  	s31 =	simm.s32 $0xC00;
	s28 =	sadd.s32 s1, s28;
	s29 =	sand.u32 $0xFFFFF80, s30  }
0x47: {  	[tilespmem:s31], [sflag:$0x1] =	stream.linear.gather [hbm4b:s28+s4], $0x400, $0x38;
	[tilespmem:$0x10600] =	vst v63  }
0x48: {  	s30 =	simm.s32 $0x4C00;
	s29 =	sadd.s32 s2, s29  }
0x49: {  	(v2sf) =	vpush v0, $0x4;
	[tilespmem:s30], [sflag:$0x1] =	stream.linear.gather [hbm4b:s29+s4], $0x400, $0x38;
	[tilespmem:$0x10600] =	vst v63  }
0x4a: {  	(v2sf) =	vpush v1, $0x4;
	s28 =	sadd.s32 $0xF4280, s28;
	s31 =	simm.s32 $0x2C00  }
0x4b: {  	[tilespmem:s31], [sflag:$0x1] =	stream.linear.gather [hbm4b:s28+s4], $0x400, $0x38;
	[tilespmem:$0x10600] =	vst v63  }
0x4c: {  	s28 =	sadd.s32 $0xF4280, s29;
	s29 =	simm.s32 $0x6C00  }
0x4d: {  	[tilespmem:s29], [sflag:$0x1] =	stream.linear.gather [hbm4b:s28+s4], $0x400, $0x38;
	[tilespmem:$0x10600] =	vst v63  }
0x4e: {  	s28 =	spop (v2sf)  }
0x4f: {  	s28 =	sand.u32 $0xFFFFF80, s28;
	s30 =	spop (v2sf)  }
0x50: {  	s31 =	simm.s32 $0x1000;
	s28 =	sadd.s32 s1, s28;
	s29 =	sand.u32 $0xFFFFF80, s30  }
0x51: {  	[tilespmem:s31], [sflag:$0x1] =	stream.linear.gather [hbm4b:s28+s4], $0x400, $0x38;
	[tilespmem:$0x10600] =	vst v63  }
0x52: {  	s30 =	simm.s32 $0x5000;
	s29 =	sadd.s32 s2, s29  }
0x53: {  	(v2sf) =	vpush v0, $0x5;
	[tilespmem:s30], [sflag:$0x1] =	stream.linear.gather [hbm4b:s29+s4], $0x400, $0x38;
	[tilespmem:$0x10600] =	vst v63  }
0x54: {  	(v2sf) =	vpush v1, $0x5;
	s28 =	sadd.s32 $0xF4280, s28;
	s31 =	simm.s32 $0x3000  }
0x55: {  	[tilespmem:s31], [sflag:$0x1] =	stream.linear.gather [hbm4b:s28+s4], $0x400, $0x38;
	[tilespmem:$0x10600] =	vst v63  }
0x56: {  	s28 =	sadd.s32 $0xF4280, s29;
	s29 =	simm.s32 $0x7000  }
0x57: {  	[tilespmem:s29], [sflag:$0x1] =	stream.linear.gather [hbm4b:s28+s4], $0x400, $0x38;
	[tilespmem:$0x10600] =	vst v63  }
0x58: {  	s28 =	spop (v2sf)  }
0x59: {  	s28 =	sand.u32 $0xFFFFF80, s28;
	s30 =	spop (v2sf)  }
0x5a: {  	s31 =	simm.s32 $0x1400;
	s28 =	sadd.s32 s1, s28;
	s29 =	sand.u32 $0xFFFFF80, s30  }
0x5b: {  	(v2sf) =	vpush v0, $0x6;
	[tilespmem:s31], [sflag:$0x1] =	stream.linear.gather [hbm4b:s28+s4], $0x400, $0x38;
	[tilespmem:$0x10600] =	vst v63  }
0x5c: {  	(v2sf) =	vpush v1, $0x6;
	s30 =	simm.s32 $0x5400;
	s29 =	sadd.s32 s2, s29  }
0x5d: {  	[tilespmem:s30], [sflag:$0x1] =	stream.linear.gather [hbm4b:s29+s4], $0x400, $0x38;
	[tilespmem:$0x10600] =	vst v63  }
0x5e: {  	s28 =	sadd.s32 $0xF4280, s28;
	s31 =	simm.s32 $0x3400  }
0x5f: {  	[tilespmem:s31], [sflag:$0x1] =	stream.linear.gather [hbm4b:s28+s4], $0x400, $0x38;
	[tilespmem:$0x10600] =	vst v63  }
0x60: {  	s30 =	simm.s32 $0x7400;
	s28 =	sadd.s32 $0xF4280, s29  }
0x61: {  	[tilespmem:s30], [sflag:$0x1] =	stream.linear.gather [hbm4b:s28+s4], $0x400, $0x38;
	[tilespmem:$0x10600] =	vst v63  }
0x62: {  	s28 =	spop (v2sf)  }
0x63: {  	s28 =	sand.u32 $0xFFFFF80, s28;
	s31 =	spop (v2sf)  }
0x64: {  	s30 =	simm.s32 $0x1800;
	(v2sf) =	vpush v0, $0x7;
	s28 =	sadd.s32 s1, s28;
	s29 =	sand.u32 $0xFFFFF80, s31  }
0x65: {  	(v2sf) =	vpush v1, $0x7;
	[tilespmem:s30], [sflag:$0x1] =	stream.linear.gather [hbm4b:s28+s4], $0x400, $0x38;
	[tilespmem:$0x10600] =	vst v63  }
0x66: {  	s31 =	simm.s32 $0x5800;
	s29 =	sadd.s32 s2, s29  }
0x67: {  	[tilespmem:s31], [sflag:$0x1] =	stream.linear.gather [hbm4b:s29+s4], $0x400, $0x38;
	[tilespmem:$0x10600] =	vst v63  }
0x68: {  	s28 =	sadd.s32 $0xF4280, s28;
	s30 =	simm.s32 $0x3800  }
0x69: {  	[tilespmem:s30], [sflag:$0x1] =	stream.linear.gather [hbm4b:s28+s4], $0x400, $0x38;
	[tilespmem:$0x10600] =	vst v63  }
0x6a: {  	s29 =	sadd.s32 $0xF4280, s29;
	s28 =	spop (v2sf)  }
0x6b: {  	s31 =	simm.s32 $0x7800;
	s28 =	sand.u32 $0xFFFFF80, s28;
	s30 =	spop (v2sf)  }
0x6c: {  	[tilespmem:s31], [sflag:$0x1] =	stream.linear.gather [hbm4b:s29+s4], $0x400, $0x38;
	[tilespmem:$0x10600] =	vst v63  }
0x6d: {  	s28 =	sadd.s32 s1, s28;
	s31 =	simm.s32 $0x1C00;
	s29 =	sand.u32 $0xFFFFF80, s30  }
0x6e: {  	[tilespmem:s31], [sflag:$0x1] =	stream.linear.gather [hbm4b:s28+s4], $0x400, $0x38;
	[tilespmem:$0x10600] =	vst v63  }
0x6f: {  	s30 =	simm.s32 $0x5C00;
	s29 =	sadd.s32 s2, s29  }
0x70: {  	[tilespmem:s30], [sflag:$0x1] =	stream.linear.gather [hbm4b:s29+s4], $0x400, $0x38;
	[tilespmem:$0x10600] =	vst v63  }
0x71: {  	s28 =	sadd.s32 $0xF4280, s28;
	s31 =	simm.s32 $0x3C00  }
0x72: {  	[tilespmem:s31], [sflag:$0x1] =	stream.linear.gather [hbm4b:s28+s4], $0x400, $0x38;
	[tilespmem:$0x10600] =	vst v63  }
0x73: {  	s29 =	sadd.s32 $0xF4280, s29;
	s28 =	spop (v2sf)  }
0x74: {  	s30 =	simm.s32 $0x7C00;
	s28 =	sand.u32 $0xFFFFF80, s28;
	s31 =	spop (v2sf)  }
0x75: {  	[tilespmem:s30], [sflag:$0x1] =	stream.linear.gather [hbm4b:s29+s4], $0x400, $0x38;
	[tilespmem:$0x10600] =	vst v63  }
0x76: {  	s28 =	sadd.s32 s1, s28;
	s30 =	simm.s32 $0x2000;
	s29 =	sand.u32 $0xFFFFF80, s31  }
0x77: {  	[tilespmem:s30], [sflag:$0x1] =	stream.linear.gather [hbm4b:s28+s4], $0x400, $0x38;
	[tilespmem:$0x10600] =	vst v63  }
0x78: {  	s31 =	simm.s32 $0x6000;
	s29 =	sadd.s32 s2, s29  }
0x79: {  	[tilespmem:s31], [sflag:$0x1] =	stream.linear.gather [hbm4b:s29+s4], $0x400, $0x38;
	[tilespmem:$0x10600] =	vst v63  }
.Ltmp2:
0x7a: {  	s28 =	sadd.s32 $0xF4280, s28;
	s30 =	simm.s32 $0x4000;
	(pc) =	sbr.rel .LBB2_2-.Ltmp2, $4  }
0x7b: {  	[tilespmem:s30], [sflag:$0x1] =	stream.linear.gather [hbm4b:s28+s4], $0x400, $0x38;
	[tilespmem:$0x10600] =	vst v63  }
0x7c: {  	s31 =	simm.s32 $0x8000;
	s28 =	sadd.s32 $0xF4280, s29  }
0x7d: {  	[tilespmem:s31], [sflag:$0x1] =	stream.linear.gather [hbm4b:s28+s4], $0x400, $0x38;
	[tilespmem:$0x10600] =	vst v63  }
0x7e: {  	s28 =	simm.s32 $0x0  }
.LBB2_4:
0x7f: {  	_ =	swait.ge [sflag:s26], $0x4000  }
0x80: {  	[sflag:s26] =	ssyncset.done $0x0  }
0x81: {  	[sflag:s26] =	ssyncadd.s32 $0xFFFFC000  }
0x82: {  	_ =	swait.ge [sflag:s26], $0x4000  }
0x83: {  	[sflag:s26] =	ssyncset.done $0x0  }
0x84: {  	[sflag:s26] =	ssyncadd.s32 $0xFFFFC000  }
0x85: {  	v16 =	vld.idx.msk [tilespmem:v58+s17+$0x0], $0xffff  }
0x86: {  	v17 =	vld.idx.msk [tilespmem:v60+s18+$0x0], $0xffff  }
0x87: {  	v0 =	vld.idx.msk [tilespmem:v0+s17+$0x0], $0xffff  }
0x88: {  	v3 =	vld.idx.msk [tilespmem:v3+s18+$0x0], $0xffff  }
0x89: {  	v7 =	vld.idx.msk [tilespmem:v7+s17+$0x0], $0xffff  }
0x8a: {  	v10 =	vld.idx.msk [tilespmem:v10+s18+$0x0], $0xffff  }
0x8b: {  	v14 =	vld.idx.msk [tilespmem:v14+s17+$0x0], $0xffff  }
0x8c: {  	v2 =	vmul.f32 v9, v2;
	v9 =	vmul.f32 v15, v12;
	v11 =	vld.idx.msk [tilespmem:v11+s18+$0x0], $0xffff  }
0x8d: {  	v60 =	vld.idx.msk [tilespmem:v8+s17+$0x0], $0xffff  }
0x8e: {  	v5 =	vmul.f32 v13, v5;
	v2 =	vadd.f32 v9, v2;
	v4 =	vld.idx.msk [tilespmem:v4+s18+$0x0], $0xffff  }
0x8f: {  	v1 =	vld.idx.msk [tilespmem:v1+s17+$0x0], $0xffff;
	v58 =	vmul.f32 v17, v16;
	v0 =	vmul.f32 v3, v0  }
0x90: {  	v12 =	vmul.f32 v6, v62;
	v2 =	vadd.f32 v5, v2;
	v13 =	vld.idx.msk [tilespmem:v61+s18+$0x0], $0xffff  }
0x91: {  	v55 =	vld.idx.msk [tilespmem:v55+s18+$0x0], $0xffff;
	v7 =	vmul.f32 v10, v7;
	v0 =	vadd.f32 v0, v58  }
0x92: {  	v2 =	vadd.f32 v12, v2;
	v61 =	vld.idx.msk [tilespmem:v47+s18+$0x0], $0xffff  }
0x93: {  	v12 =	vmul.f32 v49, v44;
	v44 =	vld.idx.msk [tilespmem:v34+s17+$0x0], $0xffff;
	v15 =	vmul.f32 v11, v14;
	v0 =	vadd.f32 v7, v0  }
0x94: {  	v16 =	vld.idx.msk [tilespmem:v59+s17+$0x0], $0xffff  }
0x95: {  	v17 =	vmul.f32 v63, v56;
	v3 =	vmul.f32 v4, v60;
	v56 =	vld.idx.msk [tilespmem:v54+s17+$0x0], $0xffff;
	v0 =	vadd.f32 v15, v0  }
0x96: {  	v57 =	vmul.f32 v57, v52;
	v58 =	vld.idx.msk [tilespmem:v51+s18+$0x0], $0xffff  }
0x97: {  	v52 =	vld.idx.msk [tilespmem:v26+s17+$0x0], $0xffff;
	v1 =	vmul.f32 v13, v1;
	v2 =	vadd.f32 v17, v2;
	v0 =	vadd.f32 v3, v0  }
0x98: {  	v59 =	vld.idx.msk [tilespmem:v50+s17+$0x0], $0xffff;
	v60 =	vmul.f32 v53, v48  }
0x99: {  	v63 =	vld.idx.msk [tilespmem:v46+s17+$0x0], $0xffff;
	v2 =	vadd.f32 v57, v2;
	v62 =	vmul.f32 v55, v16;
	v0 =	vadd.f32 v1, v0  }
0x9a: {  	v13 =	vld.idx.msk [tilespmem:v43+s18+$0x0], $0xffff  }
0x9b: {  	v17 =	vld.idx.msk [tilespmem:v39+s18+$0x0], $0xffff;
	v2 =	vadd.f32 v60, v2;
	v14 =	vmul.f32 v58, v56;
	v0 =	vadd.f32 v62, v0  }
0x9c: {  	v16 =	vmul.f32 v45, v40;
	v15 =	vld.idx.msk [tilespmem:v42+s17+$0x0], $0xffff  }
0x9d: {  	v39 =	vmul.f32 v61, v59;
	v40 =	vld.idx.msk [tilespmem:v38+s17+$0x0], $0xffff;
	v2 =	vadd.f32 v12, v2;
	v0 =	vadd.f32 v14, v0  }
0x9e: {  	v41 =	vmul.f32 v41, v36;
	v42 =	vld.idx.msk [tilespmem:v35+s18+$0x0], $0xffff  }
0x9f: {  	v46 =	vld.idx.msk [tilespmem:v31+s18+$0x0], $0xffff;
	v43 =	vmul.f32 v13, v63;
	v2 =	vadd.f32 v16, v2;
	v0 =	vadd.f32 v39, v0  }
0xa0: {  	v48 =	vld.idx.msk [tilespmem:v30+s17+$0x0], $0xffff;
	v45 =	vmul.f32 v37, v32  }
0xa1: {  	v50 =	vld.idx.msk [tilespmem:v27+s18+$0x0], $0xffff;
	v47 =	vmul.f32 v17, v15;
	v2 =	vadd.f32 v41, v2;
	v0 =	vadd.f32 v43, v0  }
0xa2: {  	v49 =	vmul.f32 v33, v28;
	v54 =	vld.idx.msk [tilespmem:v23+s18+$0x0], $0xffff  }
0xa3: {  	v60 =	vld [tilespmem:$0x1FEE0];
	v51 =	vmul.f32 v42, v40;
	v2 =	vadd.f32 v45, v2;
	v0 =	vadd.f32 v47, v0  }
0xa4: {  	v53 =	vmul.f32 v29, v24;
	v56 =	vld.idx.msk [tilespmem:v22+s17+$0x0], $0xffff  }
0xa5: {  	v55 =	vmul.f32 v46, v44;
	v58 =	vld.idx.msk [tilespmem:v20+s18+$0x0], $0xffff;
	v2 =	vadd.f32 v49, v2;
	v0 =	vadd.f32 v51, v0  }
0xa6: {  	v57 =	vmul.f32 v25, v21;
	v62 =	vld [tilespmem:$0x1FEF0]  }
0xa7: {  	v59 =	vmul.f32 v50, v48;
	v2 =	vadd.f32 v53, v2;
	v0 =	vadd.f32 v55, v0  }
0xa8: {  	v61 =	vmul.f32 v54, v52  }
0xa9: {  	v4 =	vmul.f32 v19, v60;
	v2 =	vadd.f32 v57, v2;
	v0 =	vadd.f32 v59, v0  }
0xaa: {  	s28 =	sadd.s32 $0x40, s28;
	v63 =	vmul.f32 v58, v56  }
0xab: {  	p0 =	sne.s32 s28, $0x800;
	v3 =	vmul.f32 v18, v62;
	v2 =	vadd.f32 v4, v2;
	v0 =	vadd.f32 v61, v0  }
.Ltmp3:
0xac: {  	_ = 	snop;
	(pc) =	sbr.rel @!p0 .LBB2_5-.Ltmp3, $3  }
0xad: {  	v2 =	vadd.f32 v3, v2;
	v0 =	vadd.f32 v63, v0;
	_ =	sdelay $0x1  }
0xae: {  	v0 =	vsel vm0, v2, v0  }
0xaf: {  	[tilespmem:s29+$0x10400] =	vst v0  }
.LBB2_2:
0xb0: {  	s29 =	sshra.s32 s28, $0x2  }
0xb1: {  	v0 =	vld [tilespmem:s29+$0x0]  }
0xb2: {  	v1 =	vld [tilespmem:s29+$0x200];
	_ =	sdelay $0x3  }
0xb3: {  	(v2sf) =	vpush v0, $0x8  }
0xb4: {  	(v2sf) =	vpush v1, $0x8;
	_ =	sdelay $0x8  }
0xb5: {  	(v2sf) =	vpush v0, $0x9  }
0xb6: {  	(v2sf) =	vpush v1, $0x9;
	_ =	sdelay $0x3  }
0xb7: {  	s30 =	spop (v2sf)  }
0xb8: {  	s30 =	sand.u32 $0xFFFFF80, s30;
	s31 =	spop (v2sf)  }
0xb9: {  	s30 =	sadd.s32 s1, s30;
	s31 =	sand.u32 $0xFFFFF80, s31  }
0xba: {  	[tilespmem:s17], [sflag:$0x2] =	stream.linear.gather [hbm4b:s30+s4], $0x400, $0x38;
	[tilespmem:$0x10600] =	vst v63  }
0xbb: {  	s31 =	sadd.s32 s2, s31  }
0xbc: {  	(v2sf) =	vpush v0, $0xA;
	[tilespmem:s18], [sflag:$0x2] =	stream.linear.gather [hbm4b:s31+s4], $0x400, $0x38;
	[tilespmem:$0x10600] =	vst v63  }
0xbd: {  	s0 =	simm.s32 $0xA400;
	(v2sf) =	vpush v1, $0xA;
	s30 =	sadd.s32 $0xF4280, s30  }
0xbe: {  	[tilespmem:s0], [sflag:$0x2] =	stream.linear.gather [hbm4b:s30+s4], $0x400, $0x38;
	[tilespmem:$0x10600] =	vst v63  }
0xbf: {  	s0 =	sadd.s32 $0xF4280, s31;
	s31 =	simm.s32 $0xE400  }
0xc0: {  	[tilespmem:s31], [sflag:$0x2] =	stream.linear.gather [hbm4b:s0+s4], $0x400, $0x38;
	[tilespmem:$0x10600] =	vst v63  }
0xc1: {  	s31 =	spop (v2sf)  }
0xc2: {  	s30 =	sand.u32 $0xFFFFF80, s31;
	s31 =	spop (v2sf)  }
0xc3: {  	s0 =	simm.s32 $0x8800;
	s30 =	sadd.s32 s1, s30;
	s31 =	sand.u32 $0xFFFFF80, s31  }
0xc4: {  	[tilespmem:s0], [sflag:$0x2] =	stream.linear.gather [hbm4b:s30+s4], $0x400, $0x38;
	[tilespmem:$0x10600] =	vst v63  }
0xc5: {  	s31 =	sadd.s32 s2, s31;
	s0 =	simm.s32 $0xC800  }
0xc6: {  	(v2sf) =	vpush v0, $0xB;
	[tilespmem:s0], [sflag:$0x2] =	stream.linear.gather [hbm4b:s31+s4], $0x400, $0x38;
	[tilespmem:$0x10600] =	vst v63  }
0xc7: {  	(v2sf) =	vpush v1, $0xB;
	s30 =	sadd.s32 $0xF4280, s30;
	s0 =	simm.s32 $0xA800  }
0xc8: {  	[tilespmem:s0], [sflag:$0x2] =	stream.linear.gather [hbm4b:s30+s4], $0x400, $0x38;
	[tilespmem:$0x10600] =	vst v63  }
0xc9: {  	s0 =	sadd.s32 $0xF4280, s31;
	s31 =	simm.s32 $0xE800  }
0xca: {  	[tilespmem:s31], [sflag:$0x2] =	stream.linear.gather [hbm4b:s0+s4], $0x400, $0x38;
	[tilespmem:$0x10600] =	vst v63  }
0xcb: {  	s31 =	spop (v2sf)  }
0xcc: {  	s30 =	sand.u32 $0xFFFFF80, s31;
	s31 =	spop (v2sf)  }
0xcd: {  	s0 =	simm.s32 $0x8C00;
	s30 =	sadd.s32 s1, s30;
	s31 =	sand.u32 $0xFFFFF80, s31  }
0xce: {  	(v2sf) =	vpush v0, $0xC;
	[tilespmem:s0], [sflag:$0x2] =	stream.linear.gather [hbm4b:s30+s4], $0x400, $0x38;
	[tilespmem:$0x10600] =	vst v63  }
0xcf: {  	s31 =	sadd.s32 s2, s31;
	s0 =	simm.s32 $0xCC00  }
0xd0: {  	(v2sf) =	vpush v1, $0xC;
	[tilespmem:s0], [sflag:$0x2] =	stream.linear.gather [hbm4b:s31+s4], $0x400, $0x38;
	[tilespmem:$0x10600] =	vst v63  }
0xd1: {  	s30 =	sadd.s32 $0xF4280, s30;
	s0 =	simm.s32 $0xAC00  }
0xd2: {  	[tilespmem:s0], [sflag:$0x2] =	stream.linear.gather [hbm4b:s30+s4], $0x400, $0x38;
	[tilespmem:$0x10600] =	vst v63  }
0xd3: {  	s0 =	sadd.s32 $0xF4280, s31;
	s31 =	simm.s32 $0xEC00  }
0xd4: {  	[tilespmem:s31], [sflag:$0x2] =	stream.linear.gather [hbm4b:s0+s4], $0x400, $0x38;
	[tilespmem:$0x10600] =	vst v63  }
0xd5: {  	s31 =	spop (v2sf)  }
0xd6: {  	s30 =	sand.u32 $0xFFFFF80, s31;
	s31 =	spop (v2sf)  }
0xd7: {  	s0 =	simm.s32 $0x9000;
	(v2sf) =	vpush v0, $0xD;
	s30 =	sadd.s32 s1, s30;
	s31 =	sand.u32 $0xFFFFF80, s31  }
0xd8: {  	[tilespmem:s0], [sflag:$0x2] =	stream.linear.gather [hbm4b:s30+s4], $0x400, $0x38;
	[tilespmem:$0x10600] =	vst v63  }
0xd9: {  	(v2sf) =	vpush v1, $0xD;
	s31 =	sadd.s32 s2, s31;
	s0 =	simm.s32 $0xD000  }
0xda: {  	[tilespmem:s0], [sflag:$0x2] =	stream.linear.gather [hbm4b:s31+s4], $0x400, $0x38;
	[tilespmem:$0x10600] =	vst v63  }
0xdb: {  	s30 =	sadd.s32 $0xF4280, s30;
	s0 =	simm.s32 $0xB000  }
0xdc: {  	[tilespmem:s0], [sflag:$0x2] =	stream.linear.gather [hbm4b:s30+s4], $0x400, $0x38;
	[tilespmem:$0x10600] =	vst v63  }
0xdd: {  	s0 =	sadd.s32 $0xF4280, s31;
	s31 =	spop (v2sf)  }
0xde: {  	(v2sf) =	vpush v0, $0xE;
	[tilespmem:s3], [sflag:$0x2] =	stream.linear.gather [hbm4b:s0+s4], $0x400, $0x38;
	[tilespmem:$0x10600] =	vst v63  }
0xdf: {  	s30 =	sand.u32 $0xFFFFF80, s31;
	s0 =	spop (v2sf)  }
0xe0: {  	s30 =	sadd.s32 s1, s30;
	(v2sf) =	vpush v1, $0xE;
	s31 =	sand.u32 $0xFFFFF80, s0  }
0xe1: {  	[tilespmem:s10], [sflag:$0x2] =	stream.linear.gather [hbm4b:s30+s4], $0x400, $0x38;
	[tilespmem:$0x10600] =	vst v63  }
0xe2: {  	s31 =	sadd.s32 s2, s31  }
0xe3: {  	[tilespmem:s5], [sflag:$0x2] =	stream.linear.gather [hbm4b:s31+s4], $0x400, $0x38;
	[tilespmem:$0x10600] =	vst v63  }
0xe4: {  	s30 =	sadd.s32 $0xF4280, s30  }
0xe5: {  	[tilespmem:s6], [sflag:$0x2] =	stream.linear.gather [hbm4b:s30+s4], $0x400, $0x38;
	[tilespmem:$0x10600] =	vst v63  }
0xe6: {  	s0 =	sadd.s32 $0xF4280, s31;
	s31 =	spop (v2sf);
	(v2sf) =	vpush v0, $0xF  }
0xe7: {  	[tilespmem:s7], [sflag:$0x2] =	stream.linear.gather [hbm4b:s0+s4], $0x400, $0x38;
	[tilespmem:$0x10600] =	vst v63  }
0xe8: {  	s30 =	sand.u32 $0xFFFFF80, s31;
	s0 =	spop (v2sf);
	(v2sf) =	vpush v1, $0xF  }
0xe9: {  	s30 =	sadd.s32 s1, s30;
	s31 =	sand.u32 $0xFFFFF80, s0  }
0xea: {  	[tilespmem:s8], [sflag:$0x2] =	stream.linear.gather [hbm4b:s30+s4], $0x400, $0x38;
	[tilespmem:$0x10600] =	vst v63  }
0xeb: {  	s31 =	sadd.s32 s2, s31  }
0xec: {  	[tilespmem:s9], [sflag:$0x2] =	stream.linear.gather [hbm4b:s31+s4], $0x400, $0x38;
	[tilespmem:$0x10600] =	vst v63  }
0xed: {  	s30 =	sadd.s32 $0xF4280, s30;
	s0 =	spop (v2sf)  }
0xee: {  	[tilespmem:s13], [sflag:$0x2] =	stream.linear.gather [hbm4b:s30+s4], $0x400, $0x38;
	[tilespmem:$0x10600] =	vst v63  }
0xef: {  	s31 =	sadd.s32 $0xF4280, s31;
	s30 =	sand.u32 $0xFFFFF80, s0;
	s0 =	spop (v2sf)  }
0xf0: {  	[tilespmem:s14], [sflag:$0x2] =	stream.linear.gather [hbm4b:s31+s4], $0x400, $0x38;
	[tilespmem:$0x10600] =	vst v63  }
0xf1: {  	s30 =	sadd.s32 s1, s30;
	s31 =	sand.u32 $0xFFFFF80, s0  }
0xf2: {  	[tilespmem:s15], [sflag:$0x2] =	stream.linear.gather [hbm4b:s30+s4], $0x400, $0x38;
	[tilespmem:$0x10600] =	vst v63  }
0xf3: {  	s31 =	sadd.s32 s2, s31  }
0xf4: {  	[tilespmem:s16], [sflag:$0x2] =	stream.linear.gather [hbm4b:s31+s4], $0x400, $0x38;
	[tilespmem:$0x10600] =	vst v63  }
0xf5: {  	s30 =	sadd.s32 $0xF4280, s30;
	s0 =	spop (v2sf)  }
0xf6: {  	[tilespmem:s19], [sflag:$0x2] =	stream.linear.gather [hbm4b:s30+s4], $0x400, $0x38;
	[tilespmem:$0x10600] =	vst v63  }
0xf7: {  	s31 =	sadd.s32 $0xF4280, s31;
	s30 =	sand.u32 $0xFFFFF80, s0;
	s0 =	spop (v2sf)  }
0xf8: {  	[tilespmem:s20], [sflag:$0x2] =	stream.linear.gather [hbm4b:s31+s4], $0x400, $0x38;
	[tilespmem:$0x10600] =	vst v63  }
0xf9: {  	s30 =	sadd.s32 s1, s30;
	s31 =	sand.u32 $0xFFFFF80, s0  }
0xfa: {  	[tilespmem:s21], [sflag:$0x2] =	stream.linear.gather [hbm4b:s30+s4], $0x400, $0x38;
	[tilespmem:$0x10600] =	vst v63  }
0xfb: {  	s31 =	sadd.s32 s2, s31  }
0xfc: {  	[tilespmem:s22], [sflag:$0x2] =	stream.linear.gather [hbm4b:s31+s4], $0x400, $0x38;
	[tilespmem:$0x10600] =	vst v63  }
0xfd: {  	s30 =	sadd.s32 $0xF4280, s30  }
0xfe: {  	[tilespmem:s23], [sflag:$0x2] =	stream.linear.gather [hbm4b:s30+s4], $0x400, $0x38;
	[tilespmem:$0x10600] =	vst v63  }
0xff: {  	s31 =	sadd.s32 $0xF4280, s31  }
0x100: {  	[tilespmem:s24], [sflag:$0x2] =	stream.linear.gather [hbm4b:s31+s4], $0x400, $0x38;
	[tilespmem:$0x10600] =	vst v63  }
0x101: {  	_ =	swait.ge [sflag:s25], $0x4000  }
0x102: {  	[sflag:s25] =	ssyncset.done $0x0  }
0x103: {  	[sflag:s25] =	ssyncadd.s32 $0xFFFFC000  }
0x104: {  	v16 =	vand.u32 $0x7F, v0;
	v0 =	vld [tilespmem:$0x1FFE0];
	_ =	swait.ge [sflag:s25], $0x4000  }
0x105: {  	v18 =	vld [tilespmem:$0x1FF50];
	_ =	sdelay $0x3  }
0x106: {  	v17 =	vand.u32 $0x7F, v1  }
0x107: {  	v59 =	vor.u32 v18, v16;
	v55 =	vor.u32 v18, v17;
	v18 =	vld [tilespmem:$0x1FF60];
	_ =	sdelay $0x4  }
0x108: {  	v54 =	vor.u32 v18, v16;
	v51 =	vor.u32 v18, v17;
	v18 =	vld [tilespmem:$0x1FF70];
	_ =	sdelay $0x3  }
0x109: {  	v1 =	vld [tilespmem:$0x1FF00]  }
0x10a: {  	v50 =	vor.u32 v18, v16;
	v47 =	vor.u32 v18, v17;
	v18 =	vld [tilespmem:$0x1FF80];
	_ =	sdelay $0x1  }
0x10b: {  	v58 =	vor.u32 v0, v16  }
0x10c: {  	v6 =	vld [tilespmem:$0x1FF40];
	v60 =	vor.u32 v0, v17  }
0x10d: {  	v0 =	vor.u32 v1, v16;
	v3 =	vor.u32 v1, v17;
	v1 =	vld [tilespmem:$0x1FF10]  }
0x10e: {  	[sflag:s25] =	ssyncset.done $0x0;
	v46 =	vor.u32 v18, v16;
	v43 =	vor.u32 v18, v17;
	v18 =	vld [tilespmem:$0x1FF90]  }
0x10f: {  	[sflag:s25] =	ssyncadd.s32 $0xFFFFC000  }
0x110: {  	v2 =	vld.idx.msk [tilespmem:v58+s11+$0x0], $0xffff  }
0x111: {  	v61 =	vor.u32 v6, v17;
	v9 =	vld.idx.msk [tilespmem:v60+s12+$0x0], $0xffff  }
0x112: {  	v7 =	vor.u32 v1, v16;
	v10 =	vor.u32 v1, v17;
	v1 =	vld [tilespmem:$0x1FF20]  }
0x113: {  	v42 =	vor.u32 v18, v16;
	v39 =	vor.u32 v18, v17;
	v18 =	vld [tilespmem:$0x1FFA0]  }
0x114: {  	v12 =	vld.idx.msk [tilespmem:v0+s11+$0x0], $0xffff  }
0x115: {  	v15 =	vld.idx.msk [tilespmem:v3+s12+$0x0], $0xffff  }
0x116: {  	v57 =	vld.idx.msk [tilespmem:v61+s12+$0x0], $0xffff  }
0x117: {  	v48 =	vld.idx.msk [tilespmem:v59+s11+$0x0], $0xffff  }
0x118: {  	v38 =	vor.u32 v18, v16;
	v35 =	vor.u32 v18, v17;
	v18 =	vld [tilespmem:$0x1FFB0]  }
0x119: {  	v53 =	vld.idx.msk [tilespmem:v55+s12+$0x0], $0xffff  }
0x11a: {  	v14 =	vor.u32 v1, v16;
	v11 =	vor.u32 v1, v17;
	v1 =	vld [tilespmem:$0x1FF30]  }
0x11b: {  	v5 =	vld.idx.msk [tilespmem:v7+s11+$0x0], $0xffff  }
0x11c: {  	v13 =	vld.idx.msk [tilespmem:v10+s12+$0x0], $0xffff  }
0x11d: {  	v34 =	vor.u32 v18, v16;
	v31 =	vor.u32 v18, v17;
	v18 =	vld [tilespmem:$0x1FFC0]  }
0x11e: {  	v44 =	vld.idx.msk [tilespmem:v54+s11+$0x0], $0xffff  }
0x11f: {  	v49 =	vld.idx.msk [tilespmem:v51+s12+$0x0], $0xffff  }
0x120: {  	v8 =	vor.u32 v1, v16;
	v62 =	vld.idx.msk [tilespmem:v14+s11+$0x0], $0xffff  }
0x121: {  	v4 =	vor.u32 v1, v17;
	v1 =	vor.u32 v6, v16;
	v6 =	vld.idx.msk [tilespmem:v11+s12+$0x0], $0xffff  }
0x122: {  	v30 =	vor.u32 v18, v16;
	v27 =	vor.u32 v18, v17;
	v18 =	vld [tilespmem:$0x1FFD0]  }
0x123: {  	v40 =	vld.idx.msk [tilespmem:v50+s11+$0x0], $0xffff  }
0x124: {  	v45 =	vld.idx.msk [tilespmem:v47+s12+$0x0], $0xffff  }
0x125: {  	v56 =	vld.idx.msk [tilespmem:v8+s11+$0x0], $0xffff  }
0x126: {  	v63 =	vld.idx.msk [tilespmem:v4+s12+$0x0], $0xffff  }
0x127: {  	v26 =	vor.u32 v18, v16;
	v23 =	vor.u32 v18, v17;
	v18 =	vld [tilespmem:$0x1FFF0]  }
0x128: {  	v52 =	vld.idx.msk [tilespmem:v1+s11+$0x0], $0xffff  }
0x129: {  	v36 =	vld.idx.msk [tilespmem:v46+s11+$0x0], $0xffff  }
0x12a: {  	v41 =	vld.idx.msk [tilespmem:v43+s12+$0x0], $0xffff  }
0x12b: {  	v32 =	vld.idx.msk [tilespmem:v42+s11+$0x0], $0xffff  }
0x12c: {  	v22 =	vor.u32 v18, v16;
	v16 =	vld.idx.msk [tilespmem:v26+s11+$0x0], $0xffff  }
0x12d: {  	v37 =	vld.idx.msk [tilespmem:v39+s12+$0x0], $0xffff  }
0x12e: {  	v28 =	vld.idx.msk [tilespmem:v38+s11+$0x0], $0xffff  }
0x12f: {  	v33 =	vld.idx.msk [tilespmem:v35+s12+$0x0], $0xffff  }
0x130: {  	v24 =	vld.idx.msk [tilespmem:v34+s11+$0x0], $0xffff  }
0x131: {  	p0 =	seq.s32 s28, $0x7C0;
	v20 =	vor.u32 v18, v17;
	[tilespmem:$0x1FEE0] =	vst v16;
	v16 =	vld.idx.msk [tilespmem:v22+s11+$0x0], $0xffff  }
.Ltmp4:
0x132: {  	v29 =	vld.idx.msk [tilespmem:v31+s12+$0x0], $0xffff;
	(pc) =	sbr.rel @p0 .LBB2_4-.Ltmp4, $4  }
0x133: {  	v21 =	vld.idx.msk [tilespmem:v30+s11+$0x0], $0xffff  }
0x134: {  	v25 =	vld.idx.msk [tilespmem:v27+s12+$0x0], $0xffff  }
0x135: {  	v19 =	vld.idx.msk [tilespmem:v23+s12+$0x0], $0xffff  }
0x136: {  	v18 =	vld.idx.msk [tilespmem:v20+s12+$0x0], $0xffff;
	[tilespmem:$0x1FEF0] =	vst v16  }
0x137: {  	v16 =	vld [tilespmem:s29+$0x10]  }
0x138: {  	v17 =	vld [tilespmem:s29+$0x210];
	_ =	sdelay $0x3  }
0x139: {  	(v2sf) =	vpush v16, $0x0  }
0x13a: {  	(v2sf) =	vpush v17, $0x0;
	_ =	sdelay $0x8  }
0x13b: {  	(v2sf) =	vpush v16, $0x1  }
0x13c: {  	(v2sf) =	vpush v17, $0x1;
	_ =	sdelay $0x3  }
0x13d: {  	s30 =	spop (v2sf)  }
0x13e: {  	s30 =	sand.u32 $0xFFFFF80, s30;
	s31 =	spop (v2sf)  }
0x13f: {  	s30 =	sadd.s32 s1, s30;
	s31 =	sand.u32 $0xFFFFF80, s31  }
0x140: {  	[tilespmem:s11], [sflag:$0x1] =	stream.linear.gather [hbm4b:s30+s4], $0x400, $0x38;
	[tilespmem:$0x10600] =	vst v63  }
0x141: {  	s31 =	sadd.s32 s2, s31  }
0x142: {  	(v2sf) =	vpush v16, $0x2;
	[tilespmem:s12], [sflag:$0x1] =	stream.linear.gather [hbm4b:s31+s4], $0x400, $0x38;
	[tilespmem:$0x10600] =	vst v63  }
0x143: {  	s0 =	simm.s32 $0x2400;
	(v2sf) =	vpush v17, $0x2;
	s30 =	sadd.s32 $0xF4280, s30  }
0x144: {  	[tilespmem:s0], [sflag:$0x1] =	stream.linear.gather [hbm4b:s30+s4], $0x400, $0x38;
	[tilespmem:$0x10600] =	vst v63  }
0x145: {  	s0 =	sadd.s32 $0xF4280, s31;
	s31 =	simm.s32 $0x6400  }
0x146: {  	[tilespmem:s31], [sflag:$0x1] =	stream.linear.gather [hbm4b:s0+s4], $0x400, $0x38;
	[tilespmem:$0x10600] =	vst v63  }
0x147: {  	s31 =	spop (v2sf)  }
0x148: {  	s30 =	sand.u32 $0xFFFFF80, s31;
	s31 =	spop (v2sf)  }
0x149: {  	s0 =	simm.s32 $0x800;
	s30 =	sadd.s32 s1, s30;
	s31 =	sand.u32 $0xFFFFF80, s31  }
0x14a: {  	[tilespmem:s0], [sflag:$0x1] =	stream.linear.gather [hbm4b:s30+s4], $0x400, $0x38;
	[tilespmem:$0x10600] =	vst v63  }
0x14b: {  	s31 =	sadd.s32 s2, s31;
	s0 =	simm.s32 $0x4800  }
0x14c: {  	(v2sf) =	vpush v16, $0x3;
	[tilespmem:s0], [sflag:$0x1] =	stream.linear.gather [hbm4b:s31+s4], $0x400, $0x38;
	[tilespmem:$0x10600] =	vst v63  }
0x14d: {  	(v2sf) =	vpush v17, $0x3;
	s30 =	sadd.s32 $0xF4280, s30;
	s0 =	simm.s32 $0x2800  }
0x14e: {  	[tilespmem:s0], [sflag:$0x1] =	stream.linear.gather [hbm4b:s30+s4], $0x400, $0x38;
	[tilespmem:$0x10600] =	vst v63  }
0x14f: {  	s0 =	sadd.s32 $0xF4280, s31;
	s31 =	simm.s32 $0x6800  }
0x150: {  	[tilespmem:s31], [sflag:$0x1] =	stream.linear.gather [hbm4b:s0+s4], $0x400, $0x38;
	[tilespmem:$0x10600] =	vst v63  }
0x151: {  	s31 =	spop (v2sf)  }
0x152: {  	s30 =	sand.u32 $0xFFFFF80, s31;
	s31 =	spop (v2sf)  }
0x153: {  	s0 =	simm.s32 $0xC00;
	s30 =	sadd.s32 s1, s30;
	s31 =	sand.u32 $0xFFFFF80, s31  }
0x154: {  	[tilespmem:s0], [sflag:$0x1] =	stream.linear.gather [hbm4b:s30+s4], $0x400, $0x38;
	[tilespmem:$0x10600] =	vst v63  }
0x155: {  	s31 =	sadd.s32 s2, s31;
	s0 =	simm.s32 $0x4C00  }
0x156: {  	(v2sf) =	vpush v16, $0x4;
	[tilespmem:s0], [sflag:$0x1] =	stream.linear.gather [hbm4b:s31+s4], $0x400, $0x38;
	[tilespmem:$0x10600] =	vst v63  }
0x157: {  	(v2sf) =	vpush v17, $0x4;
	s30 =	sadd.s32 $0xF4280, s30;
	s0 =	simm.s32 $0x2C00  }
0x158: {  	[tilespmem:s0], [sflag:$0x1] =	stream.linear.gather [hbm4b:s30+s4], $0x400, $0x38;
	[tilespmem:$0x10600] =	vst v63  }
0x159: {  	s0 =	sadd.s32 $0xF4280, s31;
	s31 =	simm.s32 $0x6C00  }
0x15a: {  	[tilespmem:s31], [sflag:$0x1] =	stream.linear.gather [hbm4b:s0+s4], $0x400, $0x38;
	[tilespmem:$0x10600] =	vst v63  }
0x15b: {  	s31 =	spop (v2sf)  }
0x15c: {  	s30 =	sand.u32 $0xFFFFF80, s31;
	s31 =	spop (v2sf)  }
0x15d: {  	s0 =	simm.s32 $0x1000;
	s30 =	sadd.s32 s1, s30;
	s31 =	sand.u32 $0xFFFFF80, s31  }
0x15e: {  	[tilespmem:s0], [sflag:$0x1] =	stream.linear.gather [hbm4b:s30+s4], $0x400, $0x38;
	[tilespmem:$0x10600] =	vst v63  }
0x15f: {  	s31 =	sadd.s32 s2, s31;
	s0 =	simm.s32 $0x5000  }
0x160: {  	(v2sf) =	vpush v16, $0x5;
	[tilespmem:s0], [sflag:$0x1] =	stream.linear.gather [hbm4b:s31+s4], $0x400, $0x38;
	[tilespmem:$0x10600] =	vst v63  }
0x161: {  	(v2sf) =	vpush v17, $0x5;
	s30 =	sadd.s32 $0xF4280, s30;
	s0 =	simm.s32 $0x3000  }
0x162: {  	[tilespmem:s0], [sflag:$0x1] =	stream.linear.gather [hbm4b:s30+s4], $0x400, $0x38;
	[tilespmem:$0x10600] =	vst v63  }
0x163: {  	s0 =	sadd.s32 $0xF4280, s31;
	s31 =	simm.s32 $0x7000  }
0x164: {  	[tilespmem:s31], [sflag:$0x1] =	stream.linear.gather [hbm4b:s0+s4], $0x400, $0x38;
	[tilespmem:$0x10600] =	vst v63  }
0x165: {  	s31 =	spop (v2sf)  }
0x166: {  	s30 =	sand.u32 $0xFFFFF80, s31;
	s31 =	spop (v2sf)  }
0x167: {  	s0 =	simm.s32 $0x1400;
	s30 =	sadd.s32 s1, s30;
	s31 =	sand.u32 $0xFFFFF80, s31  }
0x168: {  	(v2sf) =	vpush v16, $0x6;
	[tilespmem:s0], [sflag:$0x1] =	stream.linear.gather [hbm4b:s30+s4], $0x400, $0x38;
	[tilespmem:$0x10600] =	vst v63  }
0x169: {  	s31 =	sadd.s32 s2, s31;
	s0 =	simm.s32 $0x5400  }
0x16a: {  	(v2sf) =	vpush v17, $0x6;
	[tilespmem:s0], [sflag:$0x1] =	stream.linear.gather [hbm4b:s31+s4], $0x400, $0x38;
	[tilespmem:$0x10600] =	vst v63  }
0x16b: {  	s30 =	sadd.s32 $0xF4280, s30;
	s0 =	simm.s32 $0x3400  }
0x16c: {  	[tilespmem:s0], [sflag:$0x1] =	stream.linear.gather [hbm4b:s30+s4], $0x400, $0x38;
	[tilespmem:$0x10600] =	vst v63  }
0x16d: {  	s0 =	sadd.s32 $0xF4280, s31;
	s31 =	simm.s32 $0x7400  }
0x16e: {  	[tilespmem:s31], [sflag:$0x1] =	stream.linear.gather [hbm4b:s0+s4], $0x400, $0x38;
	[tilespmem:$0x10600] =	vst v63  }
0x16f: {  	s31 =	spop (v2sf)  }
0x170: {  	s30 =	sand.u32 $0xFFFFF80, s31;
	s31 =	spop (v2sf)  }
0x171: {  	s0 =	simm.s32 $0x1800;
	(v2sf) =	vpush v16, $0x7;
	s30 =	sadd.s32 s1, s30;
	s31 =	sand.u32 $0xFFFFF80, s31  }
0x172: {  	[tilespmem:s0], [sflag:$0x1] =	stream.linear.gather [hbm4b:s30+s4], $0x400, $0x38;
	[tilespmem:$0x10600] =	vst v63  }
0x173: {  	(v2sf) =	vpush v17, $0x7;
	s31 =	sadd.s32 s2, s31;
	s0 =	simm.s32 $0x5800  }
0x174: {  	[tilespmem:s0], [sflag:$0x1] =	stream.linear.gather [hbm4b:s31+s4], $0x400, $0x38;
	[tilespmem:$0x10600] =	vst v63  }
0x175: {  	s30 =	sadd.s32 $0xF4280, s30;
	s0 =	simm.s32 $0x3800  }
0x176: {  	[tilespmem:s0], [sflag:$0x1] =	stream.linear.gather [hbm4b:s30+s4], $0x400, $0x38;
	[tilespmem:$0x10600] =	vst v63  }
0x177: {  	s31 =	sadd.s32 $0xF4280, s31;
	s30 =	spop (v2sf);
	s0 =	simm.s32 $0x7800  }
0x178: {  	[tilespmem:s0], [sflag:$0x1] =	stream.linear.gather [hbm4b:s31+s4], $0x400, $0x38;
	[tilespmem:$0x10600] =	vst v63  }
0x179: {  	s30 =	sand.u32 $0xFFFFF80, s30;
	s31 =	spop (v2sf)  }
0x17a: {  	s30 =	sadd.s32 s1, s30;
	s0 =	simm.s32 $0x1C00;
	s31 =	sand.u32 $0xFFFFF80, s31  }
0x17b: {  	[tilespmem:s0], [sflag:$0x1] =	stream.linear.gather [hbm4b:s30+s4], $0x400, $0x38;
	[tilespmem:$0x10600] =	vst v63  }
0x17c: {  	s31 =	sadd.s32 s2, s31;
	s0 =	simm.s32 $0x5C00  }
0x17d: {  	[tilespmem:s0], [sflag:$0x1] =	stream.linear.gather [hbm4b:s31+s4], $0x400, $0x38;
	[tilespmem:$0x10600] =	vst v63  }
0x17e: {  	s30 =	sadd.s32 $0xF4280, s30;
	s0 =	simm.s32 $0x3C00  }
0x17f: {  	[tilespmem:s0], [sflag:$0x1] =	stream.linear.gather [hbm4b:s30+s4], $0x400, $0x38;
	[tilespmem:$0x10600] =	vst v63  }
0x180: {  	s31 =	sadd.s32 $0xF4280, s31;
	s30 =	spop (v2sf);
	s0 =	simm.s32 $0x7C00  }
0x181: {  	[tilespmem:s0], [sflag:$0x1] =	stream.linear.gather [hbm4b:s31+s4], $0x400, $0x38;
	[tilespmem:$0x10600] =	vst v63  }
0x182: {  	s30 =	sand.u32 $0xFFFFF80, s30;
	s31 =	spop (v2sf)  }
0x183: {  	s30 =	sadd.s32 s1, s30;
	s0 =	simm.s32 $0x2000;
	s31 =	sand.u32 $0xFFFFF80, s31  }
0x184: {  	[tilespmem:s0], [sflag:$0x1] =	stream.linear.gather [hbm4b:s30+s4], $0x400, $0x38;
	[tilespmem:$0x10600] =	vst v63  }
0x185: {  	s31 =	sadd.s32 s2, s31;
	s0 =	simm.s32 $0x6000  }
0x186: {  	[tilespmem:s0], [sflag:$0x1] =	stream.linear.gather [hbm4b:s31+s4], $0x400, $0x38;
	[tilespmem:$0x10600] =	vst v63  }
.Ltmp5:
0x187: {  	_ = 	snop;
	(pc) =	sbr.rel .LBB2_4-.Ltmp5, $4  }
0x188: {  	s30 =	sadd.s32 $0xF4280, s30;
	s0 =	simm.s32 $0x4000  }
0x189: {  	[tilespmem:s0], [sflag:$0x1] =	stream.linear.gather [hbm4b:s30+s4], $0x400, $0x38;
	[tilespmem:$0x10600] =	vst v63  }
0x18a: {  	s0 =	sadd.s32 $0xF4280, s31;
	s31 =	simm.s32 $0x8000  }
0x18b: {  	[tilespmem:s31], [sflag:$0x1] =	stream.linear.gather [hbm4b:s0+s4], $0x400, $0x38;
	[tilespmem:$0x10600] =	vst v63  }
.LBB2_6:
0x18c: {  	_ =	sfence.sel $0x180000  }
0x18d: {  	[bflag:$0x0] =	sbarrier.arrive $0xFFFF  }
0x18e: {  	_ =	strace $0x90000047  }
0x18f: {  	s0 =	stileid.u32;
	[bflag:$0x2] =	sbarrier.arrive $0xFFFF  }
0x190: {  	p0 =	sne.s32 s0, $0x0;
	s0 =	rddreg [dreg:$0x5]  }
0x191: {  	s0 =	sadd.s32 @!p0 $0x100000, s0  }
0x192: {  	[sflag:s0] =	ssyncadd.tile.s32 @!p0 $0x1;
	_ =	shalt  }
.Lfunc_end2:
_tile_overlayer_lowered:
.L_overlay_start_2:
0x193: {  	(tag) =	ssettag $0x2  }
0x194: {  	s0 =	rddreg [dreg:$0x0];
	s2 =	stileid.u32  }
0x195: {  	s1 =	rddreg [dreg:$0x1];
	p0 =	sne.s32 s2, $0x0  }
0x196: {  	s3 =	rddreg [dreg:$0x2];
	[bflag:$0x3] =	sbarrier.arrive $0xFFFF;
	s2 =	simm.s32 @!p0 $0x1C03  }
0x197: {  	[timem:s3], [sflag:s2] =	dma.local @!p0 [hbm:s0], s1  }
0x198: {  	s0 =	simm.s32 @!p0 $0x3  }
0x199: {  	_ =	swait.ge @!p0 [sflag:s0], s1  }
0x19a: {  	s1 =	ssub.s32 @!p0 $0x0, s1;
	[sflag:s0] =	ssyncset.done @!p0 $0x0  }
0x19b: {  	[sflag:s0] =	ssyncadd.s32 @!p0 s1  }
0x19c: {  	[bflag:$0x3] =	sbarrier.arrive $0xFFFF  }
0x19d: {  	_ =	shalt  }

</sc_bundles>
